<compile_context>
chip_gen: v7x
topology: tpu7x:2x2x1
jax: 0.10.2.dev20260603
libtpu: 0.0.44.dev20260713+nightly
codegen_flags: <defaults>
</compile_context>

<pallas_src>
import functools

import jax
import jax.numpy as jnp
from jax import lax
from jax.experimental import pallas as pl
from jax.experimental.pallas import tpu as pltpu
from jax.experimental.pallas import tpu_sc as plsc

WORD_DIM = 64
DIST_DIM = 32
OUT_DIM = WORD_DIM + 2 * DIST_DIM
NVOC = 1000
BLK = 400


@functools.lru_cache(maxsize=None)
def _make_sc_kernel(N: int):
    info = plsc.get_sparse_core_info()
    NC, NS = info.num_cores, info.num_subcores
    NW = NC * NS
    assert N % (NW * 2 * BLK) == 0
    chunk = N // NW
    nblk = chunk // BLK
    mesh = plsc.VectorSubcoreMesh(core_axis_name="c", subcore_axis_name="s")

    buf_types = []
    for _ in range(2):
        buf_types += [
            pltpu.VMEM((BLK, WORD_DIM), jnp.float32),
            pltpu.VMEM((BLK, DIST_DIM), jnp.float32),
            pltpu.VMEM((BLK, DIST_DIM), jnp.float32),
            pltpu.VMEM((BLK,), jnp.int32),
            pltpu.VMEM((BLK,), jnp.int32),
            pltpu.SemaphoreType.DMA,
            pltpu.SemaphoreType.DMA,
            pltpu.SemaphoreType.DMA,
        ]

    @functools.partial(
        pl.kernel,
        mesh=mesh,
        out_type=jax.ShapeDtypeStruct((N, OUT_DIM), jnp.float32),
        compiler_params=pltpu.CompilerParams(use_tc_tiling_on_sc=False),
        scratch_types=[
            pltpu.VMEM((chunk,), jnp.int32),
            pltpu.VMEM_SHARED((2 * NVOC, DIST_DIM), jnp.float32),
        ] + buf_types,
    )
    def k(widx_hbm, eidx_hbm, nidx_hbm, wtab, etab, ntab, out_hbm,
          widx_v, entnum_sh, *bufs):
        sets = [bufs[8 * d:8 * d + 8] for d in range(2)]
        cid = lax.axis_index("c")
        sid = lax.axis_index("s")
        wid = sid * NC + cid
        base = wid * chunk

        @pl.when(sid == 0)
        def _():
            pltpu.sync_copy(etab, entnum_sh.at[pl.ds(0, NVOC)])
            pltpu.sync_copy(ntab, entnum_sh.at[pl.ds(NVOC, NVOC)])

        pltpu.sync_copy(widx_hbm.at[pl.ds(base, chunk)], widx_v)
        plsc.subcore_barrier()

        def fire_hbm(b, s):
            wbuf, _, _, eidx, nidx, gsem, _, _ = s
            off = b * BLK
            pltpu.async_copy(wtab.at[widx_v.at[pl.ds(off, BLK)]], wbuf, gsem)
            pltpu.async_copy(eidx_hbm.at[pl.ds(base + off, BLK)], eidx, gsem)
            pltpu.async_copy(nidx_hbm.at[pl.ds(base + off, BLK)], nidx, gsem)

        def wait_hbm(b, s):
            wbuf, _, _, eidx, nidx, gsem, _, _ = s
            off = b * BLK
            pltpu.make_async_copy(wtab.at[widx_v.at[pl.ds(off, BLK)]], wbuf, gsem).wait()
            pltpu.make_async_copy(eidx_hbm.at[pl.ds(base + off, BLK)], eidx, gsem).wait()
            pltpu.make_async_copy(nidx_hbm.at[pl.ds(base + off, BLK)], nidx, gsem).wait()

        def process(b, s):
            wbuf, ebuf, nbuf, eidx, nidx, _, ssem, wsem = s
            wait_hbm(b, s)
            ce = pltpu.async_copy(entnum_sh.at[eidx], ebuf, ssem)
            cn = pltpu.async_copy(entnum_sh.at[nidx], nbuf, ssem)
            ce.wait()
            cn.wait()
            row = base + b * BLK
            pltpu.async_copy(
                wbuf, out_hbm.at[pl.ds(row, BLK), pl.ds(0, WORD_DIM)], wsem)
            pltpu.async_copy(
                ebuf, out_hbm.at[pl.ds(row, BLK), pl.ds(WORD_DIM, DIST_DIM)], wsem)
            pltpu.async_copy(
                nbuf, out_hbm.at[pl.ds(row, BLK), pl.ds(WORD_DIM + DIST_DIM, DIST_DIM)], wsem)

        def drain_writes(b, s):
            wbuf, ebuf, nbuf, _, _, _, _, wsem = s
            row = base + b * BLK
            pltpu.make_async_copy(
                wbuf, out_hbm.at[pl.ds(row, BLK), pl.ds(0, WORD_DIM)], wsem).wait()
            pltpu.make_async_copy(
                ebuf, out_hbm.at[pl.ds(row, BLK), pl.ds(WORD_DIM, DIST_DIM)], wsem).wait()
            pltpu.make_async_copy(
                nbuf, out_hbm.at[pl.ds(row, BLK), pl.ds(WORD_DIM + DIST_DIM, DIST_DIM)], wsem).wait()

        for b in range(nblk + 1):
            if b < nblk:
                if b >= 2:
                    drain_writes(b - 2, sets[b % 2])
                fire_hbm(b, sets[b % 2])
            if b >= 1:
                process(b - 1, sets[(b - 1) % 2])
        drain_writes(nblk - 2, sets[nblk % 2])
        drain_writes(nblk - 1, sets[(nblk - 1) % 2])

    return k


def kernel(sents, entdists, numdists, word_table, ent_table, num_table):
    B, L = sents.shape
    N = B * L
    widx = sents.reshape(N).astype(jnp.int32)
    eidx = entdists.reshape(N).astype(jnp.int32)
    nidx = numdists.reshape(N).astype(jnp.int32) + NVOC
    out = _make_sc_kernel(N)(widx, eidx, nidx, word_table, ent_table, num_table)
    return out.reshape(B, L, OUT_DIM)

# --- scband reference (transcript-rebuilt; emitter-appended) ---
"""Pipeline reference for scband-extractor-65206193488153 (READ-ONLY COPY).

The authoritative reference and input builder live on the scoring server;
editing this copy changes nothing except your own understanding.
"""

import jax, jax.numpy as jnp
import numpy as np

WORD_VOCAB = 100000
ENT_VOCAB = 1000
NUM_VOCAB = 1000
WORD_DIM = 64
DIST_DIM = 32
B, L = 4096, 50


def setup_inputs(seed: int = 0) -> dict:
    key = jax.random.key(seed)
    k1, k2, k3, k4, k5, k6 = jax.random.split(key, 6)
    sents = jax.random.randint(k1, (B, L), 0, WORD_VOCAB, dtype=jnp.int64 if jax.config.jax_enable_x64 else jnp.int32)
    entdists = jax.random.randint(k2, (B, L), 0, ENT_VOCAB, dtype=jnp.int64 if jax.config.jax_enable_x64 else jnp.int32)
    numdists = jax.random.randint(k3, (B, L), 0, NUM_VOCAB, dtype=jnp.int64 if jax.config.jax_enable_x64 else jnp.int32)
    word_table = jax.random.normal(k4, (WORD_VOCAB, WORD_DIM), dtype=jnp.float32)
    ent_table = jax.random.normal(k5, (ENT_VOCAB, DIST_DIM), dtype=jnp.float32)
    num_table = jax.random.normal(k6, (NUM_VOCAB, DIST_DIM), dtype=jnp.float32)
    return {
        "sents": sents,
        "entdists": entdists,
        "numdists": numdists,
        "word_table": word_table,
        "ent_table": ent_table,
        "num_table": num_table,
    }


def reference(sents, entdists, numdists, word_table, ent_table, num_table):
    # Extractor base forward: three embedding lookups, concatenated per token
    emb_w = jnp.take(word_table, sents, axis=0)      # [B, L, WORD_DIM]
    emb_e = jnp.take(ent_table, entdists, axis=0)    # [B, L, DIST_DIM]
    emb_n = jnp.take(num_table, numdists, axis=0)    # [B, L, DIST_DIM]
    return jnp.concatenate([emb_w, emb_e, emb_n], axis=-1)  # [B, L, WORD_DIM + 2*DIST_DIM]

if __name__ == "__main__":
    import jax
    _d = setup_inputs()
    print(jax.jit(kernel)(*tuple(_d.values())))

</pallas_src>

<mosaic_0001>
#map = affine_map<(d0, d1) -> (0)>
#map1 = affine_map<(d0, d1) -> (0, 0)>
module attributes {stable_mosaic.version = 14 : i64} {
  func.func @k(%arg0: i32, %arg1: i32, %arg2: memref<204800xi32, #tpu.memory_space<hbm>>, %arg3: memref<204800xi32, #tpu.memory_space<hbm>>, %arg4: memref<204800xi32, #tpu.memory_space<hbm>>, %arg5: memref<100000x64xf32, #tpu.memory_space<hbm>>, %arg6: memref<1000x32xf32, #tpu.memory_space<hbm>>, %arg7: memref<1000x32xf32, #tpu.memory_space<hbm>>, %arg8: memref<204800x128xf32, #tpu.memory_space<hbm>>, %arg9: memref<6400xi32, #tpu.memory_space<vmem>>, %arg10: memref<2000x32xf32, #tpu.memory_space<vmem_shared>>, %arg11: memref<400x64xf32, #tpu.memory_space<vmem>>, %arg12: memref<400x32xf32, #tpu.memory_space<vmem>>, %arg13: memref<400x32xf32, #tpu.memory_space<vmem>>, %arg14: memref<400xi32, #tpu.memory_space<vmem>>, %arg15: memref<400xi32, #tpu.memory_space<vmem>>, %arg16: memref<!tpu.dma_semaphore, #tpu.memory_space<semaphore_mem>>, %arg17: memref<!tpu.dma_semaphore, #tpu.memory_space<semaphore_mem>>, %arg18: memref<!tpu.dma_semaphore, #tpu.memory_space<semaphore_mem>>, %arg19: memref<400x64xf32, #tpu.memory_space<vmem>>, %arg20: memref<400x32xf32, #tpu.memory_space<vmem>>, %arg21: memref<400x32xf32, #tpu.memory_space<vmem>>, %arg22: memref<400xi32, #tpu.memory_space<vmem>>, %arg23: memref<400xi32, #tpu.memory_space<vmem>>, %arg24: memref<!tpu.dma_semaphore, #tpu.memory_space<semaphore_mem>>, %arg25: memref<!tpu.dma_semaphore, #tpu.memory_space<semaphore_mem>>, %arg26: memref<!tpu.dma_semaphore, #tpu.memory_space<semaphore_mem>>) attributes {dimension_semantics = [#tpu.dimension_semantics<core_parallel>, #tpu.dimension_semantics<subcore_parallel>], iteration_bounds = array<i64: 2, 16>, scalar_prefetch = 0 : i64, scratch_operands = 18 : i64, tpu.core_type = #tpu.core_type<sc_vector_subcore>, window_params = [{transform_indices = #map}, {transform_indices = #map}, {transform_indices = #map}, {transform_indices = #map1}, {transform_indices = #map1}, {transform_indices = #map1}, {transform_indices = #map1}]} {
    %mul3A = arith.constant 2 : i32
    %mul3A_0 = arith.muli %arg1, %mul3A : i32
    %add3A = arith.addi %mul3A_0, %arg0 : i32
    %mul3A_1 = arith.constant 6400 : i32
    %mul3A_2 = arith.muli %add3A, %mul3A_1 : i32
    %eq3A = arith.constant 0 : i32
    %eq3A_3 = arith.cmpi eq, %arg1, %eq3A : i32
    %convert_element_type3A = arith.extui %eq3A_3 : i1 to i32
    %cond3A = arith.constant 0 : i32
    %cond3A_4 = arith.cmpi ne, %convert_element_type3A, %cond3A : i32
    scf.if %cond3A_4 {
      "tpu.region"() ({
        %run_scoped3A = tpu.sem_alloc : memref<!tpu.dma_semaphore, #tpu.memory_space<semaphore_mem>>
        %dma_start3A_1059 = arith.constant 0 : i32
        %dma_start3A_1060 = arith.constant 0 : i32
        %dma_start3A_1061 = tpu.memref_slice %arg10[%dma_start3A_1059, %dma_start3A_1060] : memref<2000x32xf32, #tpu.memory_space<vmem_shared>> -> memref<1000x32xf32, #tpu.memory_space<vmem_shared>>
        tpu.enqueue_dma source(%arg6 : memref<1000x32xf32, #tpu.memory_space<hbm>>) target(%dma_start3A_1061 : memref<1000x32xf32, #tpu.memory_space<vmem_shared>>) target_semaphore(%run_scoped3A : memref<!tpu.dma_semaphore, #tpu.memory_space<semaphore_mem>>)
        %dma_wait3A_1062 = arith.constant 0 : i32
        %dma_wait3A_1063 = arith.constant 0 : i32
        %dma_wait3A_1064 = tpu.memref_slice %arg10[%dma_wait3A_1062, %dma_wait3A_1063] : memref<2000x32xf32, #tpu.memory_space<vmem_shared>> -> memref<1000x32xf32, #tpu.memory_space<vmem_shared>>
        tpu.wait_dma2 semaphore(%run_scoped3A : memref<!tpu.dma_semaphore, #tpu.memory_space<semaphore_mem>>) src(%arg6 : memref<1000x32xf32, #tpu.memory_space<hbm>>) dst(%dma_wait3A_1064 : memref<1000x32xf32, #tpu.memory_space<vmem_shared>>)
        tpu.yield
      }) : () -> ()
      "tpu.region"() ({
        %run_scoped3A = tpu.sem_alloc : memref<!tpu.dma_semaphore, #tpu.memory_space<semaphore_mem>>
        %dma_start3A_1059 = arith.constant 1000 : i32
        %dma_start3A_1060 = arith.constant 0 : i32
        %dma_start3A_1061 = tpu.memref_slice %arg10[%dma_start3A_1059, %dma_start3A_1060] : memref<2000x32xf32, #tpu.memory_space<vmem_shared>> -> memref<1000x32xf32, #tpu.memory_space<vmem_shared>>
        tpu.enqueue_dma source(%arg7 : memref<1000x32xf32, #tpu.memory_space<hbm>>) target(%dma_start3A_1061 : memref<1000x32xf32, #tpu.memory_space<vmem_shared>>) target_semaphore(%run_scoped3A : memref<!tpu.dma_semaphore, #tpu.memory_space<semaphore_mem>>)
        %dma_wait3A_1062 = arith.constant 1000 : i32
        %dma_wait3A_1063 = arith.constant 0 : i32
        %dma_wait3A_1064 = tpu.memref_slice %arg10[%dma_wait3A_1062, %dma_wait3A_1063] : memref<2000x32xf32, #tpu.memory_space<vmem_shared>> -> memref<1000x32xf32, #tpu.memory_space<vmem_shared>>
        tpu.wait_dma2 semaphore(%run_scoped3A : memref<!tpu.dma_semaphore, #tpu.memory_space<semaphore_mem>>) src(%arg7 : memref<1000x32xf32, #tpu.memory_space<hbm>>) dst(%dma_wait3A_1064 : memref<1000x32xf32, #tpu.memory_space<vmem_shared>>)
        tpu.yield
      }) : () -> ()
    } else {
    }
    "tpu.region"() ({
      %run_scoped3A = tpu.sem_alloc : memref<!tpu.dma_semaphore, #tpu.memory_space<semaphore_mem>>
      %dma_start3A_1059 = tpu.memref_slice %arg2[%mul3A_2] : memref<204800xi32, #tpu.memory_space<hbm>> -> memref<6400xi32, #tpu.memory_space<hbm>>
      %dma_start3A_1060 = tpu.memref_slice %arg2[%mul3A_2] : memref<204800xi32, #tpu.memory_space<hbm>> -> memref<6400xi32, #tpu.memory_space<hbm>>
      tpu.enqueue_dma source(%dma_start3A_1060 : memref<6400xi32, #tpu.memory_space<hbm>>) target(%arg9 : memref<6400xi32, #tpu.memory_space<vmem>>) target_semaphore(%run_scoped3A : memref<!tpu.dma_semaphore, #tpu.memory_space<semaphore_mem>>)
      %dma_wait3A_1061 = tpu.memref_slice %arg2[%mul3A_2] : memref<204800xi32, #tpu.memory_space<hbm>> -> memref<6400xi32, #tpu.memory_space<hbm>>
      %dma_wait3A_1062 = tpu.memref_slice %arg2[%mul3A_2] : memref<204800xi32, #tpu.memory_space<hbm>> -> memref<6400xi32, #tpu.memory_space<hbm>>
      tpu.wait_dma2 semaphore(%run_scoped3A : memref<!tpu.dma_semaphore, #tpu.memory_space<semaphore_mem>>) src(%dma_wait3A_1062 : memref<6400xi32, #tpu.memory_space<hbm>>) dst(%arg9 : memref<6400xi32, #tpu.memory_space<vmem>>)
      tpu.yield
    }) : () -> ()
    %barrier3A = arith.constant 0 : index
    tpu.barrier barrier_id(%barrier3A)
    %dma_start3A = arith.constant 0 : i32
    %dma_start3A_5 = tpu.memref_slice %arg9[%dma_start3A] : memref<6400xi32, #tpu.memory_space<vmem>> -> memref<400xi32, #tpu.memory_space<vmem>>
    %dma_start3A_6 = arith.constant 0 : i32
    %dma_start3A_7 = arith.constant 0 : i32
    %dma_start3A_8 = tpu.memref_slice %arg5[%dma_start3A_6, %dma_start3A_7] : memref<100000x64xf32, #tpu.memory_space<hbm>> -> memref<100000x64xf32, #tpu.memory_space<hbm>>
    tpu.enqueue_indirect_dma source(%dma_start3A_8 : memref<100000x64xf32, #tpu.memory_space<hbm>>) target(%arg11 : memref<400x64xf32, #tpu.memory_space<vmem>>) offsets(%dma_start3A_5 : memref<400xi32, #tpu.memory_space<vmem>>) semaphore(%arg16 : memref<!tpu.dma_semaphore, #tpu.memory_space<semaphore_mem>>)
    %add3A_9 = arith.constant 0 : i32
    %add3A_10 = arith.addi %mul3A_2, %add3A_9 : i32
    %dma_start3A_11 = tpu.memref_slice %arg3[%add3A_10] : memref<204800xi32, #tpu.memory_space<hbm>> -> memref<400xi32, #tpu.memory_space<hbm>>
    %dma_start3A_12 = tpu.memref_slice %arg3[%add3A_10] : memref<204800xi32, #tpu.memory_space<hbm>> -> memref<400xi32, #tpu.memory_space<hbm>>
    tpu.enqueue_dma source(%dma_start3A_12 : memref<400xi32, #tpu.memory_space<hbm>>) target(%arg14 : memref<400xi32, #tpu.memory_space<vmem>>) target_semaphore(%arg16 : memref<!tpu.dma_semaphore, #tpu.memory_space<semaphore_mem>>)
    %add3A_13 = arith.constant 0 : i32
    %add3A_14 = arith.addi %mul3A_2, %add3A_13 : i32
    %dma_start3A_15 = tpu.memref_slice %arg4[%add3A_14] : memref<204800xi32, #tpu.memory_space<hbm>> -> memref<400xi32, #tpu.memory_space<hbm>>
    %dma_start3A_16 = tpu.memref_slice %arg4[%add3A_14] : memref<204800xi32, #tpu.memory_space<hbm>> -> memref<400xi32, #tpu.memory_space<hbm>>
    tpu.enqueue_dma source(%dma_start3A_16 : memref<400xi32, #tpu.memory_space<hbm>>) target(%arg15 : memref<400xi32, #tpu.memory_space<vmem>>) target_semaphore(%arg16 : memref<!tpu.dma_semaphore, #tpu.memory_space<semaphore_mem>>)
    %dma_start3A_17 = arith.constant 400 : i32
    %dma_start3A_18 = tpu.memref_slice %arg9[%dma_start3A_17] : memref<6400xi32, #tpu.memory_space<vmem>> -> memref<400xi32, #tpu.memory_space<vmem>>
    %dma_start3A_19 = arith.constant 0 : i32
    %dma_start3A_20 = arith.constant 0 : i32
    %dma_start3A_21 = tpu.memref_slice %arg5[%dma_start3A_19, %dma_start3A_20] : memref<100000x64xf32, #tpu.memory_space<hbm>> -> memref<100000x64xf32, #tpu.memory_space<hbm>>
    tpu.enqueue_indirect_dma source(%dma_start3A_21 : memref<100000x64xf32, #tpu.memory_space<hbm>>) target(%arg19 : memref<400x64xf32, #tpu.memory_space<vmem>>) offsets(%dma_start3A_18 : memref<400xi32, #tpu.memory_space<vmem>>) semaphore(%arg24 : memref<!tpu.dma_semaphore, #tpu.memory_space<semaphore_mem>>)
    %add3A_22 = arith.constant 400 : i32
    %add3A_23 = arith.addi %mul3A_2, %add3A_22 : i32
    %dma_start3A_24 = tpu.memref_slice %arg3[%add3A_23] : memref<204800xi32, #tpu.memory_space<hbm>> -> memref<400xi32, #tpu.memory_space<hbm>>
    %dma_start3A_25 = tpu.memref_slice %arg3[%add3A_23] : memref<204800xi32, #tpu.memory_space<hbm>> -> memref<400xi32, #tpu.memory_space<hbm>>
    tpu.enqueue_dma source(%dma_start3A_25 : memref<400xi32, #tpu.memory_space<hbm>>) target(%arg22 : memref<400xi32, #tpu.memory_space<vmem>>) target_semaphore(%arg24 : memref<!tpu.dma_semaphore, #tpu.memory_space<semaphore_mem>>)
    %add3A_26 = arith.constant 400 : i32
    %add3A_27 = arith.addi %mul3A_2, %add3A_26 : i32
    %dma_start3A_28 = tpu.memref_slice %arg4[%add3A_27] : memref<204800xi32, #tpu.memory_space<hbm>> -> memref<400xi32, #tpu.memory_space<hbm>>
    %dma_start3A_29 = tpu.memref_slice %arg4[%add3A_27] : memref<204800xi32, #tpu.memory_space<hbm>> -> memref<400xi32, #tpu.memory_space<hbm>>
    tpu.enqueue_dma source(%dma_start3A_29 : memref<400xi32, #tpu.memory_space<hbm>>) target(%arg23 : memref<400xi32, #tpu.memory_space<vmem>>) target_semaphore(%arg24 : memref<!tpu.dma_semaphore, #tpu.memory_space<semaphore_mem>>)
    %dma_wait3A = arith.constant 0 : i32
    %dma_wait3A_30 = tpu.memref_slice %arg9[%dma_wait3A] : memref<6400xi32, #tpu.memory_space<vmem>> -> memref<400xi32, #tpu.memory_space<vmem>>
    %dma_wait3A_31 = arith.constant 0 : i32
    %dma_wait3A_32 = arith.constant 0 : i32
    %dma_wait3A_33 = tpu.memref_slice %arg5[%dma_wait3A_31, %dma_wait3A_32] : memref<100000x64xf32, #tpu.memory_space<hbm>> -> memref<100000x64xf32, #tpu.memory_space<hbm>>
    tpu.wait_indirect_dma semaphore(%arg16 : memref<!tpu.dma_semaphore, #tpu.memory_space<semaphore_mem>>) src(%dma_wait3A_33 : memref<100000x64xf32, #tpu.memory_space<hbm>>) dst(%arg11 : memref<400x64xf32, #tpu.memory_space<vmem>>)
    %add3A_34 = arith.constant 0 : i32
    %add3A_35 = arith.addi %mul3A_2, %add3A_34 : i32
    %dma_wait3A_36 = tpu.memref_slice %arg3[%add3A_35] : memref<204800xi32, #tpu.memory_space<hbm>> -> memref<400xi32, #tpu.memory_space<hbm>>
    %dma_wait3A_37 = tpu.memref_slice %arg3[%add3A_35] : memref<204800xi32, #tpu.memory_space<hbm>> -> memref<400xi32, #tpu.memory_space<hbm>>
    tpu.wait_dma2 semaphore(%arg16 : memref<!tpu.dma_semaphore, #tpu.memory_space<semaphore_mem>>) src(%dma_wait3A_37 : memref<400xi32, #tpu.memory_space<hbm>>) dst(%arg14 : memref<400xi32, #tpu.memory_space<vmem>>)
    %add3A_38 = arith.constant 0 : i32
    %add3A_39 = arith.addi %mul3A_2, %add3A_38 : i32
    %dma_wait3A_40 = tpu.memref_slice %arg4[%add3A_39] : memref<204800xi32, #tpu.memory_space<hbm>> -> memref<400xi32, #tpu.memory_space<hbm>>
    %dma_wait3A_41 = tpu.memref_slice %arg4[%add3A_39] : memref<204800xi32, #tpu.memory_space<hbm>> -> memref<400xi32, #tpu.memory_space<hbm>>
    tpu.wait_dma2 semaphore(%arg16 : memref<!tpu.dma_semaphore, #tpu.memory_space<semaphore_mem>>) src(%dma_wait3A_41 : memref<400xi32, #tpu.memory_space<hbm>>) dst(%arg15 : memref<400xi32, #tpu.memory_space<vmem>>)
    %dma_start3A_42 = arith.constant 0 : i32
    %dma_start3A_43 = arith.constant 0 : i32
    %dma_start3A_44 = tpu.memref_slice %arg10[%dma_start3A_42, %dma_start3A_43] : memref<2000x32xf32, #tpu.memory_space<vmem_shared>> -> memref<2000x32xf32, #tpu.memory_space<vmem_shared>>
    tpu.enqueue_indirect_dma source(%dma_start3A_44 : memref<2000x32xf32, #tpu.memory_space<vmem_shared>>) target(%arg12 : memref<400x32xf32, #tpu.memory_space<vmem>>) offsets(%arg14 : memref<400xi32, #tpu.memory_space<vmem>>) semaphore(%arg17 : memref<!tpu.dma_semaphore, #tpu.memory_space<semaphore_mem>>)
    %dma_start3A_45 = arith.constant 0 : i32
    %dma_start3A_46 = arith.constant 0 : i32
    %dma_start3A_47 = tpu.memref_slice %arg10[%dma_start3A_45, %dma_start3A_46] : memref<2000x32xf32, #tpu.memory_space<vmem_shared>> -> memref<2000x32xf32, #tpu.memory_space<vmem_shared>>
    tpu.enqueue_indirect_dma source(%dma_start3A_47 : memref<2000x32xf32, #tpu.memory_space<vmem_shared>>) target(%arg13 : memref<400x32xf32, #tpu.memory_space<vmem>>) offsets(%arg15 : memref<400xi32, #tpu.memory_space<vmem>>) semaphore(%arg17 : memref<!tpu.dma_semaphore, #tpu.memory_space<semaphore_mem>>)
    %dma_wait3A_48 = arith.constant 0 : i32
    %dma_wait3A_49 = arith.constant 0 : i32
    %dma_wait3A_50 = tpu.memref_slice %arg10[%dma_wait3A_48, %dma_wait3A_49] : memref<2000x32xf32, #tpu.memory_space<vmem_shared>> -> memref<2000x32xf32, #tpu.memory_space<vmem_shared>>
    tpu.wait_indirect_dma semaphore(%arg17 : memref<!tpu.dma_semaphore, #tpu.memory_space<semaphore_mem>>) src(%dma_wait3A_50 : memref<2000x32xf32, #tpu.memory_space<vmem_shared>>) dst(%arg12 : memref<400x32xf32, #tpu.memory_space<vmem>>)
    %dma_wait3A_51 = arith.constant 0 : i32
    %dma_wait3A_52 = arith.constant 0 : i32
    %dma_wait3A_53 = tpu.memref_slice %arg10[%dma_wait3A_51, %dma_wait3A_52] : memref<2000x32xf32, #tpu.memory_space<vmem_shared>> -> memref<2000x32xf32, #tpu.memory_space<vmem_shared>>
    tpu.wait_indirect_dma semaphore(%arg17 : memref<!tpu.dma_semaphore, #tpu.memory_space<semaphore_mem>>) src(%dma_wait3A_53 : memref<2000x32xf32, #tpu.memory_space<vmem_shared>>) dst(%arg13 : memref<400x32xf32, #tpu.memory_space<vmem>>)
    %add3A_54 = arith.constant 0 : i32
    %add3A_55 = arith.addi %mul3A_2, %add3A_54 : i32
    %dma_start3A_56 = arith.constant 0 : i32
    %dma_start3A_57 = tpu.memref_slice %arg8[%add3A_55, %dma_start3A_56] : memref<204800x128xf32, #tpu.memory_space<hbm>> -> memref<400x64xf32, #tpu.memory_space<hbm>>
    %dma_start3A_58 = arith.constant 0 : i32
    %dma_start3A_59 = tpu.memref_slice %arg8[%add3A_55, %dma_start3A_58] : memref<204800x128xf32, #tpu.memory_space<hbm>> -> memref<400x64xf32, #tpu.memory_space<hbm>>
    tpu.enqueue_dma source(%arg11 : memref<400x64xf32, #tpu.memory_space<vmem>>) target(%dma_start3A_59 : memref<400x64xf32, #tpu.memory_space<hbm>>) target_semaphore(%arg18 : memref<!tpu.dma_semaphore, #tpu.memory_space<semaphore_mem>>)
    %dma_start3A_60 = arith.constant 64 : i32
    %dma_start3A_61 = tpu.memref_slice %arg8[%add3A_55, %dma_start3A_60] : memref<204800x128xf32, #tpu.memory_space<hbm>> -> memref<400x32xf32, #tpu.memory_space<hbm>>
    %dma_start3A_62 = arith.constant 64 : i32
    %dma_start3A_63 = tpu.memref_slice %arg8[%add3A_55, %dma_start3A_62] : memref<204800x128xf32, #tpu.memory_space<hbm>> -> memref<400x32xf32, #tpu.memory_space<hbm>>
    tpu.enqueue_dma source(%arg12 : memref<400x32xf32, #tpu.memory_space<vmem>>) target(%dma_start3A_63 : memref<400x32xf32, #tpu.memory_space<hbm>>) target_semaphore(%arg18 : memref<!tpu.dma_semaphore, #tpu.memory_space<semaphore_mem>>)
    %dma_start3A_64 = arith.constant 96 : i32
    %dma_start3A_65 = tpu.memref_slice %arg8[%add3A_55, %dma_start3A_64] : memref<204800x128xf32, #tpu.memory_space<hbm>> -> memref<400x32xf32, #tpu.memory_space<hbm>>
    %dma_start3A_66 = arith.constant 96 : i32
    %dma_start3A_67 = tpu.memref_slice %arg8[%add3A_55, %dma_start3A_66] : memref<204800x128xf32, #tpu.memory_space<hbm>> -> memref<400x32xf32, #tpu.memory_space<hbm>>
    tpu.enqueue_dma source(%arg13 : memref<400x32xf32, #tpu.memory_space<vmem>>) target(%dma_start3A_67 : memref<400x32xf32, #tpu.memory_space<hbm>>) target_semaphore(%arg18 : memref<!tpu.dma_semaphore, #tpu.memory_space<semaphore_mem>>)
    %add3A_68 = arith.constant 0 : i32
    %add3A_69 = arith.addi %mul3A_2, %add3A_68 : i32
    %dma_wait3A_70 = arith.constant 0 : i32
    %dma_wait3A_71 = tpu.memref_slice %arg8[%add3A_69, %dma_wait3A_70] : memref<204800x128xf32, #tpu.memory_space<hbm>> -> memref<400x64xf32, #tpu.memory_space<hbm>>
    %dma_wait3A_72 = arith.constant 0 : i32
    %dma_wait3A_73 = tpu.memref_slice %arg8[%add3A_69, %dma_wait3A_72] : memref<204800x128xf32, #tpu.memory_space<hbm>> -> memref<400x64xf32, #tpu.memory_space<hbm>>
    tpu.wait_dma2 semaphore(%arg18 : memref<!tpu.dma_semaphore, #tpu.memory_space<semaphore_mem>>) src(%arg11 : memref<400x64xf32, #tpu.memory_space<vmem>>) dst(%dma_wait3A_73 : memref<400x64xf32, #tpu.memory_space<hbm>>)
    %dma_wait3A_74 = arith.constant 64 : i32
    %dma_wait3A_75 = tpu.memref_slice %arg8[%add3A_69, %dma_wait3A_74] : memref<204800x128xf32, #tpu.memory_space<hbm>> -> memref<400x32xf32, #tpu.memory_space<hbm>>
    %dma_wait3A_76 = arith.constant 64 : i32
    %dma_wait3A_77 = tpu.memref_slice %arg8[%add3A_69, %dma_wait3A_76] : memref<204800x128xf32, #tpu.memory_space<hbm>> -> memref<400x32xf32, #tpu.memory_space<hbm>>
    tpu.wait_dma2 semaphore(%arg18 : memref<!tpu.dma_semaphore, #tpu.memory_space<semaphore_mem>>) src(%arg12 : memref<400x32xf32, #tpu.memory_space<vmem>>) dst(%dma_wait3A_77 : memref<400x32xf32, #tpu.memory_space<hbm>>)
    %dma_wait3A_78 = arith.constant 96 : i32
    %dma_wait3A_79 = tpu.memref_slice %arg8[%add3A_69, %dma_wait3A_78] : memref<204800x128xf32, #tpu.memory_space<hbm>> -> memref<400x32xf32, #tpu.memory_space<hbm>>
    %dma_wait3A_80 = arith.constant 96 : i32
    %dma_wait3A_81 = tpu.memref_slice %arg8[%add3A_69, %dma_wait3A_80] : memref<204800x128xf32, #tpu.memory_space<hbm>> -> memref<400x32xf32, #tpu.memory_space<hbm>>
    tpu.wait_dma2 semaphore(%arg18 : memref<!tpu.dma_semaphore, #tpu.memory_space<semaphore_mem>>) src(%arg13 : memref<400x32xf32, #tpu.memory_space<vmem>>) dst(%dma_wait3A_81 : memref<400x32xf32, #tpu.memory_space<hbm>>)
    %dma_start3A_82 = arith.constant 800 : i32
    %dma_start3A_83 = tpu.memref_slice %arg9[%dma_start3A_82] : memref<6400xi32, #tpu.memory_space<vmem>> -> memref<400xi32, #tpu.memory_space<vmem>>
    %dma_start3A_84 = arith.constant 0 : i32
    %dma_start3A_85 = arith.constant 0 : i32
    %dma_start3A_86 = tpu.memref_slice %arg5[%dma_start3A_84, %dma_start3A_85] : memref<100000x64xf32, #tpu.memory_space<hbm>> -> memref<100000x64xf32, #tpu.memory_space<hbm>>
    tpu.enqueue_indirect_dma source(%dma_start3A_86 : memref<100000x64xf32, #tpu.memory_space<hbm>>) target(%arg11 : memref<400x64xf32, #tpu.memory_space<vmem>>) offsets(%dma_start3A_83 : memref<400xi32, #tpu.memory_space<vmem>>) semaphore(%arg16 : memref<!tpu.dma_semaphore, #tpu.memory_space<semaphore_mem>>)
    %add3A_87 = arith.constant 800 : i32
    %add3A_88 = arith.addi %mul3A_2, %add3A_87 : i32
    %dma_start3A_89 = tpu.memref_slice %arg3[%add3A_88] : memref<204800xi32, #tpu.memory_space<hbm>> -> memref<400xi32, #tpu.memory_space<hbm>>
    %dma_start3A_90 = tpu.memref_slice %arg3[%add3A_88] : memref<204800xi32, #tpu.memory_space<hbm>> -> memref<400xi32, #tpu.memory_space<hbm>>
    tpu.enqueue_dma source(%dma_start3A_90 : memref<400xi32, #tpu.memory_space<hbm>>) target(%arg14 : memref<400xi32, #tpu.memory_space<vmem>>) target_semaphore(%arg16 : memref<!tpu.dma_semaphore, #tpu.memory_space<semaphore_mem>>)
    %add3A_91 = arith.constant 800 : i32
    %add3A_92 = arith.addi %mul3A_2, %add3A_91 : i32
    %dma_start3A_93 = tpu.memref_slice %arg4[%add3A_92] : memref<204800xi32, #tpu.memory_space<hbm>> -> memref<400xi32, #tpu.memory_space<hbm>>
    %dma_start3A_94 = tpu.memref_slice %arg4[%add3A_92] : memref<204800xi32, #tpu.memory_space<hbm>> -> memref<400xi32, #tpu.memory_space<hbm>>
    tpu.enqueue_dma source(%dma_start3A_94 : memref<400xi32, #tpu.memory_space<hbm>>) target(%arg15 : memref<400xi32, #tpu.memory_space<vmem>>) target_semaphore(%arg16 : memref<!tpu.dma_semaphore, #tpu.memory_space<semaphore_mem>>)
    %dma_wait3A_95 = arith.constant 400 : i32
    %dma_wait3A_96 = tpu.memref_slice %arg9[%dma_wait3A_95] : memref<6400xi32, #tpu.memory_space<vmem>> -> memref<400xi32, #tpu.memory_space<vmem>>
    %dma_wait3A_97 = arith.constant 0 : i32
    %dma_wait3A_98 = arith.constant 0 : i32
    %dma_wait3A_99 = tpu.memref_slice %arg5[%dma_wait3A_97, %dma_wait3A_98] : memref<100000x64xf32, #tpu.memory_space<hbm>> -> memref<100000x64xf32, #tpu.memory_space<hbm>>
    tpu.wait_indirect_dma semaphore(%arg24 : memref<!tpu.dma_semaphore, #tpu.memory_space<semaphore_mem>>) src(%dma_wait3A_99 : memref<100000x64xf32, #tpu.memory_space<hbm>>) dst(%arg19 : memref<400x64xf32, #tpu.memory_space<vmem>>)
    %add3A_100 = arith.constant 400 : i32
    %add3A_101 = arith.addi %mul3A_2, %add3A_100 : i32
    %dma_wait3A_102 = tpu.memref_slice %arg3[%add3A_101] : memref<204800xi32, #tpu.memory_space<hbm>> -> memref<400xi32, #tpu.memory_space<hbm>>
    %dma_wait3A_103 = tpu.memref_slice %arg3[%add3A_101] : memref<204800xi32, #tpu.memory_space<hbm>> -> memref<400xi32, #tpu.memory_space<hbm>>
    tpu.wait_dma2 semaphore(%arg24 : memref<!tpu.dma_semaphore, #tpu.memory_space<semaphore_mem>>) src(%dma_wait3A_103 : memref<400xi32, #tpu.memory_space<hbm>>) dst(%arg22 : memref<400xi32, #tpu.memory_space<vmem>>)
    %add3A_104 = arith.constant 400 : i32
    %add3A_105 = arith.addi %mul3A_2, %add3A_104 : i32
    %dma_wait3A_106 = tpu.memref_slice %arg4[%add3A_105] : memref<204800xi32, #tpu.memory_space<hbm>> -> memref<400xi32, #tpu.memory_space<hbm>>
    %dma_wait3A_107 = tpu.memref_slice %arg4[%add3A_105] : memref<204800xi32, #tpu.memory_space<hbm>> -> memref<400xi32, #tpu.memory_space<hbm>>
    tpu.wait_dma2 semaphore(%arg24 : memref<!tpu.dma_semaphore, #tpu.memory_space<semaphore_mem>>) src(%dma_wait3A_107 : memref<400xi32, #tpu.memory_space<hbm>>) dst(%arg23 : memref<400xi32, #tpu.memory_space<vmem>>)
    %dma_start3A_108 = arith.constant 0 : i32
    %dma_start3A_109 = arith.constant 0 : i32
    %dma_start3A_110 = tpu.memref_slice %arg10[%dma_start3A_108, %dma_start3A_109] : memref<2000x32xf32, #tpu.memory_space<vmem_shared>> -> memref<2000x32xf32, #tpu.memory_space<vmem_shared>>
    tpu.enqueue_indirect_dma source(%dma_start3A_110 : memref<2000x32xf32, #tpu.memory_space<vmem_shared>>) target(%arg20 : memref<400x32xf32, #tpu.memory_space<vmem>>) offsets(%arg22 : memref<400xi32, #tpu.memory_space<vmem>>) semaphore(%arg25 : memref<!tpu.dma_semaphore, #tpu.memory_space<semaphore_mem>>)
    %dma_start3A_111 = arith.constant 0 : i32
    %dma_start3A_112 = arith.constant 0 : i32
    %dma_start3A_113 = tpu.memref_slice %arg10[%dma_start3A_111, %dma_start3A_112] : memref<2000x32xf32, #tpu.memory_space<vmem_shared>> -> memref<2000x32xf32, #tpu.memory_space<vmem_shared>>
    tpu.enqueue_indirect_dma source(%dma_start3A_113 : memref<2000x32xf32, #tpu.memory_space<vmem_shared>>) target(%arg21 : memref<400x32xf32, #tpu.memory_space<vmem>>) offsets(%arg23 : memref<400xi32, #tpu.memory_space<vmem>>) semaphore(%arg25 : memref<!tpu.dma_semaphore, #tpu.memory_space<semaphore_mem>>)
    %dma_wait3A_114 = arith.constant 0 : i32
    %dma_wait3A_115 = arith.constant 0 : i32
    %dma_wait3A_116 = tpu.memref_slice %arg10[%dma_wait3A_114, %dma_wait3A_115] : memref<2000x32xf32, #tpu.memory_space<vmem_shared>> -> memref<2000x32xf32, #tpu.memory_space<vmem_shared>>
    tpu.wait_indirect_dma semaphore(%arg25 : memref<!tpu.dma_semaphore, #tpu.memory_space<semaphore_mem>>) src(%dma_wait3A_116 : memref<2000x32xf32, #tpu.memory_space<vmem_shared>>) dst(%arg20 : memref<400x32xf32, #tpu.memory_space<vmem>>)
    %dma_wait3A_117 = arith.constant 0 : i32
    %dma_wait3A_118 = arith.constant 0 : i32
    %dma_wait3A_119 = tpu.memref_slice %arg10[%dma_wait3A_117, %dma_wait3A_118] : memref<2000x32xf32, #tpu.memory_space<vmem_shared>> -> memref<2000x32xf32, #tpu.memory_space<vmem_shared>>
    tpu.wait_indirect_dma semaphore(%arg25 : memref<!tpu.dma_semaphore, #tpu.memory_space<semaphore_mem>>) src(%dma_wait3A_119 : memref<2000x32xf32, #tpu.memory_space<vmem_shared>>) dst(%arg21 : memref<400x32xf32, #tpu.memory_space<vmem>>)
    %add3A_120 = arith.constant 400 : i32
    %add3A_121 = arith.addi %mul3A_2, %add3A_120 : i32
    %dma_start3A_122 = arith.constant 0 : i32
    %dma_start3A_123 = tpu.memref_slice %arg8[%add3A_121, %dma_start3A_122] : memref<204800x128xf32, #tpu.memory_space<hbm>> -> memref<400x64xf32, #tpu.memory_space<hbm>>
    %dma_start3A_124 = arith.constant 0 : i32
    %dma_start3A_125 = tpu.memref_slice %arg8[%add3A_121, %dma_start3A_124] : memref<204800x128xf32, #tpu.memory_space<hbm>> -> memref<400x64xf32, #tpu.memory_space<hbm>>
    tpu.enqueue_dma source(%arg19 : memref<400x64xf32, #tpu.memory_space<vmem>>) target(%dma_start3A_125 : memref<400x64xf32, #tpu.memory_space<hbm>>) target_semaphore(%arg26 : memref<!tpu.dma_semaphore, #tpu.memory_space<semaphore_mem>>)
    %dma_start3A_126 = arith.constant 64 : i32
    %dma_start3A_127 = tpu.memref_slice %arg8[%add3A_121, %dma_start3A_126] : memref<204800x128xf32, #tpu.memory_space<hbm>> -> memref<400x32xf32, #tpu.memory_space<hbm>>
    %dma_start3A_128 = arith.constant 64 : i32
    %dma_start3A_129 = tpu.memref_slice %arg8[%add3A_121, %dma_start3A_128] : memref<204800x128xf32, #tpu.memory_space<hbm>> -> memref<400x32xf32, #tpu.memory_space<hbm>>
    tpu.enqueue_dma source(%arg20 : memref<400x32xf32, #tpu.memory_space<vmem>>) target(%dma_start3A_129 : memref<400x32xf32, #tpu.memory_space<hbm>>) target_semaphore(%arg26 : memref<!tpu.dma_semaphore, #tpu.memory_space<semaphore_mem>>)
    %dma_start3A_130 = arith.constant 96 : i32
    %dma_start3A_131 = tpu.memref_slice %arg8[%add3A_121, %dma_start3A_130] : memref<204800x128xf32, #tpu.memory_space<hbm>> -> memref<400x32xf32, #tpu.memory_space<hbm>>
    %dma_start3A_132 = arith.constant 96 : i32
    %dma_start3A_133 = tpu.memref_slice %arg8[%add3A_121, %dma_start3A_132] : memref<204800x128xf32, #tpu.memory_space<hbm>> -> memref<400x32xf32, #tpu.memory_space<hbm>>
    tpu.enqueue_dma source(%arg21 : memref<400x32xf32, #tpu.memory_space<vmem>>) target(%dma_start3A_133 : memref<400x32xf32, #tpu.memory_space<hbm>>) target_semaphore(%arg26 : memref<!tpu.dma_semaphore, #tpu.memory_space<semaphore_mem>>)
    %add3A_134 = arith.constant 400 : i32
    %add3A_135 = arith.addi %mul3A_2, %add3A_134 : i32
    %dma_wait3A_136 = arith.constant 0 : i32
    %dma_wait3A_137 = tpu.memref_slice %arg8[%add3A_135, %dma_wait3A_136] : memref<204800x128xf32, #tpu.memory_space<hbm>> -> memref<400x64xf32, #tpu.memory_space<hbm>>
    %dma_wait3A_138 = arith.constant 0 : i32
    %dma_wait3A_139 = tpu.memref_slice %arg8[%add3A_135, %dma_wait3A_138] : memref<204800x128xf32, #tpu.memory_space<hbm>> -> memref<400x64xf32, #tpu.memory_space<hbm>>
    tpu.wait_dma2 semaphore(%arg26 : memref<!tpu.dma_semaphore, #tpu.memory_space<semaphore_mem>>) src(%arg19 : memref<400x64xf32, #tpu.memory_space<vmem>>) dst(%dma_wait3A_139 : memref<400x64xf32, #tpu.memory_space<hbm>>)
    %dma_wait3A_140 = arith.constant 64 : i32
    %dma_wait3A_141 = tpu.memref_slice %arg8[%add3A_135, %dma_wait3A_140] : memref<204800x128xf32, #tpu.memory_space<hbm>> -> memref<400x32xf32, #tpu.memory_space<hbm>>
    %dma_wait3A_142 = arith.constant 64 : i32
    %dma_wait3A_143 = tpu.memref_slice %arg8[%add3A_135, %dma_wait3A_142] : memref<204800x128xf32, #tpu.memory_space<hbm>> -> memref<400x32xf32, #tpu.memory_space<hbm>>
    tpu.wait_dma2 semaphore(%arg26 : memref<!tpu.dma_semaphore, #tpu.memory_space<semaphore_mem>>) src(%arg20 : memref<400x32xf32, #tpu.memory_space<vmem>>) dst(%dma_wait3A_143 : memref<400x32xf32, #tpu.memory_space<hbm>>)
    %dma_wait3A_144 = arith.constant 96 : i32
    %dma_wait3A_145 = tpu.memref_slice %arg8[%add3A_135, %dma_wait3A_144] : memref<204800x128xf32, #tpu.memory_space<hbm>> -> memref<400x32xf32, #tpu.memory_space<hbm>>
    %dma_wait3A_146 = arith.constant 96 : i32
    %dma_wait3A_147 = tpu.memref_slice %arg8[%add3A_135, %dma_wait3A_146] : memref<204800x128xf32, #tpu.memory_space<hbm>> -> memref<400x32xf32, #tpu.memory_space<hbm>>
    tpu.wait_dma2 semaphore(%arg26 : memref<!tpu.dma_semaphore, #tpu.memory_space<semaphore_mem>>) src(%arg21 : memref<400x32xf32, #tpu.memory_space<vmem>>) dst(%dma_wait3A_147 : memref<400x32xf32, #tpu.memory_space<hbm>>)
    %dma_start3A_148 = arith.constant 1200 : i32
    %dma_start3A_149 = tpu.memref_slice %arg9[%dma_start3A_148] : memref<6400xi32, #tpu.memory_space<vmem>> -> memref<400xi32, #tpu.memory_space<vmem>>
    %dma_start3A_150 = arith.constant 0 : i32
    %dma_start3A_151 = arith.constant 0 : i32
    %dma_start3A_152 = tpu.memref_slice %arg5[%dma_start3A_150, %dma_start3A_151] : memref<100000x64xf32, #tpu.memory_space<hbm>> -> memref<100000x64xf32, #tpu.memory_space<hbm>>
    tpu.enqueue_indirect_dma source(%dma_start3A_152 : memref<100000x64xf32, #tpu.memory_space<hbm>>) target(%arg19 : memref<400x64xf32, #tpu.memory_space<vmem>>) offsets(%dma_start3A_149 : memref<400xi32, #tpu.memory_space<vmem>>) semaphore(%arg24 : memref<!tpu.dma_semaphore, #tpu.memory_space<semaphore_mem>>)
    %add3A_153 = arith.constant 1200 : i32
    %add3A_154 = arith.addi %mul3A_2, %add3A_153 : i32
    %dma_start3A_155 = tpu.memref_slice %arg3[%add3A_154] : memref<204800xi32, #tpu.memory_space<hbm>> -> memref<400xi32, #tpu.memory_space<hbm>>
    %dma_start3A_156 = tpu.memref_slice %arg3[%add3A_154] : memref<204800xi32, #tpu.memory_space<hbm>> -> memref<400xi32, #tpu.memory_space<hbm>>
    tpu.enqueue_dma source(%dma_start3A_156 : memref<400xi32, #tpu.memory_space<hbm>>) target(%arg22 : memref<400xi32, #tpu.memory_space<vmem>>) target_semaphore(%arg24 : memref<!tpu.dma_semaphore, #tpu.memory_space<semaphore_mem>>)
    %add3A_157 = arith.constant 1200 : i32
    %add3A_158 = arith.addi %mul3A_2, %add3A_157 : i32
    %dma_start3A_159 = tpu.memref_slice %arg4[%add3A_158] : memref<204800xi32, #tpu.memory_space<hbm>> -> memref<400xi32, #tpu.memory_space<hbm>>
    %dma_start3A_160 = tpu.memref_slice %arg4[%add3A_158] : memref<204800xi32, #tpu.memory_space<hbm>> -> memref<400xi32, #tpu.memory_space<hbm>>
    tpu.enqueue_dma source(%dma_start3A_160 : memref<400xi32, #tpu.memory_space<hbm>>) target(%arg23 : memref<400xi32, #tpu.memory_space<vmem>>) target_semaphore(%arg24 : memref<!tpu.dma_semaphore, #tpu.memory_space<semaphore_mem>>)
    %dma_wait3A_161 = arith.constant 800 : i32
    %dma_wait3A_162 = tpu.memref_slice %arg9[%dma_wait3A_161] : memref<6400xi32, #tpu.memory_space<vmem>> -> memref<400xi32, #tpu.memory_space<vmem>>
    %dma_wait3A_163 = arith.constant 0 : i32
    %dma_wait3A_164 = arith.constant 0 : i32
    %dma_wait3A_165 = tpu.memref_slice %arg5[%dma_wait3A_163, %dma_wait3A_164] : memref<100000x64xf32, #tpu.memory_space<hbm>> -> memref<100000x64xf32, #tpu.memory_space<hbm>>
    tpu.wait_indirect_dma semaphore(%arg16 : memref<!tpu.dma_semaphore, #tpu.memory_space<semaphore_mem>>) src(%dma_wait3A_165 : memref<100000x64xf32, #tpu.memory_space<hbm>>) dst(%arg11 : memref<400x64xf32, #tpu.memory_space<vmem>>)
    %add3A_166 = arith.constant 800 : i32
    %add3A_167 = arith.addi %mul3A_2, %add3A_166 : i32
    %dma_wait3A_168 = tpu.memref_slice %arg3[%add3A_167] : memref<204800xi32, #tpu.memory_space<hbm>> -> memref<400xi32, #tpu.memory_space<hbm>>
    %dma_wait3A_169 = tpu.memref_slice %arg3[%add3A_167] : memref<204800xi32, #tpu.memory_space<hbm>> -> memref<400xi32, #tpu.memory_space<hbm>>
    tpu.wait_dma2 semaphore(%arg16 : memref<!tpu.dma_semaphore, #tpu.memory_space<semaphore_mem>>) src(%dma_wait3A_169 : memref<400xi32, #tpu.memory_space<hbm>>) dst(%arg14 : memref<400xi32, #tpu.memory_space<vmem>>)
    %add3A_170 = arith.constant 800 : i32
    %add3A_171 = arith.addi %mul3A_2, %add3A_170 : i32
    %dma_wait3A_172 = tpu.memref_slice %arg4[%add3A_171] : memref<204800xi32, #tpu.memory_space<hbm>> -> memref<400xi32, #tpu.memory_space<hbm>>
    %dma_wait3A_173 = tpu.memref_slice %arg4[%add3A_171] : memref<204800xi32, #tpu.memory_space<hbm>> -> memref<400xi32, #tpu.memory_space<hbm>>
    tpu.wait_dma2 semaphore(%arg16 : memref<!tpu.dma_semaphore, #tpu.memory_space<semaphore_mem>>) src(%dma_wait3A_173 : memref<400xi32, #tpu.memory_space<hbm>>) dst(%arg15 : memref<400xi32, #tpu.memory_space<vmem>>)
    %dma_start3A_174 = arith.constant 0 : i32
    %dma_start3A_175 = arith.constant 0 : i32
    %dma_start3A_176 = tpu.memref_slice %arg10[%dma_start3A_174, %dma_start3A_175] : memref<2000x32xf32, #tpu.memory_space<vmem_shared>> -> memref<2000x32xf32, #tpu.memory_space<vmem_shared>>
    tpu.enqueue_indirect_dma source(%dma_start3A_176 : memref<2000x32xf32, #tpu.memory_space<vmem_shared>>) target(%arg12 : memref<400x32xf32, #tpu.memory_space<vmem>>) offsets(%arg14 : memref<400xi32, #tpu.memory_space<vmem>>) semaphore(%arg17 : memref<!tpu.dma_semaphore, #tpu.memory_space<semaphore_mem>>)
    %dma_start3A_177 = arith.constant 0 : i32
    %dma_start3A_178 = arith.constant 0 : i32
    %dma_start3A_179 = tpu.memref_slice %arg10[%dma_start3A_177, %dma_start3A_178] : memref<2000x32xf32, #tpu.memory_space<vmem_shared>> -> memref<2000x32xf32, #tpu.memory_space<vmem_shared>>
    tpu.enqueue_indirect_dma source(%dma_start3A_179 : memref<2000x32xf32, #tpu.memory_space<vmem_shared>>) target(%arg13 : memref<400x32xf32, #tpu.memory_space<vmem>>) offsets(%arg15 : memref<400xi32, #tpu.memory_space<vmem>>) semaphore(%arg17 : memref<!tpu.dma_semaphore, #tpu.memory_space<semaphore_mem>>)
    %dma_wait3A_180 = arith.constant 0 : i32
    %dma_wait3A_181 = arith.constant 0 : i32
    %dma_wait3A_182 = tpu.memref_slice %arg10[%dma_wait3A_180, %dma_wait3A_181] : memref<2000x32xf32, #tpu.memory_space<vmem_shared>> -> memref<2000x32xf32, #tpu.memory_space<vmem_shared>>
    tpu.wait_indirect_dma semaphore(%arg17 : memref<!tpu.dma_semaphore, #tpu.memory_space<semaphore_mem>>) src(%dma_wait3A_182 : memref<2000x32xf32, #tpu.memory_space<vmem_shared>>) dst(%arg12 : memref<400x32xf32, #tpu.memory_space<vmem>>)
    %dma_wait3A_183 = arith.constant 0 : i32
    %dma_wait3A_184 = arith.constant 0 : i32
    %dma_wait3A_185 = tpu.memref_slice %arg10[%dma_wait3A_183, %dma_wait3A_184] : memref<2000x32xf32, #tpu.memory_space<vmem_shared>> -> memref<2000x32xf32, #tpu.memory_space<vmem_shared>>
    tpu.wait_indirect_dma semaphore(%arg17 : memref<!tpu.dma_semaphore, #tpu.memory_space<semaphore_mem>>) src(%dma_wait3A_185 : memref<2000x32xf32, #tpu.memory_space<vmem_shared>>) dst(%arg13 : memref<400x32xf32, #tpu.memory_space<vmem>>)
    %add3A_186 = arith.constant 800 : i32
    %add3A_187 = arith.addi %mul3A_2, %add3A_186 : i32
    %dma_start3A_188 = arith.constant 0 : i32
    %dma_start3A_189 = tpu.memref_slice %arg8[%add3A_187, %dma_start3A_188] : memref<204800x128xf32, #tpu.memory_space<hbm>> -> memref<400x64xf32, #tpu.memory_space<hbm>>
    %dma_start3A_190 = arith.constant 0 : i32
    %dma_start3A_191 = tpu.memref_slice %arg8[%add3A_187, %dma_start3A_190] : memref<204800x128xf32, #tpu.memory_space<hbm>> -> memref<400x64xf32, #tpu.memory_space<hbm>>
    tpu.enqueue_dma source(%arg11 : memref<400x64xf32, #tpu.memory_space<vmem>>) target(%dma_start3A_191 : memref<400x64xf32, #tpu.memory_space<hbm>>) target_semaphore(%arg18 : memref<!tpu.dma_semaphore, #tpu.memory_space<semaphore_mem>>)
    %dma_start3A_192 = arith.constant 64 : i32
    %dma_start3A_193 = tpu.memref_slice %arg8[%add3A_187, %dma_start3A_192] : memref<204800x128xf32, #tpu.memory_space<hbm>> -> memref<400x32xf32, #tpu.memory_space<hbm>>
    %dma_start3A_194 = arith.constant 64 : i32
    %dma_start3A_195 = tpu.memref_slice %arg8[%add3A_187, %dma_start3A_194] : memref<204800x128xf32, #tpu.memory_space<hbm>> -> memref<400x32xf32, #tpu.memory_space<hbm>>
    tpu.enqueue_dma source(%arg12 : memref<400x32xf32, #tpu.memory_space<vmem>>) target(%dma_start3A_195 : memref<400x32xf32, #tpu.memory_space<hbm>>) target_semaphore(%arg18 : memref<!tpu.dma_semaphore, #tpu.memory_space<semaphore_mem>>)
    %dma_start3A_196 = arith.constant 96 : i32
    %dma_start3A_197 = tpu.memref_slice %arg8[%add3A_187, %dma_start3A_196] : memref<204800x128xf32, #tpu.memory_space<hbm>> -> memref<400x32xf32, #tpu.memory_space<hbm>>
    %dma_start3A_198 = arith.constant 96 : i32
    %dma_start3A_199 = tpu.memref_slice %arg8[%add3A_187, %dma_start3A_198] : memref<204800x128xf32, #tpu.memory_space<hbm>> -> memref<400x32xf32, #tpu.memory_space<hbm>>
    tpu.enqueue_dma source(%arg13 : memref<400x32xf32, #tpu.memory_space<vmem>>) target(%dma_start3A_199 : memref<400x32xf32, #tpu.memory_space<hbm>>) target_semaphore(%arg18 : memref<!tpu.dma_semaphore, #tpu.memory_space<semaphore_mem>>)
    %add3A_200 = arith.constant 800 : i32
    %add3A_201 = arith.addi %mul3A_2, %add3A_200 : i32
    %dma_wait3A_202 = arith.constant 0 : i32
    %dma_wait3A_203 = tpu.memref_slice %arg8[%add3A_201, %dma_wait3A_202] : memref<204800x128xf32, #tpu.memory_space<hbm>> -> memref<400x64xf32, #tpu.memory_space<hbm>>
    %dma_wait3A_204 = arith.constant 0 : i32
    %dma_wait3A_205 = tpu.memref_slice %arg8[%add3A_201, %dma_wait3A_204] : memref<204800x128xf32, #tpu.memory_space<hbm>> -> memref<400x64xf32, #tpu.memory_space<hbm>>
    tpu.wait_dma2 semaphore(%arg18 : memref<!tpu.dma_semaphore, #tpu.memory_space<semaphore_mem>>) src(%arg11 : memref<400x64xf32, #tpu.memory_space<vmem>>) dst(%dma_wait3A_205 : memref<400x64xf32, #tpu.memory_space<hbm>>)
    %dma_wait3A_206 = arith.constant 64 : i32
    %dma_wait3A_207 = tpu.memref_slice %arg8[%add3A_201, %dma_wait3A_206] : memref<204800x128xf32, #tpu.memory_space<hbm>> -> memref<400x32xf32, #tpu.memory_space<hbm>>
    %dma_wait3A_208 = arith.constant 64 : i32
    %dma_wait3A_209 = tpu.memref_slice %arg8[%add3A_201, %dma_wait3A_208] : memref<204800x128xf32, #tpu.memory_space<hbm>> -> memref<400x32xf32, #tpu.memory_space<hbm>>
    tpu.wait_dma2 semaphore(%arg18 : memref<!tpu.dma_semaphore, #tpu.memory_space<semaphore_mem>>) src(%arg12 : memref<400x32xf32, #tpu.memory_space<vmem>>) dst(%dma_wait3A_209 : memref<400x32xf32, #tpu.memory_space<hbm>>)
    %dma_wait3A_210 = arith.constant 96 : i32
    %dma_wait3A_211 = tpu.memref_slice %arg8[%add3A_201, %dma_wait3A_210] : memref<204800x128xf32, #tpu.memory_space<hbm>> -> memref<400x32xf32, #tpu.memory_space<hbm>>
    %dma_wait3A_212 = arith.constant 96 : i32
    %dma_wait3A_213 = tpu.memref_slice %arg8[%add3A_201, %dma_wait3A_212] : memref<204800x128xf32, #tpu.memory_space<hbm>> -> memref<400x32xf32, #tpu.memory_space<hbm>>
    tpu.wait_dma2 semaphore(%arg18 : memref<!tpu.dma_semaphore, #tpu.memory_space<semaphore_mem>>) src(%arg13 : memref<400x32xf32, #tpu.memory_space<vmem>>) dst(%dma_wait3A_213 : memref<400x32xf32, #tpu.memory_space<hbm>>)
    %dma_start3A_214 = arith.constant 1600 : i32
    %dma_start3A_215 = tpu.memref_slice %arg9[%dma_start3A_214] : memref<6400xi32, #tpu.memory_space<vmem>> -> memref<400xi32, #tpu.memory_space<vmem>>
    %dma_start3A_216 = arith.constant 0 : i32
    %dma_start3A_217 = arith.constant 0 : i32
    %dma_start3A_218 = tpu.memref_slice %arg5[%dma_start3A_216, %dma_start3A_217] : memref<100000x64xf32, #tpu.memory_space<hbm>> -> memref<100000x64xf32, #tpu.memory_space<hbm>>
    tpu.enqueue_indirect_dma source(%dma_start3A_218 : memref<100000x64xf32, #tpu.memory_space<hbm>>) target(%arg11 : memref<400x64xf32, #tpu.memory_space<vmem>>) offsets(%dma_start3A_215 : memref<400xi32, #tpu.memory_space<vmem>>) semaphore(%arg16 : memref<!tpu.dma_semaphore, #tpu.memory_space<semaphore_mem>>)
    %add3A_219 = arith.constant 1600 : i32
    %add3A_220 = arith.addi %mul3A_2, %add3A_219 : i32
    %dma_start3A_221 = tpu.memref_slice %arg3[%add3A_220] : memref<204800xi32, #tpu.memory_space<hbm>> -> memref<400xi32, #tpu.memory_space<hbm>>
    %dma_start3A_222 = tpu.memref_slice %arg3[%add3A_220] : memref<204800xi32, #tpu.memory_space<hbm>> -> memref<400xi32, #tpu.memory_space<hbm>>
    tpu.enqueue_dma source(%dma_start3A_222 : memref<400xi32, #tpu.memory_space<hbm>>) target(%arg14 : memref<400xi32, #tpu.memory_space<vmem>>) target_semaphore(%arg16 : memref<!tpu.dma_semaphore, #tpu.memory_space<semaphore_mem>>)
    %add3A_223 = arith.constant 1600 : i32
    %add3A_224 = arith.addi %mul3A_2, %add3A_223 : i32
    %dma_start3A_225 = tpu.memref_slice %arg4[%add3A_224] : memref<204800xi32, #tpu.memory_space<hbm>> -> memref<400xi32, #tpu.memory_space<hbm>>
    %dma_start3A_226 = tpu.memref_slice %arg4[%add3A_224] : memref<204800xi32, #tpu.memory_space<hbm>> -> memref<400xi32, #tpu.memory_space<hbm>>
    tpu.enqueue_dma source(%dma_start3A_226 : memref<400xi32, #tpu.memory_space<hbm>>) target(%arg15 : memref<400xi32, #tpu.memory_space<vmem>>) target_semaphore(%arg16 : memref<!tpu.dma_semaphore, #tpu.memory_space<semaphore_mem>>)
    %dma_wait3A_227 = arith.constant 1200 : i32
    %dma_wait3A_228 = tpu.memref_slice %arg9[%dma_wait3A_227] : memref<6400xi32, #tpu.memory_space<vmem>> -> memref<400xi32, #tpu.memory_space<vmem>>
    %dma_wait3A_229 = arith.constant 0 : i32
    %dma_wait3A_230 = arith.constant 0 : i32
    %dma_wait3A_231 = tpu.memref_slice %arg5[%dma_wait3A_229, %dma_wait3A_230] : memref<100000x64xf32, #tpu.memory_space<hbm>> -> memref<100000x64xf32, #tpu.memory_space<hbm>>
    tpu.wait_indirect_dma semaphore(%arg24 : memref<!tpu.dma_semaphore, #tpu.memory_space<semaphore_mem>>) src(%dma_wait3A_231 : memref<100000x64xf32, #tpu.memory_space<hbm>>) dst(%arg19 : memref<400x64xf32, #tpu.memory_space<vmem>>)
    %add3A_232 = arith.constant 1200 : i32
    %add3A_233 = arith.addi %mul3A_2, %add3A_232 : i32
    %dma_wait3A_234 = tpu.memref_slice %arg3[%add3A_233] : memref<204800xi32, #tpu.memory_space<hbm>> -> memref<400xi32, #tpu.memory_space<hbm>>
    %dma_wait3A_235 = tpu.memref_slice %arg3[%add3A_233] : memref<204800xi32, #tpu.memory_space<hbm>> -> memref<400xi32, #tpu.memory_space<hbm>>
    tpu.wait_dma2 semaphore(%arg24 : memref<!tpu.dma_semaphore, #tpu.memory_space<semaphore_mem>>) src(%dma_wait3A_235 : memref<400xi32, #tpu.memory_space<hbm>>) dst(%arg22 : memref<400xi32, #tpu.memory_space<vmem>>)
    %add3A_236 = arith.constant 1200 : i32
    %add3A_237 = arith.addi %mul3A_2, %add3A_236 : i32
    %dma_wait3A_238 = tpu.memref_slice %arg4[%add3A_237] : memref<204800xi32, #tpu.memory_space<hbm>> -> memref<400xi32, #tpu.memory_space<hbm>>
    %dma_wait3A_239 = tpu.memref_slice %arg4[%add3A_237] : memref<204800xi32, #tpu.memory_space<hbm>> -> memref<400xi32, #tpu.memory_space<hbm>>
    tpu.wait_dma2 semaphore(%arg24 : memref<!tpu.dma_semaphore, #tpu.memory_space<semaphore_mem>>) src(%dma_wait3A_239 : memref<400xi32, #tpu.memory_space<hbm>>) dst(%arg23 : memref<400xi32, #tpu.memory_space<vmem>>)
    %dma_start3A_240 = arith.constant 0 : i32
    %dma_start3A_241 = arith.constant 0 : i32
    %dma_start3A_242 = tpu.memref_slice %arg10[%dma_start3A_240, %dma_start3A_241] : memref<2000x32xf32, #tpu.memory_space<vmem_shared>> -> memref<2000x32xf32, #tpu.memory_space<vmem_shared>>
    tpu.enqueue_indirect_dma source(%dma_start3A_242 : memref<2000x32xf32, #tpu.memory_space<vmem_shared>>) target(%arg20 : memref<400x32xf32, #tpu.memory_space<vmem>>) offsets(%arg22 : memref<400xi32, #tpu.memory_space<vmem>>) semaphore(%arg25 : memref<!tpu.dma_semaphore, #tpu.memory_space<semaphore_mem>>)
    %dma_start3A_243 = arith.constant 0 : i32
    %dma_start3A_244 = arith.constant 0 : i32
    %dma_start3A_245 = tpu.memref_slice %arg10[%dma_start3A_243, %dma_start3A_244] : memref<2000x32xf32, #tpu.memory_space<vmem_shared>> -> memref<2000x32xf32, #tpu.memory_space<vmem_shared>>
    tpu.enqueue_indirect_dma source(%dma_start3A_245 : memref<2000x32xf32, #tpu.memory_space<vmem_shared>>) target(%arg21 : memref<400x32xf32, #tpu.memory_space<vmem>>) offsets(%arg23 : memref<400xi32, #tpu.memory_space<vmem>>) semaphore(%arg25 : memref<!tpu.dma_semaphore, #tpu.memory_space<semaphore_mem>>)
    %dma_wait3A_246 = arith.constant 0 : i32
    %dma_wait3A_247 = arith.constant 0 : i32
    %dma_wait3A_248 = tpu.memref_slice %arg10[%dma_wait3A_246, %dma_wait3A_247] : memref<2000x32xf32, #tpu.memory_space<vmem_shared>> -> memref<2000x32xf32, #tpu.memory_space<vmem_shared>>
    tpu.wait_indirect_dma semaphore(%arg25 : memref<!tpu.dma_semaphore, #tpu.memory_space<semaphore_mem>>) src(%dma_wait3A_248 : memref<2000x32xf32, #tpu.memory_space<vmem_shared>>) dst(%arg20 : memref<400x32xf32, #tpu.memory_space<vmem>>)
    %dma_wait3A_249 = arith.constant 0 : i32
    %dma_wait3A_250 = arith.constant 0 : i32
    %dma_wait3A_251 = tpu.memref_slice %arg10[%dma_wait3A_249, %dma_wait3A_250] : memref<2000x32xf32, #tpu.memory_space<vmem_shared>> -> memref<2000x32xf32, #tpu.memory_space<vmem_shared>>
    tpu.wait_indirect_dma semaphore(%arg25 : memref<!tpu.dma_semaphore, #tpu.memory_space<semaphore_mem>>) src(%dma_wait3A_251 : memref<2000x32xf32, #tpu.memory_space<vmem_shared>>) dst(%arg21 : memref<400x32xf32, #tpu.memory_space<vmem>>)
    %add3A_252 = arith.constant 1200 : i32
    %add3A_253 = arith.addi %mul3A_2, %add3A_252 : i32
    %dma_start3A_254 = arith.constant 0 : i32
    %dma_start3A_255 = tpu.memref_slice %arg8[%add3A_253, %dma_start3A_254] : memref<204800x128xf32, #tpu.memory_space<hbm>> -> memref<400x64xf32, #tpu.memory_space<hbm>>
    %dma_start3A_256 = arith.constant 0 : i32
    %dma_start3A_257 = tpu.memref_slice %arg8[%add3A_253, %dma_start3A_256] : memref<204800x128xf32, #tpu.memory_space<hbm>> -> memref<400x64xf32, #tpu.memory_space<hbm>>
    tpu.enqueue_dma source(%arg19 : memref<400x64xf32, #tpu.memory_space<vmem>>) target(%dma_start3A_257 : memref<400x64xf32, #tpu.memory_space<hbm>>) target_semaphore(%arg26 : memref<!tpu.dma_semaphore, #tpu.memory_space<semaphore_mem>>)
    %dma_start3A_258 = arith.constant 64 : i32
    %dma_start3A_259 = tpu.memref_slice %arg8[%add3A_253, %dma_start3A_258] : memref<204800x128xf32, #tpu.memory_space<hbm>> -> memref<400x32xf32, #tpu.memory_space<hbm>>
    %dma_start3A_260 = arith.constant 64 : i32
    %dma_start3A_261 = tpu.memref_slice %arg8[%add3A_253, %dma_start3A_260] : memref<204800x128xf32, #tpu.memory_space<hbm>> -> memref<400x32xf32, #tpu.memory_space<hbm>>
    tpu.enqueue_dma source(%arg20 : memref<400x32xf32, #tpu.memory_space<vmem>>) target(%dma_start3A_261 : memref<400x32xf32, #tpu.memory_space<hbm>>) target_semaphore(%arg26 : memref<!tpu.dma_semaphore, #tpu.memory_space<semaphore_mem>>)
    %dma_start3A_262 = arith.constant 96 : i32
    %dma_start3A_263 = tpu.memref_slice %arg8[%add3A_253, %dma_start3A_262] : memref<204800x128xf32, #tpu.memory_space<hbm>> -> memref<400x32xf32, #tpu.memory_space<hbm>>
    %dma_start3A_264 = arith.constant 96 : i32
    %dma_start3A_265 = tpu.memref_slice %arg8[%add3A_253, %dma_start3A_264] : memref<204800x128xf32, #tpu.memory_space<hbm>> -> memref<400x32xf32, #tpu.memory_space<hbm>>
    tpu.enqueue_dma source(%arg21 : memref<400x32xf32, #tpu.memory_space<vmem>>) target(%dma_start3A_265 : memref<400x32xf32, #tpu.memory_space<hbm>>) target_semaphore(%arg26 : memref<!tpu.dma_semaphore, #tpu.memory_space<semaphore_mem>>)
    %add3A_266 = arith.constant 1200 : i32
    %add3A_267 = arith.addi %mul3A_2, %add3A_266 : i32
    %dma_wait3A_268 = arith.constant 0 : i32
    %dma_wait3A_269 = tpu.memref_slice %arg8[%add3A_267, %dma_wait3A_268] : memref<204800x128xf32, #tpu.memory_space<hbm>> -> memref<400x64xf32, #tpu.memory_space<hbm>>
    %dma_wait3A_270 = arith.constant 0 : i32
    %dma_wait3A_271 = tpu.memref_slice %arg8[%add3A_267, %dma_wait3A_270] : memref<204800x128xf32, #tpu.memory_space<hbm>> -> memref<400x64xf32, #tpu.memory_space<hbm>>
    tpu.wait_dma2 semaphore(%arg26 : memref<!tpu.dma_semaphore, #tpu.memory_space<semaphore_mem>>) src(%arg19 : memref<400x64xf32, #tpu.memory_space<vmem>>) dst(%dma_wait3A_271 : memref<400x64xf32, #tpu.memory_space<hbm>>)
    %dma_wait3A_272 = arith.constant 64 : i32
    %dma_wait3A_273 = tpu.memref_slice %arg8[%add3A_267, %dma_wait3A_272] : memref<204800x128xf32, #tpu.memory_space<hbm>> -> memref<400x32xf32, #tpu.memory_space<hbm>>
    %dma_wait3A_274 = arith.constant 64 : i32
    %dma_wait3A_275 = tpu.memref_slice %arg8[%add3A_267, %dma_wait3A_274] : memref<204800x128xf32, #tpu.memory_space<hbm>> -> memref<400x32xf32, #tpu.memory_space<hbm>>
    tpu.wait_dma2 semaphore(%arg26 : memref<!tpu.dma_semaphore, #tpu.memory_space<semaphore_mem>>) src(%arg20 : memref<400x32xf32, #tpu.memory_space<vmem>>) dst(%dma_wait3A_275 : memref<400x32xf32, #tpu.memory_space<hbm>>)
    %dma_wait3A_276 = arith.constant 96 : i32
    %dma_wait3A_277 = tpu.memref_slice %arg8[%add3A_267, %dma_wait3A_276] : memref<204800x128xf32, #tpu.memory_space<hbm>> -> memref<400x32xf32, #tpu.memory_space<hbm>>
    %dma_wait3A_278 = arith.constant 96 : i32
    %dma_wait3A_279 = tpu.memref_slice %arg8[%add3A_267, %dma_wait3A_278] : memref<204800x128xf32, #tpu.memory_space<hbm>> -> memref<400x32xf32, #tpu.memory_space<hbm>>
    tpu.wait_dma2 semaphore(%arg26 : memref<!tpu.dma_semaphore, #tpu.memory_space<semaphore_mem>>) src(%arg21 : memref<400x32xf32, #tpu.memory_space<vmem>>) dst(%dma_wait3A_279 : memref<400x32xf32, #tpu.memory_space<hbm>>)
    %dma_start3A_280 = arith.constant 2000 : i32
    %dma_start3A_281 = tpu.memref_slice %arg9[%dma_start3A_280] : memref<6400xi32, #tpu.memory_space<vmem>> -> memref<400xi32, #tpu.memory_space<vmem>>
    %dma_start3A_282 = arith.constant 0 : i32
    %dma_start3A_283 = arith.constant 0 : i32
    %dma_start3A_284 = tpu.memref_slice %arg5[%dma_start3A_282, %dma_start3A_283] : memref<100000x64xf32, #tpu.memory_space<hbm>> -> memref<100000x64xf32, #tpu.memory_space<hbm>>
    tpu.enqueue_indirect_dma source(%dma_start3A_284 : memref<100000x64xf32, #tpu.memory_space<hbm>>) target(%arg19 : memref<400x64xf32, #tpu.memory_space<vmem>>) offsets(%dma_start3A_281 : memref<400xi32, #tpu.memory_space<vmem>>) semaphore(%arg24 : memref<!tpu.dma_semaphore, #tpu.memory_space<semaphore_mem>>)
    %add3A_285 = arith.constant 2000 : i32
    %add3A_286 = arith.addi %mul3A_2, %add3A_285 : i32
    %dma_start3A_287 = tpu.memref_slice %arg3[%add3A_286] : memref<204800xi32, #tpu.memory_space<hbm>> -> memref<400xi32, #tpu.memory_space<hbm>>
    %dma_start3A_288 = tpu.memref_slice %arg3[%add3A_286] : memref<204800xi32, #tpu.memory_space<hbm>> -> memref<400xi32, #tpu.memory_space<hbm>>
    tpu.enqueue_dma source(%dma_start3A_288 : memref<400xi32, #tpu.memory_space<hbm>>) target(%arg22 : memref<400xi32, #tpu.memory_space<vmem>>) target_semaphore(%arg24 : memref<!tpu.dma_semaphore, #tpu.memory_space<semaphore_mem>>)
    %add3A_289 = arith.constant 2000 : i32
    %add3A_290 = arith.addi %mul3A_2, %add3A_289 : i32
    %dma_start3A_291 = tpu.memref_slice %arg4[%add3A_290] : memref<204800xi32, #tpu.memory_space<hbm>> -> memref<400xi32, #tpu.memory_space<hbm>>
    %dma_start3A_292 = tpu.memref_slice %arg4[%add3A_290] : memref<204800xi32, #tpu.memory_space<hbm>> -> memref<400xi32, #tpu.memory_space<hbm>>
    tpu.enqueue_dma source(%dma_start3A_292 : memref<400xi32, #tpu.memory_space<hbm>>) target(%arg23 : memref<400xi32, #tpu.memory_space<vmem>>) target_semaphore(%arg24 : memref<!tpu.dma_semaphore, #tpu.memory_space<semaphore_mem>>)
    %dma_wait3A_293 = arith.constant 1600 : i32
    %dma_wait3A_294 = tpu.memref_slice %arg9[%dma_wait3A_293] : memref<6400xi32, #tpu.memory_space<vmem>> -> memref<400xi32, #tpu.memory_space<vmem>>
    %dma_wait3A_295 = arith.constant 0 : i32
    %dma_wait3A_296 = arith.constant 0 : i32
    %dma_wait3A_297 = tpu.memref_slice %arg5[%dma_wait3A_295, %dma_wait3A_296] : memref<100000x64xf32, #tpu.memory_space<hbm>> -> memref<100000x64xf32, #tpu.memory_space<hbm>>
    tpu.wait_indirect_dma semaphore(%arg16 : memref<!tpu.dma_semaphore, #tpu.memory_space<semaphore_mem>>) src(%dma_wait3A_297 : memref<100000x64xf32, #tpu.memory_space<hbm>>) dst(%arg11 : memref<400x64xf32, #tpu.memory_space<vmem>>)
    %add3A_298 = arith.constant 1600 : i32
    %add3A_299 = arith.addi %mul3A_2, %add3A_298 : i32
    %dma_wait3A_300 = tpu.memref_slice %arg3[%add3A_299] : memref<204800xi32, #tpu.memory_space<hbm>> -> memref<400xi32, #tpu.memory_space<hbm>>
    %dma_wait3A_301 = tpu.memref_slice %arg3[%add3A_299] : memref<204800xi32, #tpu.memory_space<hbm>> -> memref<400xi32, #tpu.memory_space<hbm>>
    tpu.wait_dma2 semaphore(%arg16 : memref<!tpu.dma_semaphore, #tpu.memory_space<semaphore_mem>>) src(%dma_wait3A_301 : memref<400xi32, #tpu.memory_space<hbm>>) dst(%arg14 : memref<400xi32, #tpu.memory_space<vmem>>)
    %add3A_302 = arith.constant 1600 : i32
    %add3A_303 = arith.addi %mul3A_2, %add3A_302 : i32
    %dma_wait3A_304 = tpu.memref_slice %arg4[%add3A_303] : memref<204800xi32, #tpu.memory_space<hbm>> -> memref<400xi32, #tpu.memory_space<hbm>>
    %dma_wait3A_305 = tpu.memref_slice %arg4[%add3A_303] : memref<204800xi32, #tpu.memory_space<hbm>> -> memref<400xi32, #tpu.memory_space<hbm>>
    tpu.wait_dma2 semaphore(%arg16 : memref<!tpu.dma_semaphore, #tpu.memory_space<semaphore_mem>>) src(%dma_wait3A_305 : memref<400xi32, #tpu.memory_space<hbm>>) dst(%arg15 : memref<400xi32, #tpu.memory_space<vmem>>)
    %dma_start3A_306 = arith.constant 0 : i32
    %dma_start3A_307 = arith.constant 0 : i32
    %dma_start3A_308 = tpu.memref_slice %arg10[%dma_start3A_306, %dma_start3A_307] : memref<2000x32xf32, #tpu.memory_space<vmem_shared>> -> memref<2000x32xf32, #tpu.memory_space<vmem_shared>>
    tpu.enqueue_indirect_dma source(%dma_start3A_308 : memref<2000x32xf32, #tpu.memory_space<vmem_shared>>) target(%arg12 : memref<400x32xf32, #tpu.memory_space<vmem>>) offsets(%arg14 : memref<400xi32, #tpu.memory_space<vmem>>) semaphore(%arg17 : memref<!tpu.dma_semaphore, #tpu.memory_space<semaphore_mem>>)
    %dma_start3A_309 = arith.constant 0 : i32
    %dma_start3A_310 = arith.constant 0 : i32
    %dma_start3A_311 = tpu.memref_slice %arg10[%dma_start3A_309, %dma_start3A_310] : memref<2000x32xf32, #tpu.memory_space<vmem_shared>> -> memref<2000x32xf32, #tpu.memory_space<vmem_shared>>
    tpu.enqueue_indirect_dma source(%dma_start3A_311 : memref<2000x32xf32, #tpu.memory_space<vmem_shared>>) target(%arg13 : memref<400x32xf32, #tpu.memory_space<vmem>>) offsets(%arg15 : memref<400xi32, #tpu.memory_space<vmem>>) semaphore(%arg17 : memref<!tpu.dma_semaphore, #tpu.memory_space<semaphore_mem>>)
    %dma_wait3A_312 = arith.constant 0 : i32
    %dma_wait3A_313 = arith.constant 0 : i32
    %dma_wait3A_314 = tpu.memref_slice %arg10[%dma_wait3A_312, %dma_wait3A_313] : memref<2000x32xf32, #tpu.memory_space<vmem_shared>> -> memref<2000x32xf32, #tpu.memory_space<vmem_shared>>
    tpu.wait_indirect_dma semaphore(%arg17 : memref<!tpu.dma_semaphore, #tpu.memory_space<semaphore_mem>>) src(%dma_wait3A_314 : memref<2000x32xf32, #tpu.memory_space<vmem_shared>>) dst(%arg12 : memref<400x32xf32, #tpu.memory_space<vmem>>)
    %dma_wait3A_315 = arith.constant 0 : i32
    %dma_wait3A_316 = arith.constant 0 : i32
    %dma_wait3A_317 = tpu.memref_slice %arg10[%dma_wait3A_315, %dma_wait3A_316] : memref<2000x32xf32, #tpu.memory_space<vmem_shared>> -> memref<2000x32xf32, #tpu.memory_space<vmem_shared>>
    tpu.wait_indirect_dma semaphore(%arg17 : memref<!tpu.dma_semaphore, #tpu.memory_space<semaphore_mem>>) src(%dma_wait3A_317 : memref<2000x32xf32, #tpu.memory_space<vmem_shared>>) dst(%arg13 : memref<400x32xf32, #tpu.memory_space<vmem>>)
    %add3A_318 = arith.constant 1600 : i32
    %add3A_319 = arith.addi %mul3A_2, %add3A_318 : i32
    %dma_start3A_320 = arith.constant 0 : i32
    %dma_start3A_321 = tpu.memref_slice %arg8[%add3A_319, %dma_start3A_320] : memref<204800x128xf32, #tpu.memory_space<hbm>> -> memref<400x64xf32, #tpu.memory_space<hbm>>
    %dma_start3A_322 = arith.constant 0 : i32
    %dma_start3A_323 = tpu.memref_slice %arg8[%add3A_319, %dma_start3A_322] : memref<204800x128xf32, #tpu.memory_space<hbm>> -> memref<400x64xf32, #tpu.memory_space<hbm>>
    tpu.enqueue_dma source(%arg11 : memref<400x64xf32, #tpu.memory_space<vmem>>) target(%dma_start3A_323 : memref<400x64xf32, #tpu.memory_space<hbm>>) target_semaphore(%arg18 : memref<!tpu.dma_semaphore, #tpu.memory_space<semaphore_mem>>)
    %dma_start3A_324 = arith.constant 64 : i32
    %dma_start3A_325 = tpu.memref_slice %arg8[%add3A_319, %dma_start3A_324] : memref<204800x128xf32, #tpu.memory_space<hbm>> -> memref<400x32xf32, #tpu.memory_space<hbm>>
    %dma_start3A_326 = arith.constant 64 : i32
    %dma_start3A_327 = tpu.memref_slice %arg8[%add3A_319, %dma_start3A_326] : memref<204800x128xf32, #tpu.memory_space<hbm>> -> memref<400x32xf32, #tpu.memory_space<hbm>>
    tpu.enqueue_dma source(%arg12 : memref<400x32xf32, #tpu.memory_space<vmem>>) target(%dma_start3A_327 : memref<400x32xf32, #tpu.memory_space<hbm>>) target_semaphore(%arg18 : memref<!tpu.dma_semaphore, #tpu.memory_space<semaphore_mem>>)
    %dma_start3A_328 = arith.constant 96 : i32
    %dma_start3A_329 = tpu.memref_slice %arg8[%add3A_319, %dma_start3A_328] : memref<204800x128xf32, #tpu.memory_space<hbm>> -> memref<400x32xf32, #tpu.memory_space<hbm>>
    %dma_start3A_330 = arith.constant 96 : i32
    %dma_start3A_331 = tpu.memref_slice %arg8[%add3A_319, %dma_start3A_330] : memref<204800x128xf32, #tpu.memory_space<hbm>> -> memref<400x32xf32, #tpu.memory_space<hbm>>
    tpu.enqueue_dma source(%arg13 : memref<400x32xf32, #tpu.memory_space<vmem>>) target(%dma_start3A_331 : memref<400x32xf32, #tpu.memory_space<hbm>>) target_semaphore(%arg18 : memref<!tpu.dma_semaphore, #tpu.memory_space<semaphore_mem>>)
    %add3A_332 = arith.constant 1600 : i32
    %add3A_333 = arith.addi %mul3A_2, %add3A_332 : i32
    %dma_wait3A_334 = arith.constant 0 : i32
    %dma_wait3A_335 = tpu.memref_slice %arg8[%add3A_333, %dma_wait3A_334] : memref<204800x128xf32, #tpu.memory_space<hbm>> -> memref<400x64xf32, #tpu.memory_space<hbm>>
    %dma_wait3A_336 = arith.constant 0 : i32
    %dma_wait3A_337 = tpu.memref_slice %arg8[%add3A_333, %dma_wait3A_336] : memref<204800x128xf32, #tpu.memory_space<hbm>> -> memref<400x64xf32, #tpu.memory_space<hbm>>
    tpu.wait_dma2 semaphore(%arg18 : memref<!tpu.dma_semaphore, #tpu.memory_space<semaphore_mem>>) src(%arg11 : memref<400x64xf32, #tpu.memory_space<vmem>>) dst(%dma_wait3A_337 : memref<400x64xf32, #tpu.memory_space<hbm>>)
    %dma_wait3A_338 = arith.constant 64 : i32
    %dma_wait3A_339 = tpu.memref_slice %arg8[%add3A_333, %dma_wait3A_338] : memref<204800x128xf32, #tpu.memory_space<hbm>> -> memref<400x32xf32, #tpu.memory_space<hbm>>
    %dma_wait3A_340 = arith.constant 64 : i32
    %dma_wait3A_341 = tpu.memref_slice %arg8[%add3A_333, %dma_wait3A_340] : memref<204800x128xf32, #tpu.memory_space<hbm>> -> memref<400x32xf32, #tpu.memory_space<hbm>>
    tpu.wait_dma2 semaphore(%arg18 : memref<!tpu.dma_semaphore, #tpu.memory_space<semaphore_mem>>) src(%arg12 : memref<400x32xf32, #tpu.memory_space<vmem>>) dst(%dma_wait3A_341 : memref<400x32xf32, #tpu.memory_space<hbm>>)
    %dma_wait3A_342 = arith.constant 96 : i32
    %dma_wait3A_343 = tpu.memref_slice %arg8[%add3A_333, %dma_wait3A_342] : memref<204800x128xf32, #tpu.memory_space<hbm>> -> memref<400x32xf32, #tpu.memory_space<hbm>>
    %dma_wait3A_344 = arith.constant 96 : i32
    %dma_wait3A_345 = tpu.memref_slice %arg8[%add3A_333, %dma_wait3A_344] : memref<204800x128xf32, #tpu.memory_space<hbm>> -> memref<400x32xf32, #tpu.memory_space<hbm>>
    tpu.wait_dma2 semaphore(%arg18 : memref<!tpu.dma_semaphore, #tpu.memory_space<semaphore_mem>>) src(%arg13 : memref<400x32xf32, #tpu.memory_space<vmem>>) dst(%dma_wait3A_345 : memref<400x32xf32, #tpu.memory_space<hbm>>)
    %dma_start3A_346 = arith.constant 2400 : i32
    %dma_start3A_347 = tpu.memref_slice %arg9[%dma_start3A_346] : memref<6400xi32, #tpu.memory_space<vmem>> -> memref<400xi32, #tpu.memory_space<vmem>>
    %dma_start3A_348 = arith.constant 0 : i32
    %dma_start3A_349 = arith.constant 0 : i32
    %dma_start3A_350 = tpu.memref_slice %arg5[%dma_start3A_348, %dma_start3A_349] : memref<100000x64xf32, #tpu.memory_space<hbm>> -> memref<100000x64xf32, #tpu.memory_space<hbm>>
    tpu.enqueue_indirect_dma source(%dma_start3A_350 : memref<100000x64xf32, #tpu.memory_space<hbm>>) target(%arg11 : memref<400x64xf32, #tpu.memory_space<vmem>>) offsets(%dma_start3A_347 : memref<400xi32, #tpu.memory_space<vmem>>) semaphore(%arg16 : memref<!tpu.dma_semaphore, #tpu.memory_space<semaphore_mem>>)
    %add3A_351 = arith.constant 2400 : i32
    %add3A_352 = arith.addi %mul3A_2, %add3A_351 : i32
    %dma_start3A_353 = tpu.memref_slice %arg3[%add3A_352] : memref<204800xi32, #tpu.memory_space<hbm>> -> memref<400xi32, #tpu.memory_space<hbm>>
    %dma_start3A_354 = tpu.memref_slice %arg3[%add3A_352] : memref<204800xi32, #tpu.memory_space<hbm>> -> memref<400xi32, #tpu.memory_space<hbm>>
    tpu.enqueue_dma source(%dma_start3A_354 : memref<400xi32, #tpu.memory_space<hbm>>) target(%arg14 : memref<400xi32, #tpu.memory_space<vmem>>) target_semaphore(%arg16 : memref<!tpu.dma_semaphore, #tpu.memory_space<semaphore_mem>>)
    %add3A_355 = arith.constant 2400 : i32
    %add3A_356 = arith.addi %mul3A_2, %add3A_355 : i32
    %dma_start3A_357 = tpu.memref_slice %arg4[%add3A_356] : memref<204800xi32, #tpu.memory_space<hbm>> -> memref<400xi32, #tpu.memory_space<hbm>>
    %dma_start3A_358 = tpu.memref_slice %arg4[%add3A_356] : memref<204800xi32, #tpu.memory_space<hbm>> -> memref<400xi32, #tpu.memory_space<hbm>>
    tpu.enqueue_dma source(%dma_start3A_358 : memref<400xi32, #tpu.memory_space<hbm>>) target(%arg15 : memref<400xi32, #tpu.memory_space<vmem>>) target_semaphore(%arg16 : memref<!tpu.dma_semaphore, #tpu.memory_space<semaphore_mem>>)
    %dma_wait3A_359 = arith.constant 2000 : i32
    %dma_wait3A_360 = tpu.memref_slice %arg9[%dma_wait3A_359] : memref<6400xi32, #tpu.memory_space<vmem>> -> memref<400xi32, #tpu.memory_space<vmem>>
    %dma_wait3A_361 = arith.constant 0 : i32
    %dma_wait3A_362 = arith.constant 0 : i32
    %dma_wait3A_363 = tpu.memref_slice %arg5[%dma_wait3A_361, %dma_wait3A_362] : memref<100000x64xf32, #tpu.memory_space<hbm>> -> memref<100000x64xf32, #tpu.memory_space<hbm>>
    tpu.wait_indirect_dma semaphore(%arg24 : memref<!tpu.dma_semaphore, #tpu.memory_space<semaphore_mem>>) src(%dma_wait3A_363 : memref<100000x64xf32, #tpu.memory_space<hbm>>) dst(%arg19 : memref<400x64xf32, #tpu.memory_space<vmem>>)
    %add3A_364 = arith.constant 2000 : i32
    %add3A_365 = arith.addi %mul3A_2, %add3A_364 : i32
    %dma_wait3A_366 = tpu.memref_slice %arg3[%add3A_365] : memref<204800xi32, #tpu.memory_space<hbm>> -> memref<400xi32, #tpu.memory_space<hbm>>
    %dma_wait3A_367 = tpu.memref_slice %arg3[%add3A_365] : memref<204800xi32, #tpu.memory_space<hbm>> -> memref<400xi32, #tpu.memory_space<hbm>>
    tpu.wait_dma2 semaphore(%arg24 : memref<!tpu.dma_semaphore, #tpu.memory_space<semaphore_mem>>) src(%dma_wait3A_367 : memref<400xi32, #tpu.memory_space<hbm>>) dst(%arg22 : memref<400xi32, #tpu.memory_space<vmem>>)
    %add3A_368 = arith.constant 2000 : i32
    %add3A_369 = arith.addi %mul3A_2, %add3A_368 : i32
    %dma_wait3A_370 = tpu.memref_slice %arg4[%add3A_369] : memref<204800xi32, #tpu.memory_space<hbm>> -> memref<400xi32, #tpu.memory_space<hbm>>
    %dma_wait3A_371 = tpu.memref_slice %arg4[%add3A_369] : memref<204800xi32, #tpu.memory_space<hbm>> -> memref<400xi32, #tpu.memory_space<hbm>>
    tpu.wait_dma2 semaphore(%arg24 : memref<!tpu.dma_semaphore, #tpu.memory_space<semaphore_mem>>) src(%dma_wait3A_371 : memref<400xi32, #tpu.memory_space<hbm>>) dst(%arg23 : memref<400xi32, #tpu.memory_space<vmem>>)
    %dma_start3A_372 = arith.constant 0 : i32
    %dma_start3A_373 = arith.constant 0 : i32
    %dma_start3A_374 = tpu.memref_slice %arg10[%dma_start3A_372, %dma_start3A_373] : memref<2000x32xf32, #tpu.memory_space<vmem_shared>> -> memref<2000x32xf32, #tpu.memory_space<vmem_shared>>
    tpu.enqueue_indirect_dma source(%dma_start3A_374 : memref<2000x32xf32, #tpu.memory_space<vmem_shared>>) target(%arg20 : memref<400x32xf32, #tpu.memory_space<vmem>>) offsets(%arg22 : memref<400xi32, #tpu.memory_space<vmem>>) semaphore(%arg25 : memref<!tpu.dma_semaphore, #tpu.memory_space<semaphore_mem>>)
    %dma_start3A_375 = arith.constant 0 : i32
    %dma_start3A_376 = arith.constant 0 : i32
    %dma_start3A_377 = tpu.memref_slice %arg10[%dma_start3A_375, %dma_start3A_376] : memref<2000x32xf32, #tpu.memory_space<vmem_shared>> -> memref<2000x32xf32, #tpu.memory_space<vmem_shared>>
    tpu.enqueue_indirect_dma source(%dma_start3A_377 : memref<2000x32xf32, #tpu.memory_space<vmem_shared>>) target(%arg21 : memref<400x32xf32, #tpu.memory_space<vmem>>) offsets(%arg23 : memref<400xi32, #tpu.memory_space<vmem>>) semaphore(%arg25 : memref<!tpu.dma_semaphore, #tpu.memory_space<semaphore_mem>>)
    %dma_wait3A_378 = arith.constant 0 : i32
    %dma_wait3A_379 = arith.constant 0 : i32
    %dma_wait3A_380 = tpu.memref_slice %arg10[%dma_wait3A_378, %dma_wait3A_379] : memref<2000x32xf32, #tpu.memory_space<vmem_shared>> -> memref<2000x32xf32, #tpu.memory_space<vmem_shared>>
    tpu.wait_indirect_dma semaphore(%arg25 : memref<!tpu.dma_semaphore, #tpu.memory_space<semaphore_mem>>) src(%dma_wait3A_380 : memref<2000x32xf32, #tpu.memory_space<vmem_shared>>) dst(%arg20 : memref<400x32xf32, #tpu.memory_space<vmem>>)
    %dma_wait3A_381 = arith.constant 0 : i32
    %dma_wait3A_382 = arith.constant 0 : i32
    %dma_wait3A_383 = tpu.memref_slice %arg10[%dma_wait3A_381, %dma_wait3A_382] : memref<2000x32xf32, #tpu.memory_space<vmem_shared>> -> memref<2000x32xf32, #tpu.memory_space<vmem_shared>>
    tpu.wait_indirect_dma semaphore(%arg25 : memref<!tpu.dma_semaphore, #tpu.memory_space<semaphore_mem>>) src(%dma_wait3A_383 : memref<2000x32xf32, #tpu.memory_space<vmem_shared>>) dst(%arg21 : memref<400x32xf32, #tpu.memory_space<vmem>>)
    %add3A_384 = arith.constant 2000 : i32
    %add3A_385 = arith.addi %mul3A_2, %add3A_384 : i32
    %dma_start3A_386 = arith.constant 0 : i32
    %dma_start3A_387 = tpu.memref_slice %arg8[%add3A_385, %dma_start3A_386] : memref<204800x128xf32, #tpu.memory_space<hbm>> -> memref<400x64xf32, #tpu.memory_space<hbm>>
    %dma_start3A_388 = arith.constant 0 : i32
    %dma_start3A_389 = tpu.memref_slice %arg8[%add3A_385, %dma_start3A_388] : memref<204800x128xf32, #tpu.memory_space<hbm>> -> memref<400x64xf32, #tpu.memory_space<hbm>>
    tpu.enqueue_dma source(%arg19 : memref<400x64xf32, #tpu.memory_space<vmem>>) target(%dma_start3A_389 : memref<400x64xf32, #tpu.memory_space<hbm>>) target_semaphore(%arg26 : memref<!tpu.dma_semaphore, #tpu.memory_space<semaphore_mem>>)
    %dma_start3A_390 = arith.constant 64 : i32
    %dma_start3A_391 = tpu.memref_slice %arg8[%add3A_385, %dma_start3A_390] : memref<204800x128xf32, #tpu.memory_space<hbm>> -> memref<400x32xf32, #tpu.memory_space<hbm>>
    %dma_start3A_392 = arith.constant 64 : i32
    %dma_start3A_393 = tpu.memref_slice %arg8[%add3A_385, %dma_start3A_392] : memref<204800x128xf32, #tpu.memory_space<hbm>> -> memref<400x32xf32, #tpu.memory_space<hbm>>
    tpu.enqueue_dma source(%arg20 : memref<400x32xf32, #tpu.memory_space<vmem>>) target(%dma_start3A_393 : memref<400x32xf32, #tpu.memory_space<hbm>>) target_semaphore(%arg26 : memref<!tpu.dma_semaphore, #tpu.memory_space<semaphore_mem>>)
    %dma_start3A_394 = arith.constant 96 : i32
    %dma_start3A_395 = tpu.memref_slice %arg8[%add3A_385, %dma_start3A_394] : memref<204800x128xf32, #tpu.memory_space<hbm>> -> memref<400x32xf32, #tpu.memory_space<hbm>>
    %dma_start3A_396 = arith.constant 96 : i32
    %dma_start3A_397 = tpu.memref_slice %arg8[%add3A_385, %dma_start3A_396] : memref<204800x128xf32, #tpu.memory_space<hbm>> -> memref<400x32xf32, #tpu.memory_space<hbm>>
    tpu.enqueue_dma source(%arg21 : memref<400x32xf32, #tpu.memory_space<vmem>>) target(%dma_start3A_397 : memref<400x32xf32, #tpu.memory_space<hbm>>) target_semaphore(%arg26 : memref<!tpu.dma_semaphore, #tpu.memory_space<semaphore_mem>>)
    %add3A_398 = arith.constant 2000 : i32
    %add3A_399 = arith.addi %mul3A_2, %add3A_398 : i32
    %dma_wait3A_400 = arith.constant 0 : i32
    %dma_wait3A_401 = tpu.memref_slice %arg8[%add3A_399, %dma_wait3A_400] : memref<204800x128xf32, #tpu.memory_space<hbm>> -> memref<400x64xf32, #tpu.memory_space<hbm>>
    %dma_wait3A_402 = arith.constant 0 : i32
    %dma_wait3A_403 = tpu.memref_slice %arg8[%add3A_399, %dma_wait3A_402] : memref<204800x128xf32, #tpu.memory_space<hbm>> -> memref<400x64xf32, #tpu.memory_space<hbm>>
    tpu.wait_dma2 semaphore(%arg26 : memref<!tpu.dma_semaphore, #tpu.memory_space<semaphore_mem>>) src(%arg19 : memref<400x64xf32, #tpu.memory_space<vmem>>) dst(%dma_wait3A_403 : memref<400x64xf32, #tpu.memory_space<hbm>>)
    %dma_wait3A_404 = arith.constant 64 : i32
    %dma_wait3A_405 = tpu.memref_slice %arg8[%add3A_399, %dma_wait3A_404] : memref<204800x128xf32, #tpu.memory_space<hbm>> -> memref<400x32xf32, #tpu.memory_space<hbm>>
    %dma_wait3A_406 = arith.constant 64 : i32
    %dma_wait3A_407 = tpu.memref_slice %arg8[%add3A_399, %dma_wait3A_406] : memref<204800x128xf32, #tpu.memory_space<hbm>> -> memref<400x32xf32, #tpu.memory_space<hbm>>
    tpu.wait_dma2 semaphore(%arg26 : memref<!tpu.dma_semaphore, #tpu.memory_space<semaphore_mem>>) src(%arg20 : memref<400x32xf32, #tpu.memory_space<vmem>>) dst(%dma_wait3A_407 : memref<400x32xf32, #tpu.memory_space<hbm>>)
    %dma_wait3A_408 = arith.constant 96 : i32
    %dma_wait3A_409 = tpu.memref_slice %arg8[%add3A_399, %dma_wait3A_408] : memref<204800x128xf32, #tpu.memory_space<hbm>> -> memref<400x32xf32, #tpu.memory_space<hbm>>
    %dma_wait3A_410 = arith.constant 96 : i32
    %dma_wait3A_411 = tpu.memref_slice %arg8[%add3A_399, %dma_wait3A_410] : memref<204800x128xf32, #tpu.memory_space<hbm>> -> memref<400x32xf32, #tpu.memory_space<hbm>>
    tpu.wait_dma2 semaphore(%arg26 : memref<!tpu.dma_semaphore, #tpu.memory_space<semaphore_mem>>) src(%arg21 : memref<400x32xf32, #tpu.memory_space<vmem>>) dst(%dma_wait3A_411 : memref<400x32xf32, #tpu.memory_space<hbm>>)
    %dma_start3A_412 = arith.constant 2800 : i32
    %dma_start3A_413 = tpu.memref_slice %arg9[%dma_start3A_412] : memref<6400xi32, #tpu.memory_space<vmem>> -> memref<400xi32, #tpu.memory_space<vmem>>
    %dma_start3A_414 = arith.constant 0 : i32
    %dma_start3A_415 = arith.constant 0 : i32
    %dma_start3A_416 = tpu.memref_slice %arg5[%dma_start3A_414, %dma_start3A_415] : memref<100000x64xf32, #tpu.memory_space<hbm>> -> memref<100000x64xf32, #tpu.memory_space<hbm>>
    tpu.enqueue_indirect_dma source(%dma_start3A_416 : memref<100000x64xf32, #tpu.memory_space<hbm>>) target(%arg19 : memref<400x64xf32, #tpu.memory_space<vmem>>) offsets(%dma_start3A_413 : memref<400xi32, #tpu.memory_space<vmem>>) semaphore(%arg24 : memref<!tpu.dma_semaphore, #tpu.memory_space<semaphore_mem>>)
    %add3A_417 = arith.constant 2800 : i32
    %add3A_418 = arith.addi %mul3A_2, %add3A_417 : i32
    %dma_start3A_419 = tpu.memref_slice %arg3[%add3A_418] : memref<204800xi32, #tpu.memory_space<hbm>> -> memref<400xi32, #tpu.memory_space<hbm>>
    %dma_start3A_420 = tpu.memref_slice %arg3[%add3A_418] : memref<204800xi32, #tpu.memory_space<hbm>> -> memref<400xi32, #tpu.memory_space<hbm>>
    tpu.enqueue_dma source(%dma_start3A_420 : memref<400xi32, #tpu.memory_space<hbm>>) target(%arg22 : memref<400xi32, #tpu.memory_space<vmem>>) target_semaphore(%arg24 : memref<!tpu.dma_semaphore, #tpu.memory_space<semaphore_mem>>)
    %add3A_421 = arith.constant 2800 : i32
    %add3A_422 = arith.addi %mul3A_2, %add3A_421 : i32
    %dma_start3A_423 = tpu.memref_slice %arg4[%add3A_422] : memref<204800xi32, #tpu.memory_space<hbm>> -> memref<400xi32, #tpu.memory_space<hbm>>
    %dma_start3A_424 = tpu.memref_slice %arg4[%add3A_422] : memref<204800xi32, #tpu.memory_space<hbm>> -> memref<400xi32, #tpu.memory_space<hbm>>
    tpu.enqueue_dma source(%dma_start3A_424 : memref<400xi32, #tpu.memory_space<hbm>>) target(%arg23 : memref<400xi32, #tpu.memory_space<vmem>>) target_semaphore(%arg24 : memref<!tpu.dma_semaphore, #tpu.memory_space<semaphore_mem>>)
    %dma_wait3A_425 = arith.constant 2400 : i32
    %dma_wait3A_426 = tpu.memref_slice %arg9[%dma_wait3A_425] : memref<6400xi32, #tpu.memory_space<vmem>> -> memref<400xi32, #tpu.memory_space<vmem>>
    %dma_wait3A_427 = arith.constant 0 : i32
    %dma_wait3A_428 = arith.constant 0 : i32
    %dma_wait3A_429 = tpu.memref_slice %arg5[%dma_wait3A_427, %dma_wait3A_428] : memref<100000x64xf32, #tpu.memory_space<hbm>> -> memref<100000x64xf32, #tpu.memory_space<hbm>>
    tpu.wait_indirect_dma semaphore(%arg16 : memref<!tpu.dma_semaphore, #tpu.memory_space<semaphore_mem>>) src(%dma_wait3A_429 : memref<100000x64xf32, #tpu.memory_space<hbm>>) dst(%arg11 : memref<400x64xf32, #tpu.memory_space<vmem>>)
    %add3A_430 = arith.constant 2400 : i32
    %add3A_431 = arith.addi %mul3A_2, %add3A_430 : i32
    %dma_wait3A_432 = tpu.memref_slice %arg3[%add3A_431] : memref<204800xi32, #tpu.memory_space<hbm>> -> memref<400xi32, #tpu.memory_space<hbm>>
    %dma_wait3A_433 = tpu.memref_slice %arg3[%add3A_431] : memref<204800xi32, #tpu.memory_space<hbm>> -> memref<400xi32, #tpu.memory_space<hbm>>
    tpu.wait_dma2 semaphore(%arg16 : memref<!tpu.dma_semaphore, #tpu.memory_space<semaphore_mem>>) src(%dma_wait3A_433 : memref<400xi32, #tpu.memory_space<hbm>>) dst(%arg14 : memref<400xi32, #tpu.memory_space<vmem>>)
    %add3A_434 = arith.constant 2400 : i32
    %add3A_435 = arith.addi %mul3A_2, %add3A_434 : i32
    %dma_wait3A_436 = tpu.memref_slice %arg4[%add3A_435] : memref<204800xi32, #tpu.memory_space<hbm>> -> memref<400xi32, #tpu.memory_space<hbm>>
    %dma_wait3A_437 = tpu.memref_slice %arg4[%add3A_435] : memref<204800xi32, #tpu.memory_space<hbm>> -> memref<400xi32, #tpu.memory_space<hbm>>
    tpu.wait_dma2 semaphore(%arg16 : memref<!tpu.dma_semaphore, #tpu.memory_space<semaphore_mem>>) src(%dma_wait3A_437 : memref<400xi32, #tpu.memory_space<hbm>>) dst(%arg15 : memref<400xi32, #tpu.memory_space<vmem>>)
    %dma_start3A_438 = arith.constant 0 : i32
    %dma_start3A_439 = arith.constant 0 : i32
    %dma_start3A_440 = tpu.memref_slice %arg10[%dma_start3A_438, %dma_start3A_439] : memref<2000x32xf32, #tpu.memory_space<vmem_shared>> -> memref<2000x32xf32, #tpu.memory_space<vmem_shared>>
    tpu.enqueue_indirect_dma source(%dma_start3A_440 : memref<2000x32xf32, #tpu.memory_space<vmem_shared>>) target(%arg12 : memref<400x32xf32, #tpu.memory_space<vmem>>) offsets(%arg14 : memref<400xi32, #tpu.memory_space<vmem>>) semaphore(%arg17 : memref<!tpu.dma_semaphore, #tpu.memory_space<semaphore_mem>>)
    %dma_start3A_441 = arith.constant 0 : i32
    %dma_start3A_442 = arith.constant 0 : i32
    %dma_start3A_443 = tpu.memref_slice %arg10[%dma_start3A_441, %dma_start3A_442] : memref<2000x32xf32, #tpu.memory_space<vmem_shared>> -> memref<2000x32xf32, #tpu.memory_space<vmem_shared>>
    tpu.enqueue_indirect_dma source(%dma_start3A_443 : memref<2000x32xf32, #tpu.memory_space<vmem_shared>>) target(%arg13 : memref<400x32xf32, #tpu.memory_space<vmem>>) offsets(%arg15 : memref<400xi32, #tpu.memory_space<vmem>>) semaphore(%arg17 : memref<!tpu.dma_semaphore, #tpu.memory_space<semaphore_mem>>)
    %dma_wait3A_444 = arith.constant 0 : i32
    %dma_wait3A_445 = arith.constant 0 : i32
    %dma_wait3A_446 = tpu.memref_slice %arg10[%dma_wait3A_444, %dma_wait3A_445] : memref<2000x32xf32, #tpu.memory_space<vmem_shared>> -> memref<2000x32xf32, #tpu.memory_space<vmem_shared>>
    tpu.wait_indirect_dma semaphore(%arg17 : memref<!tpu.dma_semaphore, #tpu.memory_space<semaphore_mem>>) src(%dma_wait3A_446 : memref<2000x32xf32, #tpu.memory_space<vmem_shared>>) dst(%arg12 : memref<400x32xf32, #tpu.memory_space<vmem>>)
    %dma_wait3A_447 = arith.constant 0 : i32
    %dma_wait3A_448 = arith.constant 0 : i32
    %dma_wait3A_449 = tpu.memref_slice %arg10[%dma_wait3A_447, %dma_wait3A_448] : memref<2000x32xf32, #tpu.memory_space<vmem_shared>> -> memref<2000x32xf32, #tpu.memory_space<vmem_shared>>
    tpu.wait_indirect_dma semaphore(%arg17 : memref<!tpu.dma_semaphore, #tpu.memory_space<semaphore_mem>>) src(%dma_wait3A_449 : memref<2000x32xf32, #tpu.memory_space<vmem_shared>>) dst(%arg13 : memref<400x32xf32, #tpu.memory_space<vmem>>)
    %add3A_450 = arith.constant 2400 : i32
    %add3A_451 = arith.addi %mul3A_2, %add3A_450 : i32
    %dma_start3A_452 = arith.constant 0 : i32
    %dma_start3A_453 = tpu.memref_slice %arg8[%add3A_451, %dma_start3A_452] : memref<204800x128xf32, #tpu.memory_space<hbm>> -> memref<400x64xf32, #tpu.memory_space<hbm>>
    %dma_start3A_454 = arith.constant 0 : i32
    %dma_start3A_455 = tpu.memref_slice %arg8[%add3A_451, %dma_start3A_454] : memref<204800x128xf32, #tpu.memory_space<hbm>> -> memref<400x64xf32, #tpu.memory_space<hbm>>
    tpu.enqueue_dma source(%arg11 : memref<400x64xf32, #tpu.memory_space<vmem>>) target(%dma_start3A_455 : memref<400x64xf32, #tpu.memory_space<hbm>>) target_semaphore(%arg18 : memref<!tpu.dma_semaphore, #tpu.memory_space<semaphore_mem>>)
    %dma_start3A_456 = arith.constant 64 : i32
    %dma_start3A_457 = tpu.memref_slice %arg8[%add3A_451, %dma_start3A_456] : memref<204800x128xf32, #tpu.memory_space<hbm>> -> memref<400x32xf32, #tpu.memory_space<hbm>>
    %dma_start3A_458 = arith.constant 64 : i32
    %dma_start3A_459 = tpu.memref_slice %arg8[%add3A_451, %dma_start3A_458] : memref<204800x128xf32, #tpu.memory_space<hbm>> -> memref<400x32xf32, #tpu.memory_space<hbm>>
    tpu.enqueue_dma source(%arg12 : memref<400x32xf32, #tpu.memory_space<vmem>>) target(%dma_start3A_459 : memref<400x32xf32, #tpu.memory_space<hbm>>) target_semaphore(%arg18 : memref<!tpu.dma_semaphore, #tpu.memory_space<semaphore_mem>>)
    %dma_start3A_460 = arith.constant 96 : i32
    %dma_start3A_461 = tpu.memref_slice %arg8[%add3A_451, %dma_start3A_460] : memref<204800x128xf32, #tpu.memory_space<hbm>> -> memref<400x32xf32, #tpu.memory_space<hbm>>
    %dma_start3A_462 = arith.constant 96 : i32
    %dma_start3A_463 = tpu.memref_slice %arg8[%add3A_451, %dma_start3A_462] : memref<204800x128xf32, #tpu.memory_space<hbm>> -> memref<400x32xf32, #tpu.memory_space<hbm>>
    tpu.enqueue_dma source(%arg13 : memref<400x32xf32, #tpu.memory_space<vmem>>) target(%dma_start3A_463 : memref<400x32xf32, #tpu.memory_space<hbm>>) target_semaphore(%arg18 : memref<!tpu.dma_semaphore, #tpu.memory_space<semaphore_mem>>)
    %add3A_464 = arith.constant 2400 : i32
    %add3A_465 = arith.addi %mul3A_2, %add3A_464 : i32
    %dma_wait3A_466 = arith.constant 0 : i32
    %dma_wait3A_467 = tpu.memref_slice %arg8[%add3A_465, %dma_wait3A_466] : memref<204800x128xf32, #tpu.memory_space<hbm>> -> memref<400x64xf32, #tpu.memory_space<hbm>>
    %dma_wait3A_468 = arith.constant 0 : i32
    %dma_wait3A_469 = tpu.memref_slice %arg8[%add3A_465, %dma_wait3A_468] : memref<204800x128xf32, #tpu.memory_space<hbm>> -> memref<400x64xf32, #tpu.memory_space<hbm>>
    tpu.wait_dma2 semaphore(%arg18 : memref<!tpu.dma_semaphore, #tpu.memory_space<semaphore_mem>>) src(%arg11 : memref<400x64xf32, #tpu.memory_space<vmem>>) dst(%dma_wait3A_469 : memref<400x64xf32, #tpu.memory_space<hbm>>)
    %dma_wait3A_470 = arith.constant 64 : i32
    %dma_wait3A_471 = tpu.memref_slice %arg8[%add3A_465, %dma_wait3A_470] : memref<204800x128xf32, #tpu.memory_space<hbm>> -> memref<400x32xf32, #tpu.memory_space<hbm>>
    %dma_wait3A_472 = arith.constant 64 : i32
    %dma_wait3A_473 = tpu.memref_slice %arg8[%add3A_465, %dma_wait3A_472] : memref<204800x128xf32, #tpu.memory_space<hbm>> -> memref<400x32xf32, #tpu.memory_space<hbm>>
    tpu.wait_dma2 semaphore(%arg18 : memref<!tpu.dma_semaphore, #tpu.memory_space<semaphore_mem>>) src(%arg12 : memref<400x32xf32, #tpu.memory_space<vmem>>) dst(%dma_wait3A_473 : memref<400x32xf32, #tpu.memory_space<hbm>>)
    %dma_wait3A_474 = arith.constant 96 : i32
    %dma_wait3A_475 = tpu.memref_slice %arg8[%add3A_465, %dma_wait3A_474] : memref<204800x128xf32, #tpu.memory_space<hbm>> -> memref<400x32xf32, #tpu.memory_space<hbm>>
    %dma_wait3A_476 = arith.constant 96 : i32
    %dma_wait3A_477 = tpu.memref_slice %arg8[%add3A_465, %dma_wait3A_476] : memref<204800x128xf32, #tpu.memory_space<hbm>> -> memref<400x32xf32, #tpu.memory_space<hbm>>
    tpu.wait_dma2 semaphore(%arg18 : memref<!tpu.dma_semaphore, #tpu.memory_space<semaphore_mem>>) src(%arg13 : memref<400x32xf32, #tpu.memory_space<vmem>>) dst(%dma_wait3A_477 : memref<400x32xf32, #tpu.memory_space<hbm>>)
    %dma_start3A_478 = arith.constant 3200 : i32
    %dma_start3A_479 = tpu.memref_slice %arg9[%dma_start3A_478] : memref<6400xi32, #tpu.memory_space<vmem>> -> memref<400xi32, #tpu.memory_space<vmem>>
    %dma_start3A_480 = arith.constant 0 : i32
    %dma_start3A_481 = arith.constant 0 : i32
    %dma_start3A_482 = tpu.memref_slice %arg5[%dma_start3A_480, %dma_start3A_481] : memref<100000x64xf32, #tpu.memory_space<hbm>> -> memref<100000x64xf32, #tpu.memory_space<hbm>>
    tpu.enqueue_indirect_dma source(%dma_start3A_482 : memref<100000x64xf32, #tpu.memory_space<hbm>>) target(%arg11 : memref<400x64xf32, #tpu.memory_space<vmem>>) offsets(%dma_start3A_479 : memref<400xi32, #tpu.memory_space<vmem>>) semaphore(%arg16 : memref<!tpu.dma_semaphore, #tpu.memory_space<semaphore_mem>>)
    %add3A_483 = arith.constant 3200 : i32
    %add3A_484 = arith.addi %mul3A_2, %add3A_483 : i32
    %dma_start3A_485 = tpu.memref_slice %arg3[%add3A_484] : memref<204800xi32, #tpu.memory_space<hbm>> -> memref<400xi32, #tpu.memory_space<hbm>>
    %dma_start3A_486 = tpu.memref_slice %arg3[%add3A_484] : memref<204800xi32, #tpu.memory_space<hbm>> -> memref<400xi32, #tpu.memory_space<hbm>>
    tpu.enqueue_dma source(%dma_start3A_486 : memref<400xi32, #tpu.memory_space<hbm>>) target(%arg14 : memref<400xi32, #tpu.memory_space<vmem>>) target_semaphore(%arg16 : memref<!tpu.dma_semaphore, #tpu.memory_space<semaphore_mem>>)
    %add3A_487 = arith.constant 3200 : i32
    %add3A_488 = arith.addi %mul3A_2, %add3A_487 : i32
    %dma_start3A_489 = tpu.memref_slice %arg4[%add3A_488] : memref<204800xi32, #tpu.memory_space<hbm>> -> memref<400xi32, #tpu.memory_space<hbm>>
    %dma_start3A_490 = tpu.memref_slice %arg4[%add3A_488] : memref<204800xi32, #tpu.memory_space<hbm>> -> memref<400xi32, #tpu.memory_space<hbm>>
    tpu.enqueue_dma source(%dma_start3A_490 : memref<400xi32, #tpu.memory_space<hbm>>) target(%arg15 : memref<400xi32, #tpu.memory_space<vmem>>) target_semaphore(%arg16 : memref<!tpu.dma_semaphore, #tpu.memory_space<semaphore_mem>>)
    %dma_wait3A_491 = arith.constant 2800 : i32
    %dma_wait3A_492 = tpu.memref_slice %arg9[%dma_wait3A_491] : memref<6400xi32, #tpu.memory_space<vmem>> -> memref<400xi32, #tpu.memory_space<vmem>>
    %dma_wait3A_493 = arith.constant 0 : i32
    %dma_wait3A_494 = arith.constant 0 : i32
    %dma_wait3A_495 = tpu.memref_slice %arg5[%dma_wait3A_493, %dma_wait3A_494] : memref<100000x64xf32, #tpu.memory_space<hbm>> -> memref<100000x64xf32, #tpu.memory_space<hbm>>
    tpu.wait_indirect_dma semaphore(%arg24 : memref<!tpu.dma_semaphore, #tpu.memory_space<semaphore_mem>>) src(%dma_wait3A_495 : memref<100000x64xf32, #tpu.memory_space<hbm>>) dst(%arg19 : memref<400x64xf32, #tpu.memory_space<vmem>>)
    %add3A_496 = arith.constant 2800 : i32
    %add3A_497 = arith.addi %mul3A_2, %add3A_496 : i32
    %dma_wait3A_498 = tpu.memref_slice %arg3[%add3A_497] : memref<204800xi32, #tpu.memory_space<hbm>> -> memref<400xi32, #tpu.memory_space<hbm>>
    %dma_wait3A_499 = tpu.memref_slice %arg3[%add3A_497] : memref<204800xi32, #tpu.memory_space<hbm>> -> memref<400xi32, #tpu.memory_space<hbm>>
    tpu.wait_dma2 semaphore(%arg24 : memref<!tpu.dma_semaphore, #tpu.memory_space<semaphore_mem>>) src(%dma_wait3A_499 : memref<400xi32, #tpu.memory_space<hbm>>) dst(%arg22 : memref<400xi32, #tpu.memory_space<vmem>>)
    %add3A_500 = arith.constant 2800 : i32
    %add3A_501 = arith.addi %mul3A_2, %add3A_500 : i32
    %dma_wait3A_502 = tpu.memref_slice %arg4[%add3A_501] : memref<204800xi32, #tpu.memory_space<hbm>> -> memref<400xi32, #tpu.memory_space<hbm>>
    %dma_wait3A_503 = tpu.memref_slice %arg4[%add3A_501] : memref<204800xi32, #tpu.memory_space<hbm>> -> memref<400xi32, #tpu.memory_space<hbm>>
    tpu.wait_dma2 semaphore(%arg24 : memref<!tpu.dma_semaphore, #tpu.memory_space<semaphore_mem>>) src(%dma_wait3A_503 : memref<400xi32, #tpu.memory_space<hbm>>) dst(%arg23 : memref<400xi32, #tpu.memory_space<vmem>>)
    %dma_start3A_504 = arith.constant 0 : i32
    %dma_start3A_505 = arith.constant 0 : i32
    %dma_start3A_506 = tpu.memref_slice %arg10[%dma_start3A_504, %dma_start3A_505] : memref<2000x32xf32, #tpu.memory_space<vmem_shared>> -> memref<2000x32xf32, #tpu.memory_space<vmem_shared>>
    tpu.enqueue_indirect_dma source(%dma_start3A_506 : memref<2000x32xf32, #tpu.memory_space<vmem_shared>>) target(%arg20 : memref<400x32xf32, #tpu.memory_space<vmem>>) offsets(%arg22 : memref<400xi32, #tpu.memory_space<vmem>>) semaphore(%arg25 : memref<!tpu.dma_semaphore, #tpu.memory_space<semaphore_mem>>)
    %dma_start3A_507 = arith.constant 0 : i32
    %dma_start3A_508 = arith.constant 0 : i32
    %dma_start3A_509 = tpu.memref_slice %arg10[%dma_start3A_507, %dma_start3A_508] : memref<2000x32xf32, #tpu.memory_space<vmem_shared>> -> memref<2000x32xf32, #tpu.memory_space<vmem_shared>>
    tpu.enqueue_indirect_dma source(%dma_start3A_509 : memref<2000x32xf32, #tpu.memory_space<vmem_shared>>) target(%arg21 : memref<400x32xf32, #tpu.memory_space<vmem>>) offsets(%arg23 : memref<400xi32, #tpu.memory_space<vmem>>) semaphore(%arg25 : memref<!tpu.dma_semaphore, #tpu.memory_space<semaphore_mem>>)
    %dma_wait3A_510 = arith.constant 0 : i32
    %dma_wait3A_511 = arith.constant 0 : i32
    %dma_wait3A_512 = tpu.memref_slice %arg10[%dma_wait3A_510, %dma_wait3A_511] : memref<2000x32xf32, #tpu.memory_space<vmem_shared>> -> memref<2000x32xf32, #tpu.memory_space<vmem_shared>>
    tpu.wait_indirect_dma semaphore(%arg25 : memref<!tpu.dma_semaphore, #tpu.memory_space<semaphore_mem>>) src(%dma_wait3A_512 : memref<2000x32xf32, #tpu.memory_space<vmem_shared>>) dst(%arg20 : memref<400x32xf32, #tpu.memory_space<vmem>>)
    %dma_wait3A_513 = arith.constant 0 : i32
    %dma_wait3A_514 = arith.constant 0 : i32
    %dma_wait3A_515 = tpu.memref_slice %arg10[%dma_wait3A_513, %dma_wait3A_514] : memref<2000x32xf32, #tpu.memory_space<vmem_shared>> -> memref<2000x32xf32, #tpu.memory_space<vmem_shared>>
    tpu.wait_indirect_dma semaphore(%arg25 : memref<!tpu.dma_semaphore, #tpu.memory_space<semaphore_mem>>) src(%dma_wait3A_515 : memref<2000x32xf32, #tpu.memory_space<vmem_shared>>) dst(%arg21 : memref<400x32xf32, #tpu.memory_space<vmem>>)
    %add3A_516 = arith.constant 2800 : i32
    %add3A_517 = arith.addi %mul3A_2, %add3A_516 : i32
    %dma_start3A_518 = arith.constant 0 : i32
    %dma_start3A_519 = tpu.memref_slice %arg8[%add3A_517, %dma_start3A_518] : memref<204800x128xf32, #tpu.memory_space<hbm>> -> memref<400x64xf32, #tpu.memory_space<hbm>>
    %dma_start3A_520 = arith.constant 0 : i32
    %dma_start3A_521 = tpu.memref_slice %arg8[%add3A_517, %dma_start3A_520] : memref<204800x128xf32, #tpu.memory_space<hbm>> -> memref<400x64xf32, #tpu.memory_space<hbm>>
    tpu.enqueue_dma source(%arg19 : memref<400x64xf32, #tpu.memory_space<vmem>>) target(%dma_start3A_521 : memref<400x64xf32, #tpu.memory_space<hbm>>) target_semaphore(%arg26 : memref<!tpu.dma_semaphore, #tpu.memory_space<semaphore_mem>>)
    %dma_start3A_522 = arith.constant 64 : i32
    %dma_start3A_523 = tpu.memref_slice %arg8[%add3A_517, %dma_start3A_522] : memref<204800x128xf32, #tpu.memory_space<hbm>> -> memref<400x32xf32, #tpu.memory_space<hbm>>
    %dma_start3A_524 = arith.constant 64 : i32
    %dma_start3A_525 = tpu.memref_slice %arg8[%add3A_517, %dma_start3A_524] : memref<204800x128xf32, #tpu.memory_space<hbm>> -> memref<400x32xf32, #tpu.memory_space<hbm>>
    tpu.enqueue_dma source(%arg20 : memref<400x32xf32, #tpu.memory_space<vmem>>) target(%dma_start3A_525 : memref<400x32xf32, #tpu.memory_space<hbm>>) target_semaphore(%arg26 : memref<!tpu.dma_semaphore, #tpu.memory_space<semaphore_mem>>)
    %dma_start3A_526 = arith.constant 96 : i32
    %dma_start3A_527 = tpu.memref_slice %arg8[%add3A_517, %dma_start3A_526] : memref<204800x128xf32, #tpu.memory_space<hbm>> -> memref<400x32xf32, #tpu.memory_space<hbm>>
    %dma_start3A_528 = arith.constant 96 : i32
    %dma_start3A_529 = tpu.memref_slice %arg8[%add3A_517, %dma_start3A_528] : memref<204800x128xf32, #tpu.memory_space<hbm>> -> memref<400x32xf32, #tpu.memory_space<hbm>>
    tpu.enqueue_dma source(%arg21 : memref<400x32xf32, #tpu.memory_space<vmem>>) target(%dma_start3A_529 : memref<400x32xf32, #tpu.memory_space<hbm>>) target_semaphore(%arg26 : memref<!tpu.dma_semaphore, #tpu.memory_space<semaphore_mem>>)
    %add3A_530 = arith.constant 2800 : i32
    %add3A_531 = arith.addi %mul3A_2, %add3A_530 : i32
    %dma_wait3A_532 = arith.constant 0 : i32
    %dma_wait3A_533 = tpu.memref_slice %arg8[%add3A_531, %dma_wait3A_532] : memref<204800x128xf32, #tpu.memory_space<hbm>> -> memref<400x64xf32, #tpu.memory_space<hbm>>
    %dma_wait3A_534 = arith.constant 0 : i32
    %dma_wait3A_535 = tpu.memref_slice %arg8[%add3A_531, %dma_wait3A_534] : memref<204800x128xf32, #tpu.memory_space<hbm>> -> memref<400x64xf32, #tpu.memory_space<hbm>>
    tpu.wait_dma2 semaphore(%arg26 : memref<!tpu.dma_semaphore, #tpu.memory_space<semaphore_mem>>) src(%arg19 : memref<400x64xf32, #tpu.memory_space<vmem>>) dst(%dma_wait3A_535 : memref<400x64xf32, #tpu.memory_space<hbm>>)
    %dma_wait3A_536 = arith.constant 64 : i32
    %dma_wait3A_537 = tpu.memref_slice %arg8[%add3A_531, %dma_wait3A_536] : memref<204800x128xf32, #tpu.memory_space<hbm>> -> memref<400x32xf32, #tpu.memory_space<hbm>>
    %dma_wait3A_538 = arith.constant 64 : i32
    %dma_wait3A_539 = tpu.memref_slice %arg8[%add3A_531, %dma_wait3A_538] : memref<204800x128xf32, #tpu.memory_space<hbm>> -> memref<400x32xf32, #tpu.memory_space<hbm>>
    tpu.wait_dma2 semaphore(%arg26 : memref<!tpu.dma_semaphore, #tpu.memory_space<semaphore_mem>>) src(%arg20 : memref<400x32xf32, #tpu.memory_space<vmem>>) dst(%dma_wait3A_539 : memref<400x32xf32, #tpu.memory_space<hbm>>)
    %dma_wait3A_540 = arith.constant 96 : i32
    %dma_wait3A_541 = tpu.memref_slice %arg8[%add3A_531, %dma_wait3A_540] : memref<204800x128xf32, #tpu.memory_space<hbm>> -> memref<400x32xf32, #tpu.memory_space<hbm>>
    %dma_wait3A_542 = arith.constant 96 : i32
    %dma_wait3A_543 = tpu.memref_slice %arg8[%add3A_531, %dma_wait3A_542] : memref<204800x128xf32, #tpu.memory_space<hbm>> -> memref<400x32xf32, #tpu.memory_space<hbm>>
    tpu.wait_dma2 semaphore(%arg26 : memref<!tpu.dma_semaphore, #tpu.memory_space<semaphore_mem>>) src(%arg21 : memref<400x32xf32, #tpu.memory_space<vmem>>) dst(%dma_wait3A_543 : memref<400x32xf32, #tpu.memory_space<hbm>>)
    %dma_start3A_544 = arith.constant 3600 : i32
    %dma_start3A_545 = tpu.memref_slice %arg9[%dma_start3A_544] : memref<6400xi32, #tpu.memory_space<vmem>> -> memref<400xi32, #tpu.memory_space<vmem>>
    %dma_start3A_546 = arith.constant 0 : i32
    %dma_start3A_547 = arith.constant 0 : i32
    %dma_start3A_548 = tpu.memref_slice %arg5[%dma_start3A_546, %dma_start3A_547] : memref<100000x64xf32, #tpu.memory_space<hbm>> -> memref<100000x64xf32, #tpu.memory_space<hbm>>
    tpu.enqueue_indirect_dma source(%dma_start3A_548 : memref<100000x64xf32, #tpu.memory_space<hbm>>) target(%arg19 : memref<400x64xf32, #tpu.memory_space<vmem>>) offsets(%dma_start3A_545 : memref<400xi32, #tpu.memory_space<vmem>>) semaphore(%arg24 : memref<!tpu.dma_semaphore, #tpu.memory_space<semaphore_mem>>)
    %add3A_549 = arith.constant 3600 : i32
    %add3A_550 = arith.addi %mul3A_2, %add3A_549 : i32
    %dma_start3A_551 = tpu.memref_slice %arg3[%add3A_550] : memref<204800xi32, #tpu.memory_space<hbm>> -> memref<400xi32, #tpu.memory_space<hbm>>
    %dma_start3A_552 = tpu.memref_slice %arg3[%add3A_550] : memref<204800xi32, #tpu.memory_space<hbm>> -> memref<400xi32, #tpu.memory_space<hbm>>
    tpu.enqueue_dma source(%dma_start3A_552 : memref<400xi32, #tpu.memory_space<hbm>>) target(%arg22 : memref<400xi32, #tpu.memory_space<vmem>>) target_semaphore(%arg24 : memref<!tpu.dma_semaphore, #tpu.memory_space<semaphore_mem>>)
    %add3A_553 = arith.constant 3600 : i32
    %add3A_554 = arith.addi %mul3A_2, %add3A_553 : i32
    %dma_start3A_555 = tpu.memref_slice %arg4[%add3A_554] : memref<204800xi32, #tpu.memory_space<hbm>> -> memref<400xi32, #tpu.memory_space<hbm>>
    %dma_start3A_556 = tpu.memref_slice %arg4[%add3A_554] : memref<204800xi32, #tpu.memory_space<hbm>> -> memref<400xi32, #tpu.memory_space<hbm>>
    tpu.enqueue_dma source(%dma_start3A_556 : memref<400xi32, #tpu.memory_space<hbm>>) target(%arg23 : memref<400xi32, #tpu.memory_space<vmem>>) target_semaphore(%arg24 : memref<!tpu.dma_semaphore, #tpu.memory_space<semaphore_mem>>)
    %dma_wait3A_557 = arith.constant 3200 : i32
    %dma_wait3A_558 = tpu.memref_slice %arg9[%dma_wait3A_557] : memref<6400xi32, #tpu.memory_space<vmem>> -> memref<400xi32, #tpu.memory_space<vmem>>
    %dma_wait3A_559 = arith.constant 0 : i32
    %dma_wait3A_560 = arith.constant 0 : i32
    %dma_wait3A_561 = tpu.memref_slice %arg5[%dma_wait3A_559, %dma_wait3A_560] : memref<100000x64xf32, #tpu.memory_space<hbm>> -> memref<100000x64xf32, #tpu.memory_space<hbm>>
    tpu.wait_indirect_dma semaphore(%arg16 : memref<!tpu.dma_semaphore, #tpu.memory_space<semaphore_mem>>) src(%dma_wait3A_561 : memref<100000x64xf32, #tpu.memory_space<hbm>>) dst(%arg11 : memref<400x64xf32, #tpu.memory_space<vmem>>)
    %add3A_562 = arith.constant 3200 : i32
    %add3A_563 = arith.addi %mul3A_2, %add3A_562 : i32
    %dma_wait3A_564 = tpu.memref_slice %arg3[%add3A_563] : memref<204800xi32, #tpu.memory_space<hbm>> -> memref<400xi32, #tpu.memory_space<hbm>>
    %dma_wait3A_565 = tpu.memref_slice %arg3[%add3A_563] : memref<204800xi32, #tpu.memory_space<hbm>> -> memref<400xi32, #tpu.memory_space<hbm>>
    tpu.wait_dma2 semaphore(%arg16 : memref<!tpu.dma_semaphore, #tpu.memory_space<semaphore_mem>>) src(%dma_wait3A_565 : memref<400xi32, #tpu.memory_space<hbm>>) dst(%arg14 : memref<400xi32, #tpu.memory_space<vmem>>)
    %add3A_566 = arith.constant 3200 : i32
    %add3A_567 = arith.addi %mul3A_2, %add3A_566 : i32
    %dma_wait3A_568 = tpu.memref_slice %arg4[%add3A_567] : memref<204800xi32, #tpu.memory_space<hbm>> -> memref<400xi32, #tpu.memory_space<hbm>>
    %dma_wait3A_569 = tpu.memref_slice %arg4[%add3A_567] : memref<204800xi32, #tpu.memory_space<hbm>> -> memref<400xi32, #tpu.memory_space<hbm>>
    tpu.wait_dma2 semaphore(%arg16 : memref<!tpu.dma_semaphore, #tpu.memory_space<semaphore_mem>>) src(%dma_wait3A_569 : memref<400xi32, #tpu.memory_space<hbm>>) dst(%arg15 : memref<400xi32, #tpu.memory_space<vmem>>)
    %dma_start3A_570 = arith.constant 0 : i32
    %dma_start3A_571 = arith.constant 0 : i32
    %dma_start3A_572 = tpu.memref_slice %arg10[%dma_start3A_570, %dma_start3A_571] : memref<2000x32xf32, #tpu.memory_space<vmem_shared>> -> memref<2000x32xf32, #tpu.memory_space<vmem_shared>>
    tpu.enqueue_indirect_dma source(%dma_start3A_572 : memref<2000x32xf32, #tpu.memory_space<vmem_shared>>) target(%arg12 : memref<400x32xf32, #tpu.memory_space<vmem>>) offsets(%arg14 : memref<400xi32, #tpu.memory_space<vmem>>) semaphore(%arg17 : memref<!tpu.dma_semaphore, #tpu.memory_space<semaphore_mem>>)
    %dma_start3A_573 = arith.constant 0 : i32
    %dma_start3A_574 = arith.constant 0 : i32
    %dma_start3A_575 = tpu.memref_slice %arg10[%dma_start3A_573, %dma_start3A_574] : memref<2000x32xf32, #tpu.memory_space<vmem_shared>> -> memref<2000x32xf32, #tpu.memory_space<vmem_shared>>
    tpu.enqueue_indirect_dma source(%dma_start3A_575 : memref<2000x32xf32, #tpu.memory_space<vmem_shared>>) target(%arg13 : memref<400x32xf32, #tpu.memory_space<vmem>>) offsets(%arg15 : memref<400xi32, #tpu.memory_space<vmem>>) semaphore(%arg17 : memref<!tpu.dma_semaphore, #tpu.memory_space<semaphore_mem>>)
    %dma_wait3A_576 = arith.constant 0 : i32
    %dma_wait3A_577 = arith.constant 0 : i32
    %dma_wait3A_578 = tpu.memref_slice %arg10[%dma_wait3A_576, %dma_wait3A_577] : memref<2000x32xf32, #tpu.memory_space<vmem_shared>> -> memref<2000x32xf32, #tpu.memory_space<vmem_shared>>
    tpu.wait_indirect_dma semaphore(%arg17 : memref<!tpu.dma_semaphore, #tpu.memory_space<semaphore_mem>>) src(%dma_wait3A_578 : memref<2000x32xf32, #tpu.memory_space<vmem_shared>>) dst(%arg12 : memref<400x32xf32, #tpu.memory_space<vmem>>)
    %dma_wait3A_579 = arith.constant 0 : i32
    %dma_wait3A_580 = arith.constant 0 : i32
    %dma_wait3A_581 = tpu.memref_slice %arg10[%dma_wait3A_579, %dma_wait3A_580] : memref<2000x32xf32, #tpu.memory_space<vmem_shared>> -> memref<2000x32xf32, #tpu.memory_space<vmem_shared>>
    tpu.wait_indirect_dma semaphore(%arg17 : memref<!tpu.dma_semaphore, #tpu.memory_space<semaphore_mem>>) src(%dma_wait3A_581 : memref<2000x32xf32, #tpu.memory_space<vmem_shared>>) dst(%arg13 : memref<400x32xf32, #tpu.memory_space<vmem>>)
    %add3A_582 = arith.constant 3200 : i32
    %add3A_583 = arith.addi %mul3A_2, %add3A_582 : i32
    %dma_start3A_584 = arith.constant 0 : i32
    %dma_start3A_585 = tpu.memref_slice %arg8[%add3A_583, %dma_start3A_584] : memref<204800x128xf32, #tpu.memory_space<hbm>> -> memref<400x64xf32, #tpu.memory_space<hbm>>
    %dma_start3A_586 = arith.constant 0 : i32
    %dma_start3A_587 = tpu.memref_slice %arg8[%add3A_583, %dma_start3A_586] : memref<204800x128xf32, #tpu.memory_space<hbm>> -> memref<400x64xf32, #tpu.memory_space<hbm>>
    tpu.enqueue_dma source(%arg11 : memref<400x64xf32, #tpu.memory_space<vmem>>) target(%dma_start3A_587 : memref<400x64xf32, #tpu.memory_space<hbm>>) target_semaphore(%arg18 : memref<!tpu.dma_semaphore, #tpu.memory_space<semaphore_mem>>)
    %dma_start3A_588 = arith.constant 64 : i32
    %dma_start3A_589 = tpu.memref_slice %arg8[%add3A_583, %dma_start3A_588] : memref<204800x128xf32, #tpu.memory_space<hbm>> -> memref<400x32xf32, #tpu.memory_space<hbm>>
    %dma_start3A_590 = arith.constant 64 : i32
    %dma_start3A_591 = tpu.memref_slice %arg8[%add3A_583, %dma_start3A_590] : memref<204800x128xf32, #tpu.memory_space<hbm>> -> memref<400x32xf32, #tpu.memory_space<hbm>>
    tpu.enqueue_dma source(%arg12 : memref<400x32xf32, #tpu.memory_space<vmem>>) target(%dma_start3A_591 : memref<400x32xf32, #tpu.memory_space<hbm>>) target_semaphore(%arg18 : memref<!tpu.dma_semaphore, #tpu.memory_space<semaphore_mem>>)
    %dma_start3A_592 = arith.constant 96 : i32
    %dma_start3A_593 = tpu.memref_slice %arg8[%add3A_583, %dma_start3A_592] : memref<204800x128xf32, #tpu.memory_space<hbm>> -> memref<400x32xf32, #tpu.memory_space<hbm>>
    %dma_start3A_594 = arith.constant 96 : i32
    %dma_start3A_595 = tpu.memref_slice %arg8[%add3A_583, %dma_start3A_594] : memref<204800x128xf32, #tpu.memory_space<hbm>> -> memref<400x32xf32, #tpu.memory_space<hbm>>
    tpu.enqueue_dma source(%arg13 : memref<400x32xf32, #tpu.memory_space<vmem>>) target(%dma_start3A_595 : memref<400x32xf32, #tpu.memory_space<hbm>>) target_semaphore(%arg18 : memref<!tpu.dma_semaphore, #tpu.memory_space<semaphore_mem>>)
    %add3A_596 = arith.constant 3200 : i32
    %add3A_597 = arith.addi %mul3A_2, %add3A_596 : i32
    %dma_wait3A_598 = arith.constant 0 : i32
    %dma_wait3A_599 = tpu.memref_slice %arg8[%add3A_597, %dma_wait3A_598] : memref<204800x128xf32, #tpu.memory_space<hbm>> -> memref<400x64xf32, #tpu.memory_space<hbm>>
    %dma_wait3A_600 = arith.constant 0 : i32
    %dma_wait3A_601 = tpu.memref_slice %arg8[%add3A_597, %dma_wait3A_600] : memref<204800x128xf32, #tpu.memory_space<hbm>> -> memref<400x64xf32, #tpu.memory_space<hbm>>
    tpu.wait_dma2 semaphore(%arg18 : memref<!tpu.dma_semaphore, #tpu.memory_space<semaphore_mem>>) src(%arg11 : memref<400x64xf32, #tpu.memory_space<vmem>>) dst(%dma_wait3A_601 : memref<400x64xf32, #tpu.memory_space<hbm>>)
    %dma_wait3A_602 = arith.constant 64 : i32
    %dma_wait3A_603 = tpu.memref_slice %arg8[%add3A_597, %dma_wait3A_602] : memref<204800x128xf32, #tpu.memory_space<hbm>> -> memref<400x32xf32, #tpu.memory_space<hbm>>
    %dma_wait3A_604 = arith.constant 64 : i32
    %dma_wait3A_605 = tpu.memref_slice %arg8[%add3A_597, %dma_wait3A_604] : memref<204800x128xf32, #tpu.memory_space<hbm>> -> memref<400x32xf32, #tpu.memory_space<hbm>>
    tpu.wait_dma2 semaphore(%arg18 : memref<!tpu.dma_semaphore, #tpu.memory_space<semaphore_mem>>) src(%arg12 : memref<400x32xf32, #tpu.memory_space<vmem>>) dst(%dma_wait3A_605 : memref<400x32xf32, #tpu.memory_space<hbm>>)
    %dma_wait3A_606 = arith.constant 96 : i32
    %dma_wait3A_607 = tpu.memref_slice %arg8[%add3A_597, %dma_wait3A_606] : memref<204800x128xf32, #tpu.memory_space<hbm>> -> memref<400x32xf32, #tpu.memory_space<hbm>>
    %dma_wait3A_608 = arith.constant 96 : i32
    %dma_wait3A_609 = tpu.memref_slice %arg8[%add3A_597, %dma_wait3A_608] : memref<204800x128xf32, #tpu.memory_space<hbm>> -> memref<400x32xf32, #tpu.memory_space<hbm>>
    tpu.wait_dma2 semaphore(%arg18 : memref<!tpu.dma_semaphore, #tpu.memory_space<semaphore_mem>>) src(%arg13 : memref<400x32xf32, #tpu.memory_space<vmem>>) dst(%dma_wait3A_609 : memref<400x32xf32, #tpu.memory_space<hbm>>)
    %dma_start3A_610 = arith.constant 4000 : i32
    %dma_start3A_611 = tpu.memref_slice %arg9[%dma_start3A_610] : memref<6400xi32, #tpu.memory_space<vmem>> -> memref<400xi32, #tpu.memory_space<vmem>>
    %dma_start3A_612 = arith.constant 0 : i32
    %dma_start3A_613 = arith.constant 0 : i32
    %dma_start3A_614 = tpu.memref_slice %arg5[%dma_start3A_612, %dma_start3A_613] : memref<100000x64xf32, #tpu.memory_space<hbm>> -> memref<100000x64xf32, #tpu.memory_space<hbm>>
    tpu.enqueue_indirect_dma source(%dma_start3A_614 : memref<100000x64xf32, #tpu.memory_space<hbm>>) target(%arg11 : memref<400x64xf32, #tpu.memory_space<vmem>>) offsets(%dma_start3A_611 : memref<400xi32, #tpu.memory_space<vmem>>) semaphore(%arg16 : memref<!tpu.dma_semaphore, #tpu.memory_space<semaphore_mem>>)
    %add3A_615 = arith.constant 4000 : i32
    %add3A_616 = arith.addi %mul3A_2, %add3A_615 : i32
    %dma_start3A_617 = tpu.memref_slice %arg3[%add3A_616] : memref<204800xi32, #tpu.memory_space<hbm>> -> memref<400xi32, #tpu.memory_space<hbm>>
    %dma_start3A_618 = tpu.memref_slice %arg3[%add3A_616] : memref<204800xi32, #tpu.memory_space<hbm>> -> memref<400xi32, #tpu.memory_space<hbm>>
    tpu.enqueue_dma source(%dma_start3A_618 : memref<400xi32, #tpu.memory_space<hbm>>) target(%arg14 : memref<400xi32, #tpu.memory_space<vmem>>) target_semaphore(%arg16 : memref<!tpu.dma_semaphore, #tpu.memory_space<semaphore_mem>>)
    %add3A_619 = arith.constant 4000 : i32
    %add3A_620 = arith.addi %mul3A_2, %add3A_619 : i32
    %dma_start3A_621 = tpu.memref_slice %arg4[%add3A_620] : memref<204800xi32, #tpu.memory_space<hbm>> -> memref<400xi32, #tpu.memory_space<hbm>>
    %dma_start3A_622 = tpu.memref_slice %arg4[%add3A_620] : memref<204800xi32, #tpu.memory_space<hbm>> -> memref<400xi32, #tpu.memory_space<hbm>>
    tpu.enqueue_dma source(%dma_start3A_622 : memref<400xi32, #tpu.memory_space<hbm>>) target(%arg15 : memref<400xi32, #tpu.memory_space<vmem>>) target_semaphore(%arg16 : memref<!tpu.dma_semaphore, #tpu.memory_space<semaphore_mem>>)
    %dma_wait3A_623 = arith.constant 3600 : i32
    %dma_wait3A_624 = tpu.memref_slice %arg9[%dma_wait3A_623] : memref<6400xi32, #tpu.memory_space<vmem>> -> memref<400xi32, #tpu.memory_space<vmem>>
    %dma_wait3A_625 = arith.constant 0 : i32
    %dma_wait3A_626 = arith.constant 0 : i32
    %dma_wait3A_627 = tpu.memref_slice %arg5[%dma_wait3A_625, %dma_wait3A_626] : memref<100000x64xf32, #tpu.memory_space<hbm>> -> memref<100000x64xf32, #tpu.memory_space<hbm>>
    tpu.wait_indirect_dma semaphore(%arg24 : memref<!tpu.dma_semaphore, #tpu.memory_space<semaphore_mem>>) src(%dma_wait3A_627 : memref<100000x64xf32, #tpu.memory_space<hbm>>) dst(%arg19 : memref<400x64xf32, #tpu.memory_space<vmem>>)
    %add3A_628 = arith.constant 3600 : i32
    %add3A_629 = arith.addi %mul3A_2, %add3A_628 : i32
    %dma_wait3A_630 = tpu.memref_slice %arg3[%add3A_629] : memref<204800xi32, #tpu.memory_space<hbm>> -> memref<400xi32, #tpu.memory_space<hbm>>
    %dma_wait3A_631 = tpu.memref_slice %arg3[%add3A_629] : memref<204800xi32, #tpu.memory_space<hbm>> -> memref<400xi32, #tpu.memory_space<hbm>>
    tpu.wait_dma2 semaphore(%arg24 : memref<!tpu.dma_semaphore, #tpu.memory_space<semaphore_mem>>) src(%dma_wait3A_631 : memref<400xi32, #tpu.memory_space<hbm>>) dst(%arg22 : memref<400xi32, #tpu.memory_space<vmem>>)
    %add3A_632 = arith.constant 3600 : i32
    %add3A_633 = arith.addi %mul3A_2, %add3A_632 : i32
    %dma_wait3A_634 = tpu.memref_slice %arg4[%add3A_633] : memref<204800xi32, #tpu.memory_space<hbm>> -> memref<400xi32, #tpu.memory_space<hbm>>
    %dma_wait3A_635 = tpu.memref_slice %arg4[%add3A_633] : memref<204800xi32, #tpu.memory_space<hbm>> -> memref<400xi32, #tpu.memory_space<hbm>>
    tpu.wait_dma2 semaphore(%arg24 : memref<!tpu.dma_semaphore, #tpu.memory_space<semaphore_mem>>) src(%dma_wait3A_635 : memref<400xi32, #tpu.memory_space<hbm>>) dst(%arg23 : memref<400xi32, #tpu.memory_space<vmem>>)
    %dma_start3A_636 = arith.constant 0 : i32
    %dma_start3A_637 = arith.constant 0 : i32
    %dma_start3A_638 = tpu.memref_slice %arg10[%dma_start3A_636, %dma_start3A_637] : memref<2000x32xf32, #tpu.memory_space<vmem_shared>> -> memref<2000x32xf32, #tpu.memory_space<vmem_shared>>
    tpu.enqueue_indirect_dma source(%dma_start3A_638 : memref<2000x32xf32, #tpu.memory_space<vmem_shared>>) target(%arg20 : memref<400x32xf32, #tpu.memory_space<vmem>>) offsets(%arg22 : memref<400xi32, #tpu.memory_space<vmem>>) semaphore(%arg25 : memref<!tpu.dma_semaphore, #tpu.memory_space<semaphore_mem>>)
    %dma_start3A_639 = arith.constant 0 : i32
    %dma_start3A_640 = arith.constant 0 : i32
    %dma_start3A_641 = tpu.memref_slice %arg10[%dma_start3A_639, %dma_start3A_640] : memref<2000x32xf32, #tpu.memory_space<vmem_shared>> -> memref<2000x32xf32, #tpu.memory_space<vmem_shared>>
    tpu.enqueue_indirect_dma source(%dma_start3A_641 : memref<2000x32xf32, #tpu.memory_space<vmem_shared>>) target(%arg21 : memref<400x32xf32, #tpu.memory_space<vmem>>) offsets(%arg23 : memref<400xi32, #tpu.memory_space<vmem>>) semaphore(%arg25 : memref<!tpu.dma_semaphore, #tpu.memory_space<semaphore_mem>>)
    %dma_wait3A_642 = arith.constant 0 : i32
    %dma_wait3A_643 = arith.constant 0 : i32
    %dma_wait3A_644 = tpu.memref_slice %arg10[%dma_wait3A_642, %dma_wait3A_643] : memref<2000x32xf32, #tpu.memory_space<vmem_shared>> -> memref<2000x32xf32, #tpu.memory_space<vmem_shared>>
    tpu.wait_indirect_dma semaphore(%arg25 : memref<!tpu.dma_semaphore, #tpu.memory_space<semaphore_mem>>) src(%dma_wait3A_644 : memref<2000x32xf32, #tpu.memory_space<vmem_shared>>) dst(%arg20 : memref<400x32xf32, #tpu.memory_space<vmem>>)
    %dma_wait3A_645 = arith.constant 0 : i32
    %dma_wait3A_646 = arith.constant 0 : i32
    %dma_wait3A_647 = tpu.memref_slice %arg10[%dma_wait3A_645, %dma_wait3A_646] : memref<2000x32xf32, #tpu.memory_space<vmem_shared>> -> memref<2000x32xf32, #tpu.memory_space<vmem_shared>>
    tpu.wait_indirect_dma semaphore(%arg25 : memref<!tpu.dma_semaphore, #tpu.memory_space<semaphore_mem>>) src(%dma_wait3A_647 : memref<2000x32xf32, #tpu.memory_space<vmem_shared>>) dst(%arg21 : memref<400x32xf32, #tpu.memory_space<vmem>>)
    %add3A_648 = arith.constant 3600 : i32
    %add3A_649 = arith.addi %mul3A_2, %add3A_648 : i32
    %dma_start3A_650 = arith.constant 0 : i32
    %dma_start3A_651 = tpu.memref_slice %arg8[%add3A_649, %dma_start3A_650] : memref<204800x128xf32, #tpu.memory_space<hbm>> -> memref<400x64xf32, #tpu.memory_space<hbm>>
    %dma_start3A_652 = arith.constant 0 : i32
    %dma_start3A_653 = tpu.memref_slice %arg8[%add3A_649, %dma_start3A_652] : memref<204800x128xf32, #tpu.memory_space<hbm>> -> memref<400x64xf32, #tpu.memory_space<hbm>>
    tpu.enqueue_dma source(%arg19 : memref<400x64xf32, #tpu.memory_space<vmem>>) target(%dma_start3A_653 : memref<400x64xf32, #tpu.memory_space<hbm>>) target_semaphore(%arg26 : memref<!tpu.dma_semaphore, #tpu.memory_space<semaphore_mem>>)
    %dma_start3A_654 = arith.constant 64 : i32
    %dma_start3A_655 = tpu.memref_slice %arg8[%add3A_649, %dma_start3A_654] : memref<204800x128xf32, #tpu.memory_space<hbm>> -> memref<400x32xf32, #tpu.memory_space<hbm>>
    %dma_start3A_656 = arith.constant 64 : i32
    %dma_start3A_657 = tpu.memref_slice %arg8[%add3A_649, %dma_start3A_656] : memref<204800x128xf32, #tpu.memory_space<hbm>> -> memref<400x32xf32, #tpu.memory_space<hbm>>
    tpu.enqueue_dma source(%arg20 : memref<400x32xf32, #tpu.memory_space<vmem>>) target(%dma_start3A_657 : memref<400x32xf32, #tpu.memory_space<hbm>>) target_semaphore(%arg26 : memref<!tpu.dma_semaphore, #tpu.memory_space<semaphore_mem>>)
    %dma_start3A_658 = arith.constant 96 : i32
    %dma_start3A_659 = tpu.memref_slice %arg8[%add3A_649, %dma_start3A_658] : memref<204800x128xf32, #tpu.memory_space<hbm>> -> memref<400x32xf32, #tpu.memory_space<hbm>>
    %dma_start3A_660 = arith.constant 96 : i32
    %dma_start3A_661 = tpu.memref_slice %arg8[%add3A_649, %dma_start3A_660] : memref<204800x128xf32, #tpu.memory_space<hbm>> -> memref<400x32xf32, #tpu.memory_space<hbm>>
    tpu.enqueue_dma source(%arg21 : memref<400x32xf32, #tpu.memory_space<vmem>>) target(%dma_start3A_661 : memref<400x32xf32, #tpu.memory_space<hbm>>) target_semaphore(%arg26 : memref<!tpu.dma_semaphore, #tpu.memory_space<semaphore_mem>>)
    %add3A_662 = arith.constant 3600 : i32
    %add3A_663 = arith.addi %mul3A_2, %add3A_662 : i32
    %dma_wait3A_664 = arith.constant 0 : i32
    %dma_wait3A_665 = tpu.memref_slice %arg8[%add3A_663, %dma_wait3A_664] : memref<204800x128xf32, #tpu.memory_space<hbm>> -> memref<400x64xf32, #tpu.memory_space<hbm>>
    %dma_wait3A_666 = arith.constant 0 : i32
    %dma_wait3A_667 = tpu.memref_slice %arg8[%add3A_663, %dma_wait3A_666] : memref<204800x128xf32, #tpu.memory_space<hbm>> -> memref<400x64xf32, #tpu.memory_space<hbm>>
    tpu.wait_dma2 semaphore(%arg26 : memref<!tpu.dma_semaphore, #tpu.memory_space<semaphore_mem>>) src(%arg19 : memref<400x64xf32, #tpu.memory_space<vmem>>) dst(%dma_wait3A_667 : memref<400x64xf32, #tpu.memory_space<hbm>>)
    %dma_wait3A_668 = arith.constant 64 : i32
    %dma_wait3A_669 = tpu.memref_slice %arg8[%add3A_663, %dma_wait3A_668] : memref<204800x128xf32, #tpu.memory_space<hbm>> -> memref<400x32xf32, #tpu.memory_space<hbm>>
    %dma_wait3A_670 = arith.constant 64 : i32
    %dma_wait3A_671 = tpu.memref_slice %arg8[%add3A_663, %dma_wait3A_670] : memref<204800x128xf32, #tpu.memory_space<hbm>> -> memref<400x32xf32, #tpu.memory_space<hbm>>
    tpu.wait_dma2 semaphore(%arg26 : memref<!tpu.dma_semaphore, #tpu.memory_space<semaphore_mem>>) src(%arg20 : memref<400x32xf32, #tpu.memory_space<vmem>>) dst(%dma_wait3A_671 : memref<400x32xf32, #tpu.memory_space<hbm>>)
    %dma_wait3A_672 = arith.constant 96 : i32
    %dma_wait3A_673 = tpu.memref_slice %arg8[%add3A_663, %dma_wait3A_672] : memref<204800x128xf32, #tpu.memory_space<hbm>> -> memref<400x32xf32, #tpu.memory_space<hbm>>
    %dma_wait3A_674 = arith.constant 96 : i32
    %dma_wait3A_675 = tpu.memref_slice %arg8[%add3A_663, %dma_wait3A_674] : memref<204800x128xf32, #tpu.memory_space<hbm>> -> memref<400x32xf32, #tpu.memory_space<hbm>>
    tpu.wait_dma2 semaphore(%arg26 : memref<!tpu.dma_semaphore, #tpu.memory_space<semaphore_mem>>) src(%arg21 : memref<400x32xf32, #tpu.memory_space<vmem>>) dst(%dma_wait3A_675 : memref<400x32xf32, #tpu.memory_space<hbm>>)
    %dma_start3A_676 = arith.constant 4400 : i32
    %dma_start3A_677 = tpu.memref_slice %arg9[%dma_start3A_676] : memref<6400xi32, #tpu.memory_space<vmem>> -> memref<400xi32, #tpu.memory_space<vmem>>
    %dma_start3A_678 = arith.constant 0 : i32
    %dma_start3A_679 = arith.constant 0 : i32
    %dma_start3A_680 = tpu.memref_slice %arg5[%dma_start3A_678, %dma_start3A_679] : memref<100000x64xf32, #tpu.memory_space<hbm>> -> memref<100000x64xf32, #tpu.memory_space<hbm>>
    tpu.enqueue_indirect_dma source(%dma_start3A_680 : memref<100000x64xf32, #tpu.memory_space<hbm>>) target(%arg19 : memref<400x64xf32, #tpu.memory_space<vmem>>) offsets(%dma_start3A_677 : memref<400xi32, #tpu.memory_space<vmem>>) semaphore(%arg24 : memref<!tpu.dma_semaphore, #tpu.memory_space<semaphore_mem>>)
    %add3A_681 = arith.constant 4400 : i32
    %add3A_682 = arith.addi %mul3A_2, %add3A_681 : i32
    %dma_start3A_683 = tpu.memref_slice %arg3[%add3A_682] : memref<204800xi32, #tpu.memory_space<hbm>> -> memref<400xi32, #tpu.memory_space<hbm>>
    %dma_start3A_684 = tpu.memref_slice %arg3[%add3A_682] : memref<204800xi32, #tpu.memory_space<hbm>> -> memref<400xi32, #tpu.memory_space<hbm>>
    tpu.enqueue_dma source(%dma_start3A_684 : memref<400xi32, #tpu.memory_space<hbm>>) target(%arg22 : memref<400xi32, #tpu.memory_space<vmem>>) target_semaphore(%arg24 : memref<!tpu.dma_semaphore, #tpu.memory_space<semaphore_mem>>)
    %add3A_685 = arith.constant 4400 : i32
    %add3A_686 = arith.addi %mul3A_2, %add3A_685 : i32
    %dma_start3A_687 = tpu.memref_slice %arg4[%add3A_686] : memref<204800xi32, #tpu.memory_space<hbm>> -> memref<400xi32, #tpu.memory_space<hbm>>
    %dma_start3A_688 = tpu.memref_slice %arg4[%add3A_686] : memref<204800xi32, #tpu.memory_space<hbm>> -> memref<400xi32, #tpu.memory_space<hbm>>
    tpu.enqueue_dma source(%dma_start3A_688 : memref<400xi32, #tpu.memory_space<hbm>>) target(%arg23 : memref<400xi32, #tpu.memory_space<vmem>>) target_semaphore(%arg24 : memref<!tpu.dma_semaphore, #tpu.memory_space<semaphore_mem>>)
    %dma_wait3A_689 = arith.constant 4000 : i32
    %dma_wait3A_690 = tpu.memref_slice %arg9[%dma_wait3A_689] : memref<6400xi32, #tpu.memory_space<vmem>> -> memref<400xi32, #tpu.memory_space<vmem>>
    %dma_wait3A_691 = arith.constant 0 : i32
    %dma_wait3A_692 = arith.constant 0 : i32
    %dma_wait3A_693 = tpu.memref_slice %arg5[%dma_wait3A_691, %dma_wait3A_692] : memref<100000x64xf32, #tpu.memory_space<hbm>> -> memref<100000x64xf32, #tpu.memory_space<hbm>>
    tpu.wait_indirect_dma semaphore(%arg16 : memref<!tpu.dma_semaphore, #tpu.memory_space<semaphore_mem>>) src(%dma_wait3A_693 : memref<100000x64xf32, #tpu.memory_space<hbm>>) dst(%arg11 : memref<400x64xf32, #tpu.memory_space<vmem>>)
    %add3A_694 = arith.constant 4000 : i32
    %add3A_695 = arith.addi %mul3A_2, %add3A_694 : i32
    %dma_wait3A_696 = tpu.memref_slice %arg3[%add3A_695] : memref<204800xi32, #tpu.memory_space<hbm>> -> memref<400xi32, #tpu.memory_space<hbm>>
    %dma_wait3A_697 = tpu.memref_slice %arg3[%add3A_695] : memref<204800xi32, #tpu.memory_space<hbm>> -> memref<400xi32, #tpu.memory_space<hbm>>
    tpu.wait_dma2 semaphore(%arg16 : memref<!tpu.dma_semaphore, #tpu.memory_space<semaphore_mem>>) src(%dma_wait3A_697 : memref<400xi32, #tpu.memory_space<hbm>>) dst(%arg14 : memref<400xi32, #tpu.memory_space<vmem>>)
    %add3A_698 = arith.constant 4000 : i32
    %add3A_699 = arith.addi %mul3A_2, %add3A_698 : i32
    %dma_wait3A_700 = tpu.memref_slice %arg4[%add3A_699] : memref<204800xi32, #tpu.memory_space<hbm>> -> memref<400xi32, #tpu.memory_space<hbm>>
    %dma_wait3A_701 = tpu.memref_slice %arg4[%add3A_699] : memref<204800xi32, #tpu.memory_space<hbm>> -> memref<400xi32, #tpu.memory_space<hbm>>
    tpu.wait_dma2 semaphore(%arg16 : memref<!tpu.dma_semaphore, #tpu.memory_space<semaphore_mem>>) src(%dma_wait3A_701 : memref<400xi32, #tpu.memory_space<hbm>>) dst(%arg15 : memref<400xi32, #tpu.memory_space<vmem>>)
    %dma_start3A_702 = arith.constant 0 : i32
    %dma_start3A_703 = arith.constant 0 : i32
    %dma_start3A_704 = tpu.memref_slice %arg10[%dma_start3A_702, %dma_start3A_703] : memref<2000x32xf32, #tpu.memory_space<vmem_shared>> -> memref<2000x32xf32, #tpu.memory_space<vmem_shared>>
    tpu.enqueue_indirect_dma source(%dma_start3A_704 : memref<2000x32xf32, #tpu.memory_space<vmem_shared>>) target(%arg12 : memref<400x32xf32, #tpu.memory_space<vmem>>) offsets(%arg14 : memref<400xi32, #tpu.memory_space<vmem>>) semaphore(%arg17 : memref<!tpu.dma_semaphore, #tpu.memory_space<semaphore_mem>>)
    %dma_start3A_705 = arith.constant 0 : i32
    %dma_start3A_706 = arith.constant 0 : i32
    %dma_start3A_707 = tpu.memref_slice %arg10[%dma_start3A_705, %dma_start3A_706] : memref<2000x32xf32, #tpu.memory_space<vmem_shared>> -> memref<2000x32xf32, #tpu.memory_space<vmem_shared>>
    tpu.enqueue_indirect_dma source(%dma_start3A_707 : memref<2000x32xf32, #tpu.memory_space<vmem_shared>>) target(%arg13 : memref<400x32xf32, #tpu.memory_space<vmem>>) offsets(%arg15 : memref<400xi32, #tpu.memory_space<vmem>>) semaphore(%arg17 : memref<!tpu.dma_semaphore, #tpu.memory_space<semaphore_mem>>)
    %dma_wait3A_708 = arith.constant 0 : i32
    %dma_wait3A_709 = arith.constant 0 : i32
    %dma_wait3A_710 = tpu.memref_slice %arg10[%dma_wait3A_708, %dma_wait3A_709] : memref<2000x32xf32, #tpu.memory_space<vmem_shared>> -> memref<2000x32xf32, #tpu.memory_space<vmem_shared>>
    tpu.wait_indirect_dma semaphore(%arg17 : memref<!tpu.dma_semaphore, #tpu.memory_space<semaphore_mem>>) src(%dma_wait3A_710 : memref<2000x32xf32, #tpu.memory_space<vmem_shared>>) dst(%arg12 : memref<400x32xf32, #tpu.memory_space<vmem>>)
    %dma_wait3A_711 = arith.constant 0 : i32
    %dma_wait3A_712 = arith.constant 0 : i32
    %dma_wait3A_713 = tpu.memref_slice %arg10[%dma_wait3A_711, %dma_wait3A_712] : memref<2000x32xf32, #tpu.memory_space<vmem_shared>> -> memref<2000x32xf32, #tpu.memory_space<vmem_shared>>
    tpu.wait_indirect_dma semaphore(%arg17 : memref<!tpu.dma_semaphore, #tpu.memory_space<semaphore_mem>>) src(%dma_wait3A_713 : memref<2000x32xf32, #tpu.memory_space<vmem_shared>>) dst(%arg13 : memref<400x32xf32, #tpu.memory_space<vmem>>)
    %add3A_714 = arith.constant 4000 : i32
    %add3A_715 = arith.addi %mul3A_2, %add3A_714 : i32
    %dma_start3A_716 = arith.constant 0 : i32
    %dma_start3A_717 = tpu.memref_slice %arg8[%add3A_715, %dma_start3A_716] : memref<204800x128xf32, #tpu.memory_space<hbm>> -> memref<400x64xf32, #tpu.memory_space<hbm>>
    %dma_start3A_718 = arith.constant 0 : i32
    %dma_start3A_719 = tpu.memref_slice %arg8[%add3A_715, %dma_start3A_718] : memref<204800x128xf32, #tpu.memory_space<hbm>> -> memref<400x64xf32, #tpu.memory_space<hbm>>
    tpu.enqueue_dma source(%arg11 : memref<400x64xf32, #tpu.memory_space<vmem>>) target(%dma_start3A_719 : memref<400x64xf32, #tpu.memory_space<hbm>>) target_semaphore(%arg18 : memref<!tpu.dma_semaphore, #tpu.memory_space<semaphore_mem>>)
    %dma_start3A_720 = arith.constant 64 : i32
    %dma_start3A_721 = tpu.memref_slice %arg8[%add3A_715, %dma_start3A_720] : memref<204800x128xf32, #tpu.memory_space<hbm>> -> memref<400x32xf32, #tpu.memory_space<hbm>>
    %dma_start3A_722 = arith.constant 64 : i32
    %dma_start3A_723 = tpu.memref_slice %arg8[%add3A_715, %dma_start3A_722] : memref<204800x128xf32, #tpu.memory_space<hbm>> -> memref<400x32xf32, #tpu.memory_space<hbm>>
    tpu.enqueue_dma source(%arg12 : memref<400x32xf32, #tpu.memory_space<vmem>>) target(%dma_start3A_723 : memref<400x32xf32, #tpu.memory_space<hbm>>) target_semaphore(%arg18 : memref<!tpu.dma_semaphore, #tpu.memory_space<semaphore_mem>>)
    %dma_start3A_724 = arith.constant 96 : i32
    %dma_start3A_725 = tpu.memref_slice %arg8[%add3A_715, %dma_start3A_724] : memref<204800x128xf32, #tpu.memory_space<hbm>> -> memref<400x32xf32, #tpu.memory_space<hbm>>
    %dma_start3A_726 = arith.constant 96 : i32
    %dma_start3A_727 = tpu.memref_slice %arg8[%add3A_715, %dma_start3A_726] : memref<204800x128xf32, #tpu.memory_space<hbm>> -> memref<400x32xf32, #tpu.memory_space<hbm>>
    tpu.enqueue_dma source(%arg13 : memref<400x32xf32, #tpu.memory_space<vmem>>) target(%dma_start3A_727 : memref<400x32xf32, #tpu.memory_space<hbm>>) target_semaphore(%arg18 : memref<!tpu.dma_semaphore, #tpu.memory_space<semaphore_mem>>)
    %add3A_728 = arith.constant 4000 : i32
    %add3A_729 = arith.addi %mul3A_2, %add3A_728 : i32
    %dma_wait3A_730 = arith.constant 0 : i32
    %dma_wait3A_731 = tpu.memref_slice %arg8[%add3A_729, %dma_wait3A_730] : memref<204800x128xf32, #tpu.memory_space<hbm>> -> memref<400x64xf32, #tpu.memory_space<hbm>>
    %dma_wait3A_732 = arith.constant 0 : i32
    %dma_wait3A_733 = tpu.memref_slice %arg8[%add3A_729, %dma_wait3A_732] : memref<204800x128xf32, #tpu.memory_space<hbm>> -> memref<400x64xf32, #tpu.memory_space<hbm>>
    tpu.wait_dma2 semaphore(%arg18 : memref<!tpu.dma_semaphore, #tpu.memory_space<semaphore_mem>>) src(%arg11 : memref<400x64xf32, #tpu.memory_space<vmem>>) dst(%dma_wait3A_733 : memref<400x64xf32, #tpu.memory_space<hbm>>)
    %dma_wait3A_734 = arith.constant 64 : i32
    %dma_wait3A_735 = tpu.memref_slice %arg8[%add3A_729, %dma_wait3A_734] : memref<204800x128xf32, #tpu.memory_space<hbm>> -> memref<400x32xf32, #tpu.memory_space<hbm>>
    %dma_wait3A_736 = arith.constant 64 : i32
    %dma_wait3A_737 = tpu.memref_slice %arg8[%add3A_729, %dma_wait3A_736] : memref<204800x128xf32, #tpu.memory_space<hbm>> -> memref<400x32xf32, #tpu.memory_space<hbm>>
    tpu.wait_dma2 semaphore(%arg18 : memref<!tpu.dma_semaphore, #tpu.memory_space<semaphore_mem>>) src(%arg12 : memref<400x32xf32, #tpu.memory_space<vmem>>) dst(%dma_wait3A_737 : memref<400x32xf32, #tpu.memory_space<hbm>>)
    %dma_wait3A_738 = arith.constant 96 : i32
    %dma_wait3A_739 = tpu.memref_slice %arg8[%add3A_729, %dma_wait3A_738] : memref<204800x128xf32, #tpu.memory_space<hbm>> -> memref<400x32xf32, #tpu.memory_space<hbm>>
    %dma_wait3A_740 = arith.constant 96 : i32
    %dma_wait3A_741 = tpu.memref_slice %arg8[%add3A_729, %dma_wait3A_740] : memref<204800x128xf32, #tpu.memory_space<hbm>> -> memref<400x32xf32, #tpu.memory_space<hbm>>
    tpu.wait_dma2 semaphore(%arg18 : memref<!tpu.dma_semaphore, #tpu.memory_space<semaphore_mem>>) src(%arg13 : memref<400x32xf32, #tpu.memory_space<vmem>>) dst(%dma_wait3A_741 : memref<400x32xf32, #tpu.memory_space<hbm>>)
    %dma_start3A_742 = arith.constant 4800 : i32
    %dma_start3A_743 = tpu.memref_slice %arg9[%dma_start3A_742] : memref<6400xi32, #tpu.memory_space<vmem>> -> memref<400xi32, #tpu.memory_space<vmem>>
    %dma_start3A_744 = arith.constant 0 : i32
    %dma_start3A_745 = arith.constant 0 : i32
    %dma_start3A_746 = tpu.memref_slice %arg5[%dma_start3A_744, %dma_start3A_745] : memref<100000x64xf32, #tpu.memory_space<hbm>> -> memref<100000x64xf32, #tpu.memory_space<hbm>>
    tpu.enqueue_indirect_dma source(%dma_start3A_746 : memref<100000x64xf32, #tpu.memory_space<hbm>>) target(%arg11 : memref<400x64xf32, #tpu.memory_space<vmem>>) offsets(%dma_start3A_743 : memref<400xi32, #tpu.memory_space<vmem>>) semaphore(%arg16 : memref<!tpu.dma_semaphore, #tpu.memory_space<semaphore_mem>>)
    %add3A_747 = arith.constant 4800 : i32
    %add3A_748 = arith.addi %mul3A_2, %add3A_747 : i32
    %dma_start3A_749 = tpu.memref_slice %arg3[%add3A_748] : memref<204800xi32, #tpu.memory_space<hbm>> -> memref<400xi32, #tpu.memory_space<hbm>>
    %dma_start3A_750 = tpu.memref_slice %arg3[%add3A_748] : memref<204800xi32, #tpu.memory_space<hbm>> -> memref<400xi32, #tpu.memory_space<hbm>>
    tpu.enqueue_dma source(%dma_start3A_750 : memref<400xi32, #tpu.memory_space<hbm>>) target(%arg14 : memref<400xi32, #tpu.memory_space<vmem>>) target_semaphore(%arg16 : memref<!tpu.dma_semaphore, #tpu.memory_space<semaphore_mem>>)
    %add3A_751 = arith.constant 4800 : i32
    %add3A_752 = arith.addi %mul3A_2, %add3A_751 : i32
    %dma_start3A_753 = tpu.memref_slice %arg4[%add3A_752] : memref<204800xi32, #tpu.memory_space<hbm>> -> memref<400xi32, #tpu.memory_space<hbm>>
    %dma_start3A_754 = tpu.memref_slice %arg4[%add3A_752] : memref<204800xi32, #tpu.memory_space<hbm>> -> memref<400xi32, #tpu.memory_space<hbm>>
    tpu.enqueue_dma source(%dma_start3A_754 : memref<400xi32, #tpu.memory_space<hbm>>) target(%arg15 : memref<400xi32, #tpu.memory_space<vmem>>) target_semaphore(%arg16 : memref<!tpu.dma_semaphore, #tpu.memory_space<semaphore_mem>>)
    %dma_wait3A_755 = arith.constant 4400 : i32
    %dma_wait3A_756 = tpu.memref_slice %arg9[%dma_wait3A_755] : memref<6400xi32, #tpu.memory_space<vmem>> -> memref<400xi32, #tpu.memory_space<vmem>>
    %dma_wait3A_757 = arith.constant 0 : i32
    %dma_wait3A_758 = arith.constant 0 : i32
    %dma_wait3A_759 = tpu.memref_slice %arg5[%dma_wait3A_757, %dma_wait3A_758] : memref<100000x64xf32, #tpu.memory_space<hbm>> -> memref<100000x64xf32, #tpu.memory_space<hbm>>
    tpu.wait_indirect_dma semaphore(%arg24 : memref<!tpu.dma_semaphore, #tpu.memory_space<semaphore_mem>>) src(%dma_wait3A_759 : memref<100000x64xf32, #tpu.memory_space<hbm>>) dst(%arg19 : memref<400x64xf32, #tpu.memory_space<vmem>>)
    %add3A_760 = arith.constant 4400 : i32
    %add3A_761 = arith.addi %mul3A_2, %add3A_760 : i32
    %dma_wait3A_762 = tpu.memref_slice %arg3[%add3A_761] : memref<204800xi32, #tpu.memory_space<hbm>> -> memref<400xi32, #tpu.memory_space<hbm>>
    %dma_wait3A_763 = tpu.memref_slice %arg3[%add3A_761] : memref<204800xi32, #tpu.memory_space<hbm>> -> memref<400xi32, #tpu.memory_space<hbm>>
    tpu.wait_dma2 semaphore(%arg24 : memref<!tpu.dma_semaphore, #tpu.memory_space<semaphore_mem>>) src(%dma_wait3A_763 : memref<400xi32, #tpu.memory_space<hbm>>) dst(%arg22 : memref<400xi32, #tpu.memory_space<vmem>>)
    %add3A_764 = arith.constant 4400 : i32
    %add3A_765 = arith.addi %mul3A_2, %add3A_764 : i32
    %dma_wait3A_766 = tpu.memref_slice %arg4[%add3A_765] : memref<204800xi32, #tpu.memory_space<hbm>> -> memref<400xi32, #tpu.memory_space<hbm>>
    %dma_wait3A_767 = tpu.memref_slice %arg4[%add3A_765] : memref<204800xi32, #tpu.memory_space<hbm>> -> memref<400xi32, #tpu.memory_space<hbm>>
    tpu.wait_dma2 semaphore(%arg24 : memref<!tpu.dma_semaphore, #tpu.memory_space<semaphore_mem>>) src(%dma_wait3A_767 : memref<400xi32, #tpu.memory_space<hbm>>) dst(%arg23 : memref<400xi32, #tpu.memory_space<vmem>>)
    %dma_start3A_768 = arith.constant 0 : i32
    %dma_start3A_769 = arith.constant 0 : i32
    %dma_start3A_770 = tpu.memref_slice %arg10[%dma_start3A_768, %dma_start3A_769] : memref<2000x32xf32, #tpu.memory_space<vmem_shared>> -> memref<2000x32xf32, #tpu.memory_space<vmem_shared>>
    tpu.enqueue_indirect_dma source(%dma_start3A_770 : memref<2000x32xf32, #tpu.memory_space<vmem_shared>>) target(%arg20 : memref<400x32xf32, #tpu.memory_space<vmem>>) offsets(%arg22 : memref<400xi32, #tpu.memory_space<vmem>>) semaphore(%arg25 : memref<!tpu.dma_semaphore, #tpu.memory_space<semaphore_mem>>)
    %dma_start3A_771 = arith.constant 0 : i32
    %dma_start3A_772 = arith.constant 0 : i32
    %dma_start3A_773 = tpu.memref_slice %arg10[%dma_start3A_771, %dma_start3A_772] : memref<2000x32xf32, #tpu.memory_space<vmem_shared>> -> memref<2000x32xf32, #tpu.memory_space<vmem_shared>>
    tpu.enqueue_indirect_dma source(%dma_start3A_773 : memref<2000x32xf32, #tpu.memory_space<vmem_shared>>) target(%arg21 : memref<400x32xf32, #tpu.memory_space<vmem>>) offsets(%arg23 : memref<400xi32, #tpu.memory_space<vmem>>) semaphore(%arg25 : memref<!tpu.dma_semaphore, #tpu.memory_space<semaphore_mem>>)
    %dma_wait3A_774 = arith.constant 0 : i32
    %dma_wait3A_775 = arith.constant 0 : i32
    %dma_wait3A_776 = tpu.memref_slice %arg10[%dma_wait3A_774, %dma_wait3A_775] : memref<2000x32xf32, #tpu.memory_space<vmem_shared>> -> memref<2000x32xf32, #tpu.memory_space<vmem_shared>>
    tpu.wait_indirect_dma semaphore(%arg25 : memref<!tpu.dma_semaphore, #tpu.memory_space<semaphore_mem>>) src(%dma_wait3A_776 : memref<2000x32xf32, #tpu.memory_space<vmem_shared>>) dst(%arg20 : memref<400x32xf32, #tpu.memory_space<vmem>>)
    %dma_wait3A_777 = arith.constant 0 : i32
    %dma_wait3A_778 = arith.constant 0 : i32
    %dma_wait3A_779 = tpu.memref_slice %arg10[%dma_wait3A_777, %dma_wait3A_778] : memref<2000x32xf32, #tpu.memory_space<vmem_shared>> -> memref<2000x32xf32, #tpu.memory_space<vmem_shared>>
    tpu.wait_indirect_dma semaphore(%arg25 : memref<!tpu.dma_semaphore, #tpu.memory_space<semaphore_mem>>) src(%dma_wait3A_779 : memref<2000x32xf32, #tpu.memory_space<vmem_shared>>) dst(%arg21 : memref<400x32xf32, #tpu.memory_space<vmem>>)
    %add3A_780 = arith.constant 4400 : i32
    %add3A_781 = arith.addi %mul3A_2, %add3A_780 : i32
    %dma_start3A_782 = arith.constant 0 : i32
    %dma_start3A_783 = tpu.memref_slice %arg8[%add3A_781, %dma_start3A_782] : memref<204800x128xf32, #tpu.memory_space<hbm>> -> memref<400x64xf32, #tpu.memory_space<hbm>>
    %dma_start3A_784 = arith.constant 0 : i32
    %dma_start3A_785 = tpu.memref_slice %arg8[%add3A_781, %dma_start3A_784] : memref<204800x128xf32, #tpu.memory_space<hbm>> -> memref<400x64xf32, #tpu.memory_space<hbm>>
    tpu.enqueue_dma source(%arg19 : memref<400x64xf32, #tpu.memory_space<vmem>>) target(%dma_start3A_785 : memref<400x64xf32, #tpu.memory_space<hbm>>) target_semaphore(%arg26 : memref<!tpu.dma_semaphore, #tpu.memory_space<semaphore_mem>>)
    %dma_start3A_786 = arith.constant 64 : i32
    %dma_start3A_787 = tpu.memref_slice %arg8[%add3A_781, %dma_start3A_786] : memref<204800x128xf32, #tpu.memory_space<hbm>> -> memref<400x32xf32, #tpu.memory_space<hbm>>
    %dma_start3A_788 = arith.constant 64 : i32
    %dma_start3A_789 = tpu.memref_slice %arg8[%add3A_781, %dma_start3A_788] : memref<204800x128xf32, #tpu.memory_space<hbm>> -> memref<400x32xf32, #tpu.memory_space<hbm>>
    tpu.enqueue_dma source(%arg20 : memref<400x32xf32, #tpu.memory_space<vmem>>) target(%dma_start3A_789 : memref<400x32xf32, #tpu.memory_space<hbm>>) target_semaphore(%arg26 : memref<!tpu.dma_semaphore, #tpu.memory_space<semaphore_mem>>)
    %dma_start3A_790 = arith.constant 96 : i32
    %dma_start3A_791 = tpu.memref_slice %arg8[%add3A_781, %dma_start3A_790] : memref<204800x128xf32, #tpu.memory_space<hbm>> -> memref<400x32xf32, #tpu.memory_space<hbm>>
    %dma_start3A_792 = arith.constant 96 : i32
    %dma_start3A_793 = tpu.memref_slice %arg8[%add3A_781, %dma_start3A_792] : memref<204800x128xf32, #tpu.memory_space<hbm>> -> memref<400x32xf32, #tpu.memory_space<hbm>>
    tpu.enqueue_dma source(%arg21 : memref<400x32xf32, #tpu.memory_space<vmem>>) target(%dma_start3A_793 : memref<400x32xf32, #tpu.memory_space<hbm>>) target_semaphore(%arg26 : memref<!tpu.dma_semaphore, #tpu.memory_space<semaphore_mem>>)
    %add3A_794 = arith.constant 4400 : i32
    %add3A_795 = arith.addi %mul3A_2, %add3A_794 : i32
    %dma_wait3A_796 = arith.constant 0 : i32
    %dma_wait3A_797 = tpu.memref_slice %arg8[%add3A_795, %dma_wait3A_796] : memref<204800x128xf32, #tpu.memory_space<hbm>> -> memref<400x64xf32, #tpu.memory_space<hbm>>
    %dma_wait3A_798 = arith.constant 0 : i32
    %dma_wait3A_799 = tpu.memref_slice %arg8[%add3A_795, %dma_wait3A_798] : memref<204800x128xf32, #tpu.memory_space<hbm>> -> memref<400x64xf32, #tpu.memory_space<hbm>>
    tpu.wait_dma2 semaphore(%arg26 : memref<!tpu.dma_semaphore, #tpu.memory_space<semaphore_mem>>) src(%arg19 : memref<400x64xf32, #tpu.memory_space<vmem>>) dst(%dma_wait3A_799 : memref<400x64xf32, #tpu.memory_space<hbm>>)
    %dma_wait3A_800 = arith.constant 64 : i32
    %dma_wait3A_801 = tpu.memref_slice %arg8[%add3A_795, %dma_wait3A_800] : memref<204800x128xf32, #tpu.memory_space<hbm>> -> memref<400x32xf32, #tpu.memory_space<hbm>>
    %dma_wait3A_802 = arith.constant 64 : i32
    %dma_wait3A_803 = tpu.memref_slice %arg8[%add3A_795, %dma_wait3A_802] : memref<204800x128xf32, #tpu.memory_space<hbm>> -> memref<400x32xf32, #tpu.memory_space<hbm>>
    tpu.wait_dma2 semaphore(%arg26 : memref<!tpu.dma_semaphore, #tpu.memory_space<semaphore_mem>>) src(%arg20 : memref<400x32xf32, #tpu.memory_space<vmem>>) dst(%dma_wait3A_803 : memref<400x32xf32, #tpu.memory_space<hbm>>)
    %dma_wait3A_804 = arith.constant 96 : i32
    %dma_wait3A_805 = tpu.memref_slice %arg8[%add3A_795, %dma_wait3A_804] : memref<204800x128xf32, #tpu.memory_space<hbm>> -> memref<400x32xf32, #tpu.memory_space<hbm>>
    %dma_wait3A_806 = arith.constant 96 : i32
    %dma_wait3A_807 = tpu.memref_slice %arg8[%add3A_795, %dma_wait3A_806] : memref<204800x128xf32, #tpu.memory_space<hbm>> -> memref<400x32xf32, #tpu.memory_space<hbm>>
    tpu.wait_dma2 semaphore(%arg26 : memref<!tpu.dma_semaphore, #tpu.memory_space<semaphore_mem>>) src(%arg21 : memref<400x32xf32, #tpu.memory_space<vmem>>) dst(%dma_wait3A_807 : memref<400x32xf32, #tpu.memory_space<hbm>>)
    %dma_start3A_808 = arith.constant 5200 : i32
    %dma_start3A_809 = tpu.memref_slice %arg9[%dma_start3A_808] : memref<6400xi32, #tpu.memory_space<vmem>> -> memref<400xi32, #tpu.memory_space<vmem>>
    %dma_start3A_810 = arith.constant 0 : i32
    %dma_start3A_811 = arith.constant 0 : i32
    %dma_start3A_812 = tpu.memref_slice %arg5[%dma_start3A_810, %dma_start3A_811] : memref<100000x64xf32, #tpu.memory_space<hbm>> -> memref<100000x64xf32, #tpu.memory_space<hbm>>
    tpu.enqueue_indirect_dma source(%dma_start3A_812 : memref<100000x64xf32, #tpu.memory_space<hbm>>) target(%arg19 : memref<400x64xf32, #tpu.memory_space<vmem>>) offsets(%dma_start3A_809 : memref<400xi32, #tpu.memory_space<vmem>>) semaphore(%arg24 : memref<!tpu.dma_semaphore, #tpu.memory_space<semaphore_mem>>)
    %add3A_813 = arith.constant 5200 : i32
    %add3A_814 = arith.addi %mul3A_2, %add3A_813 : i32
    %dma_start3A_815 = tpu.memref_slice %arg3[%add3A_814] : memref<204800xi32, #tpu.memory_space<hbm>> -> memref<400xi32, #tpu.memory_space<hbm>>
    %dma_start3A_816 = tpu.memref_slice %arg3[%add3A_814] : memref<204800xi32, #tpu.memory_space<hbm>> -> memref<400xi32, #tpu.memory_space<hbm>>
    tpu.enqueue_dma source(%dma_start3A_816 : memref<400xi32, #tpu.memory_space<hbm>>) target(%arg22 : memref<400xi32, #tpu.memory_space<vmem>>) target_semaphore(%arg24 : memref<!tpu.dma_semaphore, #tpu.memory_space<semaphore_mem>>)
    %add3A_817 = arith.constant 5200 : i32
    %add3A_818 = arith.addi %mul3A_2, %add3A_817 : i32
    %dma_start3A_819 = tpu.memref_slice %arg4[%add3A_818] : memref<204800xi32, #tpu.memory_space<hbm>> -> memref<400xi32, #tpu.memory_space<hbm>>
    %dma_start3A_820 = tpu.memref_slice %arg4[%add3A_818] : memref<204800xi32, #tpu.memory_space<hbm>> -> memref<400xi32, #tpu.memory_space<hbm>>
    tpu.enqueue_dma source(%dma_start3A_820 : memref<400xi32, #tpu.memory_space<hbm>>) target(%arg23 : memref<400xi32, #tpu.memory_space<vmem>>) target_semaphore(%arg24 : memref<!tpu.dma_semaphore, #tpu.memory_space<semaphore_mem>>)
    %dma_wait3A_821 = arith.constant 4800 : i32
    %dma_wait3A_822 = tpu.memref_slice %arg9[%dma_wait3A_821] : memref<6400xi32, #tpu.memory_space<vmem>> -> memref<400xi32, #tpu.memory_space<vmem>>
    %dma_wait3A_823 = arith.constant 0 : i32
    %dma_wait3A_824 = arith.constant 0 : i32
    %dma_wait3A_825 = tpu.memref_slice %arg5[%dma_wait3A_823, %dma_wait3A_824] : memref<100000x64xf32, #tpu.memory_space<hbm>> -> memref<100000x64xf32, #tpu.memory_space<hbm>>
    tpu.wait_indirect_dma semaphore(%arg16 : memref<!tpu.dma_semaphore, #tpu.memory_space<semaphore_mem>>) src(%dma_wait3A_825 : memref<100000x64xf32, #tpu.memory_space<hbm>>) dst(%arg11 : memref<400x64xf32, #tpu.memory_space<vmem>>)
    %add3A_826 = arith.constant 4800 : i32
    %add3A_827 = arith.addi %mul3A_2, %add3A_826 : i32
    %dma_wait3A_828 = tpu.memref_slice %arg3[%add3A_827] : memref<204800xi32, #tpu.memory_space<hbm>> -> memref<400xi32, #tpu.memory_space<hbm>>
    %dma_wait3A_829 = tpu.memref_slice %arg3[%add3A_827] : memref<204800xi32, #tpu.memory_space<hbm>> -> memref<400xi32, #tpu.memory_space<hbm>>
    tpu.wait_dma2 semaphore(%arg16 : memref<!tpu.dma_semaphore, #tpu.memory_space<semaphore_mem>>) src(%dma_wait3A_829 : memref<400xi32, #tpu.memory_space<hbm>>) dst(%arg14 : memref<400xi32, #tpu.memory_space<vmem>>)
    %add3A_830 = arith.constant 4800 : i32
    %add3A_831 = arith.addi %mul3A_2, %add3A_830 : i32
    %dma_wait3A_832 = tpu.memref_slice %arg4[%add3A_831] : memref<204800xi32, #tpu.memory_space<hbm>> -> memref<400xi32, #tpu.memory_space<hbm>>
    %dma_wait3A_833 = tpu.memref_slice %arg4[%add3A_831] : memref<204800xi32, #tpu.memory_space<hbm>> -> memref<400xi32, #tpu.memory_space<hbm>>
    tpu.wait_dma2 semaphore(%arg16 : memref<!tpu.dma_semaphore, #tpu.memory_space<semaphore_mem>>) src(%dma_wait3A_833 : memref<400xi32, #tpu.memory_space<hbm>>) dst(%arg15 : memref<400xi32, #tpu.memory_space<vmem>>)
    %dma_start3A_834 = arith.constant 0 : i32
    %dma_start3A_835 = arith.constant 0 : i32
    %dma_start3A_836 = tpu.memref_slice %arg10[%dma_start3A_834, %dma_start3A_835] : memref<2000x32xf32, #tpu.memory_space<vmem_shared>> -> memref<2000x32xf32, #tpu.memory_space<vmem_shared>>
    tpu.enqueue_indirect_dma source(%dma_start3A_836 : memref<2000x32xf32, #tpu.memory_space<vmem_shared>>) target(%arg12 : memref<400x32xf32, #tpu.memory_space<vmem>>) offsets(%arg14 : memref<400xi32, #tpu.memory_space<vmem>>) semaphore(%arg17 : memref<!tpu.dma_semaphore, #tpu.memory_space<semaphore_mem>>)
    %dma_start3A_837 = arith.constant 0 : i32
    %dma_start3A_838 = arith.constant 0 : i32
    %dma_start3A_839 = tpu.memref_slice %arg10[%dma_start3A_837, %dma_start3A_838] : memref<2000x32xf32, #tpu.memory_space<vmem_shared>> -> memref<2000x32xf32, #tpu.memory_space<vmem_shared>>
    tpu.enqueue_indirect_dma source(%dma_start3A_839 : memref<2000x32xf32, #tpu.memory_space<vmem_shared>>) target(%arg13 : memref<400x32xf32, #tpu.memory_space<vmem>>) offsets(%arg15 : memref<400xi32, #tpu.memory_space<vmem>>) semaphore(%arg17 : memref<!tpu.dma_semaphore, #tpu.memory_space<semaphore_mem>>)
    %dma_wait3A_840 = arith.constant 0 : i32
    %dma_wait3A_841 = arith.constant 0 : i32
    %dma_wait3A_842 = tpu.memref_slice %arg10[%dma_wait3A_840, %dma_wait3A_841] : memref<2000x32xf32, #tpu.memory_space<vmem_shared>> -> memref<2000x32xf32, #tpu.memory_space<vmem_shared>>
    tpu.wait_indirect_dma semaphore(%arg17 : memref<!tpu.dma_semaphore, #tpu.memory_space<semaphore_mem>>) src(%dma_wait3A_842 : memref<2000x32xf32, #tpu.memory_space<vmem_shared>>) dst(%arg12 : memref<400x32xf32, #tpu.memory_space<vmem>>)
    %dma_wait3A_843 = arith.constant 0 : i32
    %dma_wait3A_844 = arith.constant 0 : i32
    %dma_wait3A_845 = tpu.memref_slice %arg10[%dma_wait3A_843, %dma_wait3A_844] : memref<2000x32xf32, #tpu.memory_space<vmem_shared>> -> memref<2000x32xf32, #tpu.memory_space<vmem_shared>>
    tpu.wait_indirect_dma semaphore(%arg17 : memref<!tpu.dma_semaphore, #tpu.memory_space<semaphore_mem>>) src(%dma_wait3A_845 : memref<2000x32xf32, #tpu.memory_space<vmem_shared>>) dst(%arg13 : memref<400x32xf32, #tpu.memory_space<vmem>>)
    %add3A_846 = arith.constant 4800 : i32
    %add3A_847 = arith.addi %mul3A_2, %add3A_846 : i32
    %dma_start3A_848 = arith.constant 0 : i32
    %dma_start3A_849 = tpu.memref_slice %arg8[%add3A_847, %dma_start3A_848] : memref<204800x128xf32, #tpu.memory_space<hbm>> -> memref<400x64xf32, #tpu.memory_space<hbm>>
    %dma_start3A_850 = arith.constant 0 : i32
    %dma_start3A_851 = tpu.memref_slice %arg8[%add3A_847, %dma_start3A_850] : memref<204800x128xf32, #tpu.memory_space<hbm>> -> memref<400x64xf32, #tpu.memory_space<hbm>>
    tpu.enqueue_dma source(%arg11 : memref<400x64xf32, #tpu.memory_space<vmem>>) target(%dma_start3A_851 : memref<400x64xf32, #tpu.memory_space<hbm>>) target_semaphore(%arg18 : memref<!tpu.dma_semaphore, #tpu.memory_space<semaphore_mem>>)
    %dma_start3A_852 = arith.constant 64 : i32
    %dma_start3A_853 = tpu.memref_slice %arg8[%add3A_847, %dma_start3A_852] : memref<204800x128xf32, #tpu.memory_space<hbm>> -> memref<400x32xf32, #tpu.memory_space<hbm>>
    %dma_start3A_854 = arith.constant 64 : i32
    %dma_start3A_855 = tpu.memref_slice %arg8[%add3A_847, %dma_start3A_854] : memref<204800x128xf32, #tpu.memory_space<hbm>> -> memref<400x32xf32, #tpu.memory_space<hbm>>
    tpu.enqueue_dma source(%arg12 : memref<400x32xf32, #tpu.memory_space<vmem>>) target(%dma_start3A_855 : memref<400x32xf32, #tpu.memory_space<hbm>>) target_semaphore(%arg18 : memref<!tpu.dma_semaphore, #tpu.memory_space<semaphore_mem>>)
    %dma_start3A_856 = arith.constant 96 : i32
    %dma_start3A_857 = tpu.memref_slice %arg8[%add3A_847, %dma_start3A_856] : memref<204800x128xf32, #tpu.memory_space<hbm>> -> memref<400x32xf32, #tpu.memory_space<hbm>>
    %dma_start3A_858 = arith.constant 96 : i32
    %dma_start3A_859 = tpu.memref_slice %arg8[%add3A_847, %dma_start3A_858] : memref<204800x128xf32, #tpu.memory_space<hbm>> -> memref<400x32xf32, #tpu.memory_space<hbm>>
    tpu.enqueue_dma source(%arg13 : memref<400x32xf32, #tpu.memory_space<vmem>>) target(%dma_start3A_859 : memref<400x32xf32, #tpu.memory_space<hbm>>) target_semaphore(%arg18 : memref<!tpu.dma_semaphore, #tpu.memory_space<semaphore_mem>>)
    %add3A_860 = arith.constant 4800 : i32
    %add3A_861 = arith.addi %mul3A_2, %add3A_860 : i32
    %dma_wait3A_862 = arith.constant 0 : i32
    %dma_wait3A_863 = tpu.memref_slice %arg8[%add3A_861, %dma_wait3A_862] : memref<204800x128xf32, #tpu.memory_space<hbm>> -> memref<400x64xf32, #tpu.memory_space<hbm>>
    %dma_wait3A_864 = arith.constant 0 : i32
    %dma_wait3A_865 = tpu.memref_slice %arg8[%add3A_861, %dma_wait3A_864] : memref<204800x128xf32, #tpu.memory_space<hbm>> -> memref<400x64xf32, #tpu.memory_space<hbm>>
    tpu.wait_dma2 semaphore(%arg18 : memref<!tpu.dma_semaphore, #tpu.memory_space<semaphore_mem>>) src(%arg11 : memref<400x64xf32, #tpu.memory_space<vmem>>) dst(%dma_wait3A_865 : memref<400x64xf32, #tpu.memory_space<hbm>>)
    %dma_wait3A_866 = arith.constant 64 : i32
    %dma_wait3A_867 = tpu.memref_slice %arg8[%add3A_861, %dma_wait3A_866] : memref<204800x128xf32, #tpu.memory_space<hbm>> -> memref<400x32xf32, #tpu.memory_space<hbm>>
    %dma_wait3A_868 = arith.constant 64 : i32
    %dma_wait3A_869 = tpu.memref_slice %arg8[%add3A_861, %dma_wait3A_868] : memref<204800x128xf32, #tpu.memory_space<hbm>> -> memref<400x32xf32, #tpu.memory_space<hbm>>
    tpu.wait_dma2 semaphore(%arg18 : memref<!tpu.dma_semaphore, #tpu.memory_space<semaphore_mem>>) src(%arg12 : memref<400x32xf32, #tpu.memory_space<vmem>>) dst(%dma_wait3A_869 : memref<400x32xf32, #tpu.memory_space<hbm>>)
    %dma_wait3A_870 = arith.constant 96 : i32
    %dma_wait3A_871 = tpu.memref_slice %arg8[%add3A_861, %dma_wait3A_870] : memref<204800x128xf32, #tpu.memory_space<hbm>> -> memref<400x32xf32, #tpu.memory_space<hbm>>
    %dma_wait3A_872 = arith.constant 96 : i32
    %dma_wait3A_873 = tpu.memref_slice %arg8[%add3A_861, %dma_wait3A_872] : memref<204800x128xf32, #tpu.memory_space<hbm>> -> memref<400x32xf32, #tpu.memory_space<hbm>>
    tpu.wait_dma2 semaphore(%arg18 : memref<!tpu.dma_semaphore, #tpu.memory_space<semaphore_mem>>) src(%arg13 : memref<400x32xf32, #tpu.memory_space<vmem>>) dst(%dma_wait3A_873 : memref<400x32xf32, #tpu.memory_space<hbm>>)
    %dma_start3A_874 = arith.constant 5600 : i32
    %dma_start3A_875 = tpu.memref_slice %arg9[%dma_start3A_874] : memref<6400xi32, #tpu.memory_space<vmem>> -> memref<400xi32, #tpu.memory_space<vmem>>
    %dma_start3A_876 = arith.constant 0 : i32
    %dma_start3A_877 = arith.constant 0 : i32
    %dma_start3A_878 = tpu.memref_slice %arg5[%dma_start3A_876, %dma_start3A_877] : memref<100000x64xf32, #tpu.memory_space<hbm>> -> memref<100000x64xf32, #tpu.memory_space<hbm>>
    tpu.enqueue_indirect_dma source(%dma_start3A_878 : memref<100000x64xf32, #tpu.memory_space<hbm>>) target(%arg11 : memref<400x64xf32, #tpu.memory_space<vmem>>) offsets(%dma_start3A_875 : memref<400xi32, #tpu.memory_space<vmem>>) semaphore(%arg16 : memref<!tpu.dma_semaphore, #tpu.memory_space<semaphore_mem>>)
    %add3A_879 = arith.constant 5600 : i32
    %add3A_880 = arith.addi %mul3A_2, %add3A_879 : i32
    %dma_start3A_881 = tpu.memref_slice %arg3[%add3A_880] : memref<204800xi32, #tpu.memory_space<hbm>> -> memref<400xi32, #tpu.memory_space<hbm>>
    %dma_start3A_882 = tpu.memref_slice %arg3[%add3A_880] : memref<204800xi32, #tpu.memory_space<hbm>> -> memref<400xi32, #tpu.memory_space<hbm>>
    tpu.enqueue_dma source(%dma_start3A_882 : memref<400xi32, #tpu.memory_space<hbm>>) target(%arg14 : memref<400xi32, #tpu.memory_space<vmem>>) target_semaphore(%arg16 : memref<!tpu.dma_semaphore, #tpu.memory_space<semaphore_mem>>)
    %add3A_883 = arith.constant 5600 : i32
    %add3A_884 = arith.addi %mul3A_2, %add3A_883 : i32
    %dma_start3A_885 = tpu.memref_slice %arg4[%add3A_884] : memref<204800xi32, #tpu.memory_space<hbm>> -> memref<400xi32, #tpu.memory_space<hbm>>
    %dma_start3A_886 = tpu.memref_slice %arg4[%add3A_884] : memref<204800xi32, #tpu.memory_space<hbm>> -> memref<400xi32, #tpu.memory_space<hbm>>
    tpu.enqueue_dma source(%dma_start3A_886 : memref<400xi32, #tpu.memory_space<hbm>>) target(%arg15 : memref<400xi32, #tpu.memory_space<vmem>>) target_semaphore(%arg16 : memref<!tpu.dma_semaphore, #tpu.memory_space<semaphore_mem>>)
    %dma_wait3A_887 = arith.constant 5200 : i32
    %dma_wait3A_888 = tpu.memref_slice %arg9[%dma_wait3A_887] : memref<6400xi32, #tpu.memory_space<vmem>> -> memref<400xi32, #tpu.memory_space<vmem>>
    %dma_wait3A_889 = arith.constant 0 : i32
    %dma_wait3A_890 = arith.constant 0 : i32
    %dma_wait3A_891 = tpu.memref_slice %arg5[%dma_wait3A_889, %dma_wait3A_890] : memref<100000x64xf32, #tpu.memory_space<hbm>> -> memref<100000x64xf32, #tpu.memory_space<hbm>>
    tpu.wait_indirect_dma semaphore(%arg24 : memref<!tpu.dma_semaphore, #tpu.memory_space<semaphore_mem>>) src(%dma_wait3A_891 : memref<100000x64xf32, #tpu.memory_space<hbm>>) dst(%arg19 : memref<400x64xf32, #tpu.memory_space<vmem>>)
    %add3A_892 = arith.constant 5200 : i32
    %add3A_893 = arith.addi %mul3A_2, %add3A_892 : i32
    %dma_wait3A_894 = tpu.memref_slice %arg3[%add3A_893] : memref<204800xi32, #tpu.memory_space<hbm>> -> memref<400xi32, #tpu.memory_space<hbm>>
    %dma_wait3A_895 = tpu.memref_slice %arg3[%add3A_893] : memref<204800xi32, #tpu.memory_space<hbm>> -> memref<400xi32, #tpu.memory_space<hbm>>
    tpu.wait_dma2 semaphore(%arg24 : memref<!tpu.dma_semaphore, #tpu.memory_space<semaphore_mem>>) src(%dma_wait3A_895 : memref<400xi32, #tpu.memory_space<hbm>>) dst(%arg22 : memref<400xi32, #tpu.memory_space<vmem>>)
    %add3A_896 = arith.constant 5200 : i32
    %add3A_897 = arith.addi %mul3A_2, %add3A_896 : i32
    %dma_wait3A_898 = tpu.memref_slice %arg4[%add3A_897] : memref<204800xi32, #tpu.memory_space<hbm>> -> memref<400xi32, #tpu.memory_space<hbm>>
    %dma_wait3A_899 = tpu.memref_slice %arg4[%add3A_897] : memref<204800xi32, #tpu.memory_space<hbm>> -> memref<400xi32, #tpu.memory_space<hbm>>
    tpu.wait_dma2 semaphore(%arg24 : memref<!tpu.dma_semaphore, #tpu.memory_space<semaphore_mem>>) src(%dma_wait3A_899 : memref<400xi32, #tpu.memory_space<hbm>>) dst(%arg23 : memref<400xi32, #tpu.memory_space<vmem>>)
    %dma_start3A_900 = arith.constant 0 : i32
    %dma_start3A_901 = arith.constant 0 : i32
    %dma_start3A_902 = tpu.memref_slice %arg10[%dma_start3A_900, %dma_start3A_901] : memref<2000x32xf32, #tpu.memory_space<vmem_shared>> -> memref<2000x32xf32, #tpu.memory_space<vmem_shared>>
    tpu.enqueue_indirect_dma source(%dma_start3A_902 : memref<2000x32xf32, #tpu.memory_space<vmem_shared>>) target(%arg20 : memref<400x32xf32, #tpu.memory_space<vmem>>) offsets(%arg22 : memref<400xi32, #tpu.memory_space<vmem>>) semaphore(%arg25 : memref<!tpu.dma_semaphore, #tpu.memory_space<semaphore_mem>>)
    %dma_start3A_903 = arith.constant 0 : i32
    %dma_start3A_904 = arith.constant 0 : i32
    %dma_start3A_905 = tpu.memref_slice %arg10[%dma_start3A_903, %dma_start3A_904] : memref<2000x32xf32, #tpu.memory_space<vmem_shared>> -> memref<2000x32xf32, #tpu.memory_space<vmem_shared>>
    tpu.enqueue_indirect_dma source(%dma_start3A_905 : memref<2000x32xf32, #tpu.memory_space<vmem_shared>>) target(%arg21 : memref<400x32xf32, #tpu.memory_space<vmem>>) offsets(%arg23 : memref<400xi32, #tpu.memory_space<vmem>>) semaphore(%arg25 : memref<!tpu.dma_semaphore, #tpu.memory_space<semaphore_mem>>)
    %dma_wait3A_906 = arith.constant 0 : i32
    %dma_wait3A_907 = arith.constant 0 : i32
    %dma_wait3A_908 = tpu.memref_slice %arg10[%dma_wait3A_906, %dma_wait3A_907] : memref<2000x32xf32, #tpu.memory_space<vmem_shared>> -> memref<2000x32xf32, #tpu.memory_space<vmem_shared>>
    tpu.wait_indirect_dma semaphore(%arg25 : memref<!tpu.dma_semaphore, #tpu.memory_space<semaphore_mem>>) src(%dma_wait3A_908 : memref<2000x32xf32, #tpu.memory_space<vmem_shared>>) dst(%arg20 : memref<400x32xf32, #tpu.memory_space<vmem>>)
    %dma_wait3A_909 = arith.constant 0 : i32
    %dma_wait3A_910 = arith.constant 0 : i32
    %dma_wait3A_911 = tpu.memref_slice %arg10[%dma_wait3A_909, %dma_wait3A_910] : memref<2000x32xf32, #tpu.memory_space<vmem_shared>> -> memref<2000x32xf32, #tpu.memory_space<vmem_shared>>
    tpu.wait_indirect_dma semaphore(%arg25 : memref<!tpu.dma_semaphore, #tpu.memory_space<semaphore_mem>>) src(%dma_wait3A_911 : memref<2000x32xf32, #tpu.memory_space<vmem_shared>>) dst(%arg21 : memref<400x32xf32, #tpu.memory_space<vmem>>)
    %add3A_912 = arith.constant 5200 : i32
    %add3A_913 = arith.addi %mul3A_2, %add3A_912 : i32
    %dma_start3A_914 = arith.constant 0 : i32
    %dma_start3A_915 = tpu.memref_slice %arg8[%add3A_913, %dma_start3A_914] : memref<204800x128xf32, #tpu.memory_space<hbm>> -> memref<400x64xf32, #tpu.memory_space<hbm>>
    %dma_start3A_916 = arith.constant 0 : i32
    %dma_start3A_917 = tpu.memref_slice %arg8[%add3A_913, %dma_start3A_916] : memref<204800x128xf32, #tpu.memory_space<hbm>> -> memref<400x64xf32, #tpu.memory_space<hbm>>
    tpu.enqueue_dma source(%arg19 : memref<400x64xf32, #tpu.memory_space<vmem>>) target(%dma_start3A_917 : memref<400x64xf32, #tpu.memory_space<hbm>>) target_semaphore(%arg26 : memref<!tpu.dma_semaphore, #tpu.memory_space<semaphore_mem>>)
    %dma_start3A_918 = arith.constant 64 : i32
    %dma_start3A_919 = tpu.memref_slice %arg8[%add3A_913, %dma_start3A_918] : memref<204800x128xf32, #tpu.memory_space<hbm>> -> memref<400x32xf32, #tpu.memory_space<hbm>>
    %dma_start3A_920 = arith.constant 64 : i32
    %dma_start3A_921 = tpu.memref_slice %arg8[%add3A_913, %dma_start3A_920] : memref<204800x128xf32, #tpu.memory_space<hbm>> -> memref<400x32xf32, #tpu.memory_space<hbm>>
    tpu.enqueue_dma source(%arg20 : memref<400x32xf32, #tpu.memory_space<vmem>>) target(%dma_start3A_921 : memref<400x32xf32, #tpu.memory_space<hbm>>) target_semaphore(%arg26 : memref<!tpu.dma_semaphore, #tpu.memory_space<semaphore_mem>>)
    %dma_start3A_922 = arith.constant 96 : i32
    %dma_start3A_923 = tpu.memref_slice %arg8[%add3A_913, %dma_start3A_922] : memref<204800x128xf32, #tpu.memory_space<hbm>> -> memref<400x32xf32, #tpu.memory_space<hbm>>
    %dma_start3A_924 = arith.constant 96 : i32
    %dma_start3A_925 = tpu.memref_slice %arg8[%add3A_913, %dma_start3A_924] : memref<204800x128xf32, #tpu.memory_space<hbm>> -> memref<400x32xf32, #tpu.memory_space<hbm>>
    tpu.enqueue_dma source(%arg21 : memref<400x32xf32, #tpu.memory_space<vmem>>) target(%dma_start3A_925 : memref<400x32xf32, #tpu.memory_space<hbm>>) target_semaphore(%arg26 : memref<!tpu.dma_semaphore, #tpu.memory_space<semaphore_mem>>)
    %add3A_926 = arith.constant 5200 : i32
    %add3A_927 = arith.addi %mul3A_2, %add3A_926 : i32
    %dma_wait3A_928 = arith.constant 0 : i32
    %dma_wait3A_929 = tpu.memref_slice %arg8[%add3A_927, %dma_wait3A_928] : memref<204800x128xf32, #tpu.memory_space<hbm>> -> memref<400x64xf32, #tpu.memory_space<hbm>>
    %dma_wait3A_930 = arith.constant 0 : i32
    %dma_wait3A_931 = tpu.memref_slice %arg8[%add3A_927, %dma_wait3A_930] : memref<204800x128xf32, #tpu.memory_space<hbm>> -> memref<400x64xf32, #tpu.memory_space<hbm>>
    tpu.wait_dma2 semaphore(%arg26 : memref<!tpu.dma_semaphore, #tpu.memory_space<semaphore_mem>>) src(%arg19 : memref<400x64xf32, #tpu.memory_space<vmem>>) dst(%dma_wait3A_931 : memref<400x64xf32, #tpu.memory_space<hbm>>)
    %dma_wait3A_932 = arith.constant 64 : i32
    %dma_wait3A_933 = tpu.memref_slice %arg8[%add3A_927, %dma_wait3A_932] : memref<204800x128xf32, #tpu.memory_space<hbm>> -> memref<400x32xf32, #tpu.memory_space<hbm>>
    %dma_wait3A_934 = arith.constant 64 : i32
    %dma_wait3A_935 = tpu.memref_slice %arg8[%add3A_927, %dma_wait3A_934] : memref<204800x128xf32, #tpu.memory_space<hbm>> -> memref<400x32xf32, #tpu.memory_space<hbm>>
    tpu.wait_dma2 semaphore(%arg26 : memref<!tpu.dma_semaphore, #tpu.memory_space<semaphore_mem>>) src(%arg20 : memref<400x32xf32, #tpu.memory_space<vmem>>) dst(%dma_wait3A_935 : memref<400x32xf32, #tpu.memory_space<hbm>>)
    %dma_wait3A_936 = arith.constant 96 : i32
    %dma_wait3A_937 = tpu.memref_slice %arg8[%add3A_927, %dma_wait3A_936] : memref<204800x128xf32, #tpu.memory_space<hbm>> -> memref<400x32xf32, #tpu.memory_space<hbm>>
    %dma_wait3A_938 = arith.constant 96 : i32
    %dma_wait3A_939 = tpu.memref_slice %arg8[%add3A_927, %dma_wait3A_938] : memref<204800x128xf32, #tpu.memory_space<hbm>> -> memref<400x32xf32, #tpu.memory_space<hbm>>
    tpu.wait_dma2 semaphore(%arg26 : memref<!tpu.dma_semaphore, #tpu.memory_space<semaphore_mem>>) src(%arg21 : memref<400x32xf32, #tpu.memory_space<vmem>>) dst(%dma_wait3A_939 : memref<400x32xf32, #tpu.memory_space<hbm>>)
    %dma_start3A_940 = arith.constant 6000 : i32
    %dma_start3A_941 = tpu.memref_slice %arg9[%dma_start3A_940] : memref<6400xi32, #tpu.memory_space<vmem>> -> memref<400xi32, #tpu.memory_space<vmem>>
    %dma_start3A_942 = arith.constant 0 : i32
    %dma_start3A_943 = arith.constant 0 : i32
    %dma_start3A_944 = tpu.memref_slice %arg5[%dma_start3A_942, %dma_start3A_943] : memref<100000x64xf32, #tpu.memory_space<hbm>> -> memref<100000x64xf32, #tpu.memory_space<hbm>>
    tpu.enqueue_indirect_dma source(%dma_start3A_944 : memref<100000x64xf32, #tpu.memory_space<hbm>>) target(%arg19 : memref<400x64xf32, #tpu.memory_space<vmem>>) offsets(%dma_start3A_941 : memref<400xi32, #tpu.memory_space<vmem>>) semaphore(%arg24 : memref<!tpu.dma_semaphore, #tpu.memory_space<semaphore_mem>>)
    %add3A_945 = arith.constant 6000 : i32
    %add3A_946 = arith.addi %mul3A_2, %add3A_945 : i32
    %dma_start3A_947 = tpu.memref_slice %arg3[%add3A_946] : memref<204800xi32, #tpu.memory_space<hbm>> -> memref<400xi32, #tpu.memory_space<hbm>>
    %dma_start3A_948 = tpu.memref_slice %arg3[%add3A_946] : memref<204800xi32, #tpu.memory_space<hbm>> -> memref<400xi32, #tpu.memory_space<hbm>>
    tpu.enqueue_dma source(%dma_start3A_948 : memref<400xi32, #tpu.memory_space<hbm>>) target(%arg22 : memref<400xi32, #tpu.memory_space<vmem>>) target_semaphore(%arg24 : memref<!tpu.dma_semaphore, #tpu.memory_space<semaphore_mem>>)
    %add3A_949 = arith.constant 6000 : i32
    %add3A_950 = arith.addi %mul3A_2, %add3A_949 : i32
    %dma_start3A_951 = tpu.memref_slice %arg4[%add3A_950] : memref<204800xi32, #tpu.memory_space<hbm>> -> memref<400xi32, #tpu.memory_space<hbm>>
    %dma_start3A_952 = tpu.memref_slice %arg4[%add3A_950] : memref<204800xi32, #tpu.memory_space<hbm>> -> memref<400xi32, #tpu.memory_space<hbm>>
    tpu.enqueue_dma source(%dma_start3A_952 : memref<400xi32, #tpu.memory_space<hbm>>) target(%arg23 : memref<400xi32, #tpu.memory_space<vmem>>) target_semaphore(%arg24 : memref<!tpu.dma_semaphore, #tpu.memory_space<semaphore_mem>>)
    %dma_wait3A_953 = arith.constant 5600 : i32
    %dma_wait3A_954 = tpu.memref_slice %arg9[%dma_wait3A_953] : memref<6400xi32, #tpu.memory_space<vmem>> -> memref<400xi32, #tpu.memory_space<vmem>>
    %dma_wait3A_955 = arith.constant 0 : i32
    %dma_wait3A_956 = arith.constant 0 : i32
    %dma_wait3A_957 = tpu.memref_slice %arg5[%dma_wait3A_955, %dma_wait3A_956] : memref<100000x64xf32, #tpu.memory_space<hbm>> -> memref<100000x64xf32, #tpu.memory_space<hbm>>
    tpu.wait_indirect_dma semaphore(%arg16 : memref<!tpu.dma_semaphore, #tpu.memory_space<semaphore_mem>>) src(%dma_wait3A_957 : memref<100000x64xf32, #tpu.memory_space<hbm>>) dst(%arg11 : memref<400x64xf32, #tpu.memory_space<vmem>>)
    %add3A_958 = arith.constant 5600 : i32
    %add3A_959 = arith.addi %mul3A_2, %add3A_958 : i32
    %dma_wait3A_960 = tpu.memref_slice %arg3[%add3A_959] : memref<204800xi32, #tpu.memory_space<hbm>> -> memref<400xi32, #tpu.memory_space<hbm>>
    %dma_wait3A_961 = tpu.memref_slice %arg3[%add3A_959] : memref<204800xi32, #tpu.memory_space<hbm>> -> memref<400xi32, #tpu.memory_space<hbm>>
    tpu.wait_dma2 semaphore(%arg16 : memref<!tpu.dma_semaphore, #tpu.memory_space<semaphore_mem>>) src(%dma_wait3A_961 : memref<400xi32, #tpu.memory_space<hbm>>) dst(%arg14 : memref<400xi32, #tpu.memory_space<vmem>>)
    %add3A_962 = arith.constant 5600 : i32
    %add3A_963 = arith.addi %mul3A_2, %add3A_962 : i32
    %dma_wait3A_964 = tpu.memref_slice %arg4[%add3A_963] : memref<204800xi32, #tpu.memory_space<hbm>> -> memref<400xi32, #tpu.memory_space<hbm>>
    %dma_wait3A_965 = tpu.memref_slice %arg4[%add3A_963] : memref<204800xi32, #tpu.memory_space<hbm>> -> memref<400xi32, #tpu.memory_space<hbm>>
    tpu.wait_dma2 semaphore(%arg16 : memref<!tpu.dma_semaphore, #tpu.memory_space<semaphore_mem>>) src(%dma_wait3A_965 : memref<400xi32, #tpu.memory_space<hbm>>) dst(%arg15 : memref<400xi32, #tpu.memory_space<vmem>>)
    %dma_start3A_966 = arith.constant 0 : i32
    %dma_start3A_967 = arith.constant 0 : i32
    %dma_start3A_968 = tpu.memref_slice %arg10[%dma_start3A_966, %dma_start3A_967] : memref<2000x32xf32, #tpu.memory_space<vmem_shared>> -> memref<2000x32xf32, #tpu.memory_space<vmem_shared>>
    tpu.enqueue_indirect_dma source(%dma_start3A_968 : memref<2000x32xf32, #tpu.memory_space<vmem_shared>>) target(%arg12 : memref<400x32xf32, #tpu.memory_space<vmem>>) offsets(%arg14 : memref<400xi32, #tpu.memory_space<vmem>>) semaphore(%arg17 : memref<!tpu.dma_semaphore, #tpu.memory_space<semaphore_mem>>)
    %dma_start3A_969 = arith.constant 0 : i32
    %dma_start3A_970 = arith.constant 0 : i32
    %dma_start3A_971 = tpu.memref_slice %arg10[%dma_start3A_969, %dma_start3A_970] : memref<2000x32xf32, #tpu.memory_space<vmem_shared>> -> memref<2000x32xf32, #tpu.memory_space<vmem_shared>>
    tpu.enqueue_indirect_dma source(%dma_start3A_971 : memref<2000x32xf32, #tpu.memory_space<vmem_shared>>) target(%arg13 : memref<400x32xf32, #tpu.memory_space<vmem>>) offsets(%arg15 : memref<400xi32, #tpu.memory_space<vmem>>) semaphore(%arg17 : memref<!tpu.dma_semaphore, #tpu.memory_space<semaphore_mem>>)
    %dma_wait3A_972 = arith.constant 0 : i32
    %dma_wait3A_973 = arith.constant 0 : i32
    %dma_wait3A_974 = tpu.memref_slice %arg10[%dma_wait3A_972, %dma_wait3A_973] : memref<2000x32xf32, #tpu.memory_space<vmem_shared>> -> memref<2000x32xf32, #tpu.memory_space<vmem_shared>>
    tpu.wait_indirect_dma semaphore(%arg17 : memref<!tpu.dma_semaphore, #tpu.memory_space<semaphore_mem>>) src(%dma_wait3A_974 : memref<2000x32xf32, #tpu.memory_space<vmem_shared>>) dst(%arg12 : memref<400x32xf32, #tpu.memory_space<vmem>>)
    %dma_wait3A_975 = arith.constant 0 : i32
    %dma_wait3A_976 = arith.constant 0 : i32
    %dma_wait3A_977 = tpu.memref_slice %arg10[%dma_wait3A_975, %dma_wait3A_976] : memref<2000x32xf32, #tpu.memory_space<vmem_shared>> -> memref<2000x32xf32, #tpu.memory_space<vmem_shared>>
    tpu.wait_indirect_dma semaphore(%arg17 : memref<!tpu.dma_semaphore, #tpu.memory_space<semaphore_mem>>) src(%dma_wait3A_977 : memref<2000x32xf32, #tpu.memory_space<vmem_shared>>) dst(%arg13 : memref<400x32xf32, #tpu.memory_space<vmem>>)
    %add3A_978 = arith.constant 5600 : i32
    %add3A_979 = arith.addi %mul3A_2, %add3A_978 : i32
    %dma_start3A_980 = arith.constant 0 : i32
    %dma_start3A_981 = tpu.memref_slice %arg8[%add3A_979, %dma_start3A_980] : memref<204800x128xf32, #tpu.memory_space<hbm>> -> memref<400x64xf32, #tpu.memory_space<hbm>>
    %dma_start3A_982 = arith.constant 0 : i32
    %dma_start3A_983 = tpu.memref_slice %arg8[%add3A_979, %dma_start3A_982] : memref<204800x128xf32, #tpu.memory_space<hbm>> -> memref<400x64xf32, #tpu.memory_space<hbm>>
    tpu.enqueue_dma source(%arg11 : memref<400x64xf32, #tpu.memory_space<vmem>>) target(%dma_start3A_983 : memref<400x64xf32, #tpu.memory_space<hbm>>) target_semaphore(%arg18 : memref<!tpu.dma_semaphore, #tpu.memory_space<semaphore_mem>>)
    %dma_start3A_984 = arith.constant 64 : i32
    %dma_start3A_985 = tpu.memref_slice %arg8[%add3A_979, %dma_start3A_984] : memref<204800x128xf32, #tpu.memory_space<hbm>> -> memref<400x32xf32, #tpu.memory_space<hbm>>
    %dma_start3A_986 = arith.constant 64 : i32
    %dma_start3A_987 = tpu.memref_slice %arg8[%add3A_979, %dma_start3A_986] : memref<204800x128xf32, #tpu.memory_space<hbm>> -> memref<400x32xf32, #tpu.memory_space<hbm>>
    tpu.enqueue_dma source(%arg12 : memref<400x32xf32, #tpu.memory_space<vmem>>) target(%dma_start3A_987 : memref<400x32xf32, #tpu.memory_space<hbm>>) target_semaphore(%arg18 : memref<!tpu.dma_semaphore, #tpu.memory_space<semaphore_mem>>)
    %dma_start3A_988 = arith.constant 96 : i32
    %dma_start3A_989 = tpu.memref_slice %arg8[%add3A_979, %dma_start3A_988] : memref<204800x128xf32, #tpu.memory_space<hbm>> -> memref<400x32xf32, #tpu.memory_space<hbm>>
    %dma_start3A_990 = arith.constant 96 : i32
    %dma_start3A_991 = tpu.memref_slice %arg8[%add3A_979, %dma_start3A_990] : memref<204800x128xf32, #tpu.memory_space<hbm>> -> memref<400x32xf32, #tpu.memory_space<hbm>>
    tpu.enqueue_dma source(%arg13 : memref<400x32xf32, #tpu.memory_space<vmem>>) target(%dma_start3A_991 : memref<400x32xf32, #tpu.memory_space<hbm>>) target_semaphore(%arg18 : memref<!tpu.dma_semaphore, #tpu.memory_space<semaphore_mem>>)
    %dma_wait3A_992 = arith.constant 6000 : i32
    %dma_wait3A_993 = tpu.memref_slice %arg9[%dma_wait3A_992] : memref<6400xi32, #tpu.memory_space<vmem>> -> memref<400xi32, #tpu.memory_space<vmem>>
    %dma_wait3A_994 = arith.constant 0 : i32
    %dma_wait3A_995 = arith.constant 0 : i32
    %dma_wait3A_996 = tpu.memref_slice %arg5[%dma_wait3A_994, %dma_wait3A_995] : memref<100000x64xf32, #tpu.memory_space<hbm>> -> memref<100000x64xf32, #tpu.memory_space<hbm>>
    tpu.wait_indirect_dma semaphore(%arg24 : memref<!tpu.dma_semaphore, #tpu.memory_space<semaphore_mem>>) src(%dma_wait3A_996 : memref<100000x64xf32, #tpu.memory_space<hbm>>) dst(%arg19 : memref<400x64xf32, #tpu.memory_space<vmem>>)
    %add3A_997 = arith.constant 6000 : i32
    %add3A_998 = arith.addi %mul3A_2, %add3A_997 : i32
    %dma_wait3A_999 = tpu.memref_slice %arg3[%add3A_998] : memref<204800xi32, #tpu.memory_space<hbm>> -> memref<400xi32, #tpu.memory_space<hbm>>
    %dma_wait3A_1000 = tpu.memref_slice %arg3[%add3A_998] : memref<204800xi32, #tpu.memory_space<hbm>> -> memref<400xi32, #tpu.memory_space<hbm>>
    tpu.wait_dma2 semaphore(%arg24 : memref<!tpu.dma_semaphore, #tpu.memory_space<semaphore_mem>>) src(%dma_wait3A_1000 : memref<400xi32, #tpu.memory_space<hbm>>) dst(%arg22 : memref<400xi32, #tpu.memory_space<vmem>>)
    %add3A_1001 = arith.constant 6000 : i32
    %add3A_1002 = arith.addi %mul3A_2, %add3A_1001 : i32
    %dma_wait3A_1003 = tpu.memref_slice %arg4[%add3A_1002] : memref<204800xi32, #tpu.memory_space<hbm>> -> memref<400xi32, #tpu.memory_space<hbm>>
    %dma_wait3A_1004 = tpu.memref_slice %arg4[%add3A_1002] : memref<204800xi32, #tpu.memory_space<hbm>> -> memref<400xi32, #tpu.memory_space<hbm>>
    tpu.wait_dma2 semaphore(%arg24 : memref<!tpu.dma_semaphore, #tpu.memory_space<semaphore_mem>>) src(%dma_wait3A_1004 : memref<400xi32, #tpu.memory_space<hbm>>) dst(%arg23 : memref<400xi32, #tpu.memory_space<vmem>>)
    %dma_start3A_1005 = arith.constant 0 : i32
    %dma_start3A_1006 = arith.constant 0 : i32
    %dma_start3A_1007 = tpu.memref_slice %arg10[%dma_start3A_1005, %dma_start3A_1006] : memref<2000x32xf32, #tpu.memory_space<vmem_shared>> -> memref<2000x32xf32, #tpu.memory_space<vmem_shared>>
    tpu.enqueue_indirect_dma source(%dma_start3A_1007 : memref<2000x32xf32, #tpu.memory_space<vmem_shared>>) target(%arg20 : memref<400x32xf32, #tpu.memory_space<vmem>>) offsets(%arg22 : memref<400xi32, #tpu.memory_space<vmem>>) semaphore(%arg25 : memref<!tpu.dma_semaphore, #tpu.memory_space<semaphore_mem>>)
    %dma_start3A_1008 = arith.constant 0 : i32
    %dma_start3A_1009 = arith.constant 0 : i32
    %dma_start3A_1010 = tpu.memref_slice %arg10[%dma_start3A_1008, %dma_start3A_1009] : memref<2000x32xf32, #tpu.memory_space<vmem_shared>> -> memref<2000x32xf32, #tpu.memory_space<vmem_shared>>
    tpu.enqueue_indirect_dma source(%dma_start3A_1010 : memref<2000x32xf32, #tpu.memory_space<vmem_shared>>) target(%arg21 : memref<400x32xf32, #tpu.memory_space<vmem>>) offsets(%arg23 : memref<400xi32, #tpu.memory_space<vmem>>) semaphore(%arg25 : memref<!tpu.dma_semaphore, #tpu.memory_space<semaphore_mem>>)
    %dma_wait3A_1011 = arith.constant 0 : i32
    %dma_wait3A_1012 = arith.constant 0 : i32
    %dma_wait3A_1013 = tpu.memref_slice %arg10[%dma_wait3A_1011, %dma_wait3A_1012] : memref<2000x32xf32, #tpu.memory_space<vmem_shared>> -> memref<2000x32xf32, #tpu.memory_space<vmem_shared>>
    tpu.wait_indirect_dma semaphore(%arg25 : memref<!tpu.dma_semaphore, #tpu.memory_space<semaphore_mem>>) src(%dma_wait3A_1013 : memref<2000x32xf32, #tpu.memory_space<vmem_shared>>) dst(%arg20 : memref<400x32xf32, #tpu.memory_space<vmem>>)
    %dma_wait3A_1014 = arith.constant 0 : i32
    %dma_wait3A_1015 = arith.constant 0 : i32
    %dma_wait3A_1016 = tpu.memref_slice %arg10[%dma_wait3A_1014, %dma_wait3A_1015] : memref<2000x32xf32, #tpu.memory_space<vmem_shared>> -> memref<2000x32xf32, #tpu.memory_space<vmem_shared>>
    tpu.wait_indirect_dma semaphore(%arg25 : memref<!tpu.dma_semaphore, #tpu.memory_space<semaphore_mem>>) src(%dma_wait3A_1016 : memref<2000x32xf32, #tpu.memory_space<vmem_shared>>) dst(%arg21 : memref<400x32xf32, #tpu.memory_space<vmem>>)
    %add3A_1017 = arith.constant 6000 : i32
    %add3A_1018 = arith.addi %mul3A_2, %add3A_1017 : i32
    %dma_start3A_1019 = arith.constant 0 : i32
    %dma_start3A_1020 = tpu.memref_slice %arg8[%add3A_1018, %dma_start3A_1019] : memref<204800x128xf32, #tpu.memory_space<hbm>> -> memref<400x64xf32, #tpu.memory_space<hbm>>
    %dma_start3A_1021 = arith.constant 0 : i32
    %dma_start3A_1022 = tpu.memref_slice %arg8[%add3A_1018, %dma_start3A_1021] : memref<204800x128xf32, #tpu.memory_space<hbm>> -> memref<400x64xf32, #tpu.memory_space<hbm>>
    tpu.enqueue_dma source(%arg19 : memref<400x64xf32, #tpu.memory_space<vmem>>) target(%dma_start3A_1022 : memref<400x64xf32, #tpu.memory_space<hbm>>) target_semaphore(%arg26 : memref<!tpu.dma_semaphore, #tpu.memory_space<semaphore_mem>>)
    %dma_start3A_1023 = arith.constant 64 : i32
    %dma_start3A_1024 = tpu.memref_slice %arg8[%add3A_1018, %dma_start3A_1023] : memref<204800x128xf32, #tpu.memory_space<hbm>> -> memref<400x32xf32, #tpu.memory_space<hbm>>
    %dma_start3A_1025 = arith.constant 64 : i32
    %dma_start3A_1026 = tpu.memref_slice %arg8[%add3A_1018, %dma_start3A_1025] : memref<204800x128xf32, #tpu.memory_space<hbm>> -> memref<400x32xf32, #tpu.memory_space<hbm>>
    tpu.enqueue_dma source(%arg20 : memref<400x32xf32, #tpu.memory_space<vmem>>) target(%dma_start3A_1026 : memref<400x32xf32, #tpu.memory_space<hbm>>) target_semaphore(%arg26 : memref<!tpu.dma_semaphore, #tpu.memory_space<semaphore_mem>>)
    %dma_start3A_1027 = arith.constant 96 : i32
    %dma_start3A_1028 = tpu.memref_slice %arg8[%add3A_1018, %dma_start3A_1027] : memref<204800x128xf32, #tpu.memory_space<hbm>> -> memref<400x32xf32, #tpu.memory_space<hbm>>
    %dma_start3A_1029 = arith.constant 96 : i32
    %dma_start3A_1030 = tpu.memref_slice %arg8[%add3A_1018, %dma_start3A_1029] : memref<204800x128xf32, #tpu.memory_space<hbm>> -> memref<400x32xf32, #tpu.memory_space<hbm>>
    tpu.enqueue_dma source(%arg21 : memref<400x32xf32, #tpu.memory_space<vmem>>) target(%dma_start3A_1030 : memref<400x32xf32, #tpu.memory_space<hbm>>) target_semaphore(%arg26 : memref<!tpu.dma_semaphore, #tpu.memory_space<semaphore_mem>>)
    %add3A_1031 = arith.constant 5600 : i32
    %add3A_1032 = arith.addi %mul3A_2, %add3A_1031 : i32
    %dma_wait3A_1033 = arith.constant 0 : i32
    %dma_wait3A_1034 = tpu.memref_slice %arg8[%add3A_1032, %dma_wait3A_1033] : memref<204800x128xf32, #tpu.memory_space<hbm>> -> memref<400x64xf32, #tpu.memory_space<hbm>>
    %dma_wait3A_1035 = arith.constant 0 : i32
    %dma_wait3A_1036 = tpu.memref_slice %arg8[%add3A_1032, %dma_wait3A_1035] : memref<204800x128xf32, #tpu.memory_space<hbm>> -> memref<400x64xf32, #tpu.memory_space<hbm>>
    tpu.wait_dma2 semaphore(%arg18 : memref<!tpu.dma_semaphore, #tpu.memory_space<semaphore_mem>>) src(%arg11 : memref<400x64xf32, #tpu.memory_space<vmem>>) dst(%dma_wait3A_1036 : memref<400x64xf32, #tpu.memory_space<hbm>>)
    %dma_wait3A_1037 = arith.constant 64 : i32
    %dma_wait3A_1038 = tpu.memref_slice %arg8[%add3A_1032, %dma_wait3A_1037] : memref<204800x128xf32, #tpu.memory_space<hbm>> -> memref<400x32xf32, #tpu.memory_space<hbm>>
    %dma_wait3A_1039 = arith.constant 64 : i32
    %dma_wait3A_1040 = tpu.memref_slice %arg8[%add3A_1032, %dma_wait3A_1039] : memref<204800x128xf32, #tpu.memory_space<hbm>> -> memref<400x32xf32, #tpu.memory_space<hbm>>
    tpu.wait_dma2 semaphore(%arg18 : memref<!tpu.dma_semaphore, #tpu.memory_space<semaphore_mem>>) src(%arg12 : memref<400x32xf32, #tpu.memory_space<vmem>>) dst(%dma_wait3A_1040 : memref<400x32xf32, #tpu.memory_space<hbm>>)
    %dma_wait3A_1041 = arith.constant 96 : i32
    %dma_wait3A_1042 = tpu.memref_slice %arg8[%add3A_1032, %dma_wait3A_1041] : memref<204800x128xf32, #tpu.memory_space<hbm>> -> memref<400x32xf32, #tpu.memory_space<hbm>>
    %dma_wait3A_1043 = arith.constant 96 : i32
    %dma_wait3A_1044 = tpu.memref_slice %arg8[%add3A_1032, %dma_wait3A_1043] : memref<204800x128xf32, #tpu.memory_space<hbm>> -> memref<400x32xf32, #tpu.memory_space<hbm>>
    tpu.wait_dma2 semaphore(%arg18 : memref<!tpu.dma_semaphore, #tpu.memory_space<semaphore_mem>>) src(%arg13 : memref<400x32xf32, #tpu.memory_space<vmem>>) dst(%dma_wait3A_1044 : memref<400x32xf32, #tpu.memory_space<hbm>>)
    %add3A_1045 = arith.constant 6000 : i32
    %add3A_1046 = arith.addi %mul3A_2, %add3A_1045 : i32
    %dma_wait3A_1047 = arith.constant 0 : i32
    %dma_wait3A_1048 = tpu.memref_slice %arg8[%add3A_1046, %dma_wait3A_1047] : memref<204800x128xf32, #tpu.memory_space<hbm>> -> memref<400x64xf32, #tpu.memory_space<hbm>>
    %dma_wait3A_1049 = arith.constant 0 : i32
    %dma_wait3A_1050 = tpu.memref_slice %arg8[%add3A_1046, %dma_wait3A_1049] : memref<204800x128xf32, #tpu.memory_space<hbm>> -> memref<400x64xf32, #tpu.memory_space<hbm>>
    tpu.wait_dma2 semaphore(%arg26 : memref<!tpu.dma_semaphore, #tpu.memory_space<semaphore_mem>>) src(%arg19 : memref<400x64xf32, #tpu.memory_space<vmem>>) dst(%dma_wait3A_1050 : memref<400x64xf32, #tpu.memory_space<hbm>>)
    %dma_wait3A_1051 = arith.constant 64 : i32
    %dma_wait3A_1052 = tpu.memref_slice %arg8[%add3A_1046, %dma_wait3A_1051] : memref<204800x128xf32, #tpu.memory_space<hbm>> -> memref<400x32xf32, #tpu.memory_space<hbm>>
    %dma_wait3A_1053 = arith.constant 64 : i32
    %dma_wait3A_1054 = tpu.memref_slice %arg8[%add3A_1046, %dma_wait3A_1053] : memref<204800x128xf32, #tpu.memory_space<hbm>> -> memref<400x32xf32, #tpu.memory_space<hbm>>
    tpu.wait_dma2 semaphore(%arg26 : memref<!tpu.dma_semaphore, #tpu.memory_space<semaphore_mem>>) src(%arg20 : memref<400x32xf32, #tpu.memory_space<vmem>>) dst(%dma_wait3A_1054 : memref<400x32xf32, #tpu.memory_space<hbm>>)
    %dma_wait3A_1055 = arith.constant 96 : i32
    %dma_wait3A_1056 = tpu.memref_slice %arg8[%add3A_1046, %dma_wait3A_1055] : memref<204800x128xf32, #tpu.memory_space<hbm>> -> memref<400x32xf32, #tpu.memory_space<hbm>>
    %dma_wait3A_1057 = arith.constant 96 : i32
    %dma_wait3A_1058 = tpu.memref_slice %arg8[%add3A_1046, %dma_wait3A_1057] : memref<204800x128xf32, #tpu.memory_space<hbm>> -> memref<400x32xf32, #tpu.memory_space<hbm>>
    tpu.wait_dma2 semaphore(%arg26 : memref<!tpu.dma_semaphore, #tpu.memory_space<semaphore_mem>>) src(%arg21 : memref<400x32xf32, #tpu.memory_space<vmem>>) dst(%dma_wait3A_1058 : memref<400x32xf32, #tpu.memory_space<hbm>>)
    return
  }
}

</mosaic_0001>

<sc_bundles>
// kernel: kernel.3.cloned.1.call-start
scs
__scs_entry_jumppad:
0x0: {  	(pc) =	sbr.rel $0x88, $3  }
0x1: {  	(tag) =	ssettag $0x0;
	lr =	simm.s32 $0x1  }
0x2: {  	[smem:$0x3F9B] =	sst lr;
	_ =	strace $0xD0000000  }
0x3: {  	_ = 	snop  }
0x4: {  	_ = 	snop  }
0x5: {  	_ = 	snop  }
0x6: {  	_ = 	snop  }
0x7: {  	_ = 	snop  }
__scs_overlays_trampoline_lowered:
0x8: {  	[smem:$0x3FAA] =	sst s0  }
0x9: {  	[smem:$0x3FAB] =	sst s1  }
0xa: {  	[smem:$0x3FAC] =	sst s2  }
0xb: {  	[smem:$0x3FAD] =	sst s3  }
0xc: {  	[smem:$0x3FAE] =	sst s4  }
0xd: {  	[smem:$0x3FAF] =	sst s5  }
0xe: {  	[smem:$0x3FB0] =	sst s6  }
0xf: {  	[smem:$0x3FB1] =	sst s7  }
0x10: {  	[smem:$0x3FB2] =	sst s8  }
0x11: {  	[smem:$0x3FB3] =	sst s9;
	s0 =	simm.s32 @!p0 $0x0  }
0x12: {  	s1 =	sld [smem:$0x3F99];
	s0 =	simm.s32 @p0 $0x1  }
0x13: {  	[smem:$0x3FB4] =	sst s0;
	s0 =	simm.s32 @!p1 $0x0  }
0x14: {  	s2 =	sld [smem:$0x3F98];
	s0 =	simm.s32 @p1 $0x1  }
0x15: {  	[smem:$0x3FB5] =	sst s0;
	s0 =	simm.s32 @!p2 $0x0  }
0x16: {  	s3 =	sld [smem:$0x3FDB];
	s0 =	simm.s32 @p2 $0x1  }
0x17: {  	s4 =	simm.s32 $0x1BF5;
	[smem:$0x3FB7] =	sst s0  }
0x18: {  	s0 =	sld [smem:$0x3F9A];
	_ =	swait.ge [sflag:s4], $0x0  }
0x19: {  	s7 =	sld [smem:$0x3F9B]  }
0x1a: {  	s8 =	sadd.s32 $0xFFFFE003, lr  }
0x1b: {  	s9 =	sadd.s32 $0xFFFFFEF7, lr;
	s5 =	simm.s32 $0xFFFFFFFF;
	p2 =	slt.u32 s8, $0xFFFFF086  }
0x1c: {  	p1 =	slt.u32 s9, $0xF7A;
	s5 =	simm.s32 @!p2 $0x0  }
0x1d: {  	s5 =	simm.s32 @p1 $0x1;
	p0 =	seq.s32 s7, s2  }
0x1e: {  	s7 =	smul.u32 @!p0 $0xF7A, s2;
	p2 =	seq.s32 @!p0 s5, $0x0  }
0x1f: {  	s9 =	smul.u32 $0xF7A, s1;
	s8 =	simm.s32 @!p0 $0x1BF5;
	p2 =	por !p2, p0  }
0x20: {  	[sflag:s8] =	ssyncset.s32 @!p0 $0xFFFFF086;
	s6 =	sadd.s32 @!p0 s3, s7;
	s7 =	simm.s32 @!p0 $0x108  }
0x21: {  	s3 =	sadd.s32 s3, s9;
	s6 =	sadd.s32 @!p0 $0x88, s6;
	s7 =	simm.s32 @p2 $0x1082  }
0x22: {  	[simem:s7], [sflag:s8] =	dma.local @!p0 [hbm:s6], $0xF7A  }
0x23: {  	s9 =	sor.u32 $0xD0000000, s2;
	s6 =	simm.s32 $0x108;
	_ =	swait.ge @!p0 [sflag:s8], $0x0  }
0x24: {  	s3 =	sadd.s32 $0x88, s3;
	s6 =	simm.s32 @!p1 $0x1082;
	[sflag:s4] =	ssyncset.s32 $0xFFFFF086  }
0x25: {  	[simem:s6], [sflag:s4] =	dma.local [hbm:s3], $0xF7A  }
0x26: {  	[smem:$0x3F9B] =	sst s1;
	(tag) =	ssettag s2;
	_ =	strace s9  }
0x27: {  	s1 =	sld [smem:$0x3FAB]  }
0x28: {  	s2 =	sld [smem:$0x3FAC]  }
0x29: {  	s4 =	sld [smem:$0x3FAE]  }
0x2a: {  	p0 =	seq.s32 s5, $0x0;
	s5 =	sld [smem:$0x3FAF]  }
0x2b: {  	s6 =	sld [smem:$0x3FB0]  }
0x2c: {  	s7 =	sld [smem:$0x3FB1]  }
0x2d: {  	s3 =	simm.s32 $0x108;
	s8 =	sld [smem:$0x3FB2]  }
0x2e: {  	s3 =	simm.s32 @!p0 $0x1082;
	s9 =	sld [smem:$0x3FB3]  }
0x2f: {  	lr =	sadd.s32 s0, s3;
	s0 =	sld [smem:$0x3FAA]  }
0x30: {  	s3 =	sld [smem:$0x3FAD]  }
0x31: {  	[smem:$0x3FB6] =	sst s10  }
0x32: {  	s10 =	sld [smem:$0x3FB4];
	_ =	sdelay $0x3  }
0x33: {  	p0 =	seq.s32 s10, $0x1;
	s10 =	sld [smem:$0x3FB6];
	_ =	sdelay $0x3  }
0x34: {  	[smem:$0x3FB6] =	sst s10  }
0x35: {  	s10 =	sld [smem:$0x3FB5];
	_ =	sdelay $0x3  }
0x36: {  	p1 =	seq.s32 s10, $0x1;
	s10 =	sld [smem:$0x3FB6];
	_ =	sdelay $0x3  }
0x37: {  	[smem:$0x3FB6] =	sst s10  }
0x38: {  	s10 =	sld [smem:$0x3FB7]  }
0x39: {  	_ = 	snop;
	(pc) =	sbr.ind lr, $3  }
0x3a: {  	_ = 	snop  }
0x3b: {  	_ = 	snop  }
0x3c: {  	p2 =	seq.s32 s10, $0x1;
	s10 =	sld [smem:$0x3FB6]  }
0x3d: {  	_ =	shalt  }
0x3e: {  	_ =	shalt  }
0x3f: {  	_ =	shalt  }
0x40: {  	_ =	shalt  }
0x41: {  	_ =	shalt  }
0x42: {  	_ =	shalt  }
0x43: {  	_ =	shalt  }
0x44: {  	_ =	shalt  }
0x45: {  	_ =	shalt  }
0x46: {  	_ =	shalt  }
0x47: {  	_ =	shalt  }
0x48: {  	_ =	shalt  }
0x49: {  	_ =	shalt  }
0x4a: {  	_ =	shalt  }
0x4b: {  	_ =	shalt  }
0x4c: {  	_ =	shalt  }
0x4d: {  	_ =	shalt  }
0x4e: {  	_ =	shalt  }
0x4f: {  	_ =	shalt  }
0x50: {  	_ =	shalt  }
0x51: {  	_ =	shalt  }
0x52: {  	_ =	shalt  }
0x53: {  	_ =	shalt  }
0x54: {  	_ =	shalt  }
0x55: {  	_ =	shalt  }
0x56: {  	_ =	shalt  }
0x57: {  	_ =	shalt  }
0x58: {  	_ =	shalt  }
0x59: {  	_ =	shalt  }
0x5a: {  	_ =	shalt  }
0x5b: {  	_ =	shalt  }
0x5c: {  	_ =	shalt  }
0x5d: {  	_ =	shalt  }
0x5e: {  	_ =	shalt  }
0x5f: {  	_ =	shalt  }
0x60: {  	_ =	shalt  }
0x61: {  	_ =	shalt  }
0x62: {  	_ =	shalt  }
0x63: {  	_ =	shalt  }
0x64: {  	_ =	shalt  }
0x65: {  	_ =	shalt  }
0x66: {  	_ =	shalt  }
0x67: {  	_ =	shalt  }
0x68: {  	_ =	shalt  }
0x69: {  	_ =	shalt  }
0x6a: {  	_ =	shalt  }
0x6b: {  	_ =	shalt  }
0x6c: {  	_ =	shalt  }
0x6d: {  	_ =	shalt  }
0x6e: {  	_ =	shalt  }
0x6f: {  	_ =	shalt  }
0x70: {  	_ =	shalt  }
0x71: {  	_ =	shalt  }
0x72: {  	_ =	shalt  }
0x73: {  	_ =	shalt  }
0x74: {  	_ =	shalt  }
0x75: {  	_ =	shalt  }
0x76: {  	_ =	shalt  }
0x77: {  	_ =	shalt  }
0x78: {  	_ =	shalt  }
0x79: {  	_ =	shalt  }
0x7a: {  	_ =	shalt  }
0x7b: {  	_ =	shalt  }
0x7c: {  	_ =	shalt  }
0x7d: {  	_ =	shalt  }
0x7e: {  	_ =	shalt  }
0x7f: {  	_ =	shalt  }
0x80: {  	_ =	shalt  }
0x81: {  	_ =	shalt  }
0x82: {  	_ =	shalt  }
0x83: {  	_ =	shalt  }
0x84: {  	_ =	shalt  }
0x85: {  	_ =	shalt  }
0x86: {  	_ =	shalt  }
0x87: {  	_ =	shalt  }
.Lfunc_end0:
.L_simem_size_0:
called_computation.1_lowered:
.L_overlay_start_0:
0x88: {  	s2 =	sld [smem:$0x3FD9]  }
0x89: {  	s3 =	sld [smem:$0x3FFE];
	_ =	sdelay $0x1  }
0x8a: {  	s1 =	srdreg.scid  }
0x8b: {  	s0 =	sand.u32 $0x1, s1  }
0x8c: {  	s17 =	sshll.u32 s0, $0xA;
	s2 =	sadd.s32 s3, s2  }
0x8d: {  	s2 =	sadd.s32 s2, s17  }
0x8e: {  	[smem:$0x3FC2] =	sst s2  }
0x8f: {  	_ = 	snop  }
0x90: {  	s2 =	sld [smem:$0x3FD0];
	(tm) =	ssettm $0x1  }
0x91: {  	s18 =	sld [smem:$0x3FFB];
	_ =	sdelay $0x3  }
0x92: {  	_ =	strace s18  }
0x93: {  	s3 =	sld [smem:$0x3FFC];
	_ =	sdelay $0x3  }
0x94: {  	_ =	strace s3  }
0x95: {  	s3 =	sld [smem:$0x3FFD];
	_ =	sdelay $0x3  }
0x96: {  	_ =	strace s3  }
0x97: {  	_ =	strace $0x8FFFFFFF  }
0x98: {  	s19 =	sld [smem:$0x3FDB];
	_ =	sdelay $0x1  }
0x99: {  	s4 =	simm.s32 $_scs_section_size  }
0x9a: {  	s5 =	simm.s32 $_size__tile_overlayer_lowered;
	s6 =	simm.s32 $_tile_overlayer_lowered  }
0x9b: {  	s22 =	simm.s32 $0x1BFF;
	s21 =	sshll.u32 s6, $0x1;
	s3 =	sadd.s32 s4, s19  }
0x9c: {  	s7 =	simm.s32 $0x0;
	s20 =	sshll.u32 s5, $0x1;
	s5 =	sadd.s32 s21, s3  }
0x9d: {  	[timem:s7], [sflag:s22] =	dma.local [hbm:s5], s20  }
0x9e: {  	_ =	swait.ge [sflag:s22], s20  }
0x9f: {  	s4 =	ssub.s32 $0x0, s20;
	[sflag:s22] =	ssyncset.done $0x0  }
0xa0: {  	[sflag:s22] =	ssyncadd.s32 s4;
	_ =	sdelay $0x1  }
0xa1: {  	s23 =	simm.s32 $0x1B8B  }
0xa2: {  	_ =	swait.ge [sflag:s23], $0x1  }
0xa3: {  	[sflag:s23] =	ssyncset.done $0x0  }
0xa4: {  	s25 =	simm.s32 $0x1B8E;
	s24 =	sld [smem:$0x3FFE];
	[sflag:s23] =	ssyncadd.s32 $0xFFFFFFFF  }
0xa5: {  	s26 =	simm.s32 $execute0_lowered;
	[smem:$0x3FD2] =	sst s25  }
0xa6: {  	s5 =	sshll.u32 s26, $0x1;
	_ =	strace $0x80000046;
	[dreg:$0x1] =	wrdreg $0xFFFFFFFF  }
0xa7: {  	s28 =	simm.s32 $_size_execute0_lowered;
	s3 =	sadd.s32 s3, s5;
	[dreg:$0x0] =	wrdreg $0x0  }
0xa8: {  	s5 =	sshll.u32 s28, $0x1;
	[dreg:$0x2] =	wrdreg s3  }
0xa9: {  	[dreg:$0x3] =	wrdreg s5  }
0xaa: {  	[dreg:$0x4] =	wrdreg $0xC0  }
0xab: {  	_ =	task [dreg:s7], $0x5FFFF  }
0xac: {  	[dreg:$0x1] =	wrdreg $0xFFFFFFFF  }
0xad: {  	[dreg:$0x0] =	wrdreg $0x60  }
0xae: {  	[dreg:$0x2] =	wrdreg s24  }
0xaf: {  	[dreg:$0x3] =	wrdreg s2  }
0xb0: {  	[dreg:$0x4] =	wrdreg $0x19000  }
0xb1: {  	[dreg:$0x5] =	wrdreg $0x9  }
0xb2: {  	_ =	task.clear_ibuf [dreg:s7], $0x6FFFF;
	_ =	strace $0x90000046  }
0xb3: {  	s29 =	simm.s32 $0x9;
	_ =	strace $0x80000048  }
0xb4: {  	_ =	swait.ge [sflag:s29], $0x1  }
0xb5: {  	[sflag:s29] =	ssyncadd.s32 $0xFFFFFFFF  }
0xb6: {  	_ =	strace $0x90000048  }
0xb7: {  	_ =	sfence  }
0xb8: {  	s30 =	sld [smem:$0x0];
	_ =	sdelay $0x2  }
0xb9: {  	s31 =	sshll.u32 s1, $0xD;
	s1 =	sshrl.u32 s1, $0x2  }
0xba: {  	s3 =	sand.u32 $0x4000, s31;
	s1 =	sadd.s32 s1, s30  }
0xbb: {  	s0 =	sor.u32 s3, s0;
	s1 =	sshll.u32 s1, $0x11  }
0xbc: {  	s0 =	sor.u32 s1, s0  }
0xbd: {  	s0 =	sadd.s32 $0x8F2B, s0  }
0xbe: {  	[sflag:s0] =	ssyncadd.remote.s32 $0x1  }
0xbf: {  	_ =	sfence.sel $0xFFFF  }
0xc0: {  	[dreg:$0x0] =	wrdreg $0xFFFFFFFF;
	(pc) =	sbr.abs _section_cstart, $3  }
0xc1: {  	[dreg:$0x1] =	wrdreg $0xFFFFFFFF  }
0xc2: {  	_ =	task.clear_ibuf [dreg:s7], $0x2FFFF;
	_ =	strace $0x9FFFFFFF  }
0xc3: {  	(tm) =	ssettm $0x7FFFFFFF  }
tec
execute0_lowered:
.L_overlay_start_1:
0x0: {  	(tag) =	ssettag $0x1  }
0x1: {  	s0 =	srdreg.scid;
	s7 =	rddreg [dreg:$0x0]  }
0x2: {  	s3 =	stileid.u32;
	s4 =	rddreg [dreg:$0x1]  }
0x3: {  	s2 =	simm.s32 $0x0;
	s1 =	sand.u32 $0x1, s0;
	s26 =	sshll.u32 s3, $0x1  }
0x4: {  	[smem:$0x7FF] =	sst s2;
	s8 =	sadd.s32 $0x800, s7;
	s9 =	sor.u32 s1, s26  }
0x5: {  	s6 =	sadd.s32 $0xF000, s7;
	[smem:$0x7FD] =	sst s1;
	s5 =	smul.u32 $0x1900, s9  }
0x6: {  	s12 =	sadd.s32 $0x1800, s7;
	s1 =	rddreg [dreg:$0x2];
	s13 =	smul.u32 $0x19000, s9  }
0x7: {  	_ =	strace $0x80000047;
	[dreg:$0x4] =	wrdreg s8;
	s8 =	sadd.s32 $0x2800, s7  }
0x8: {  	[dreg:$0x5] =	wrdreg s12;
	s9 =	sadd.s32 $0x8, s4;
	s16 =	sadd.s32 s4, s13  }
0x9: {  	s10 =	sshrl.u32 s5, $0x3;
	s17 =	sadd.s32 s13, s9;
	[dreg:$0xb] =	wrdreg s16  }
0xa: {  	s30 =	sadd.s32 $0x190, s5;
	s29 =	sadd.s32 s6, s10;
	[dreg:$0xc] =	wrdreg s17  }
0xb: {  	s11 =	sadd.s32 s10, s7;
	s10 =	sadd.s32 s8, s10;
	[dreg:$0x7] =	wrdreg s29  }
0xc: {  	s0 =	sshrl.u32 s30, $0x3;
	s11 =	sadd.s32 $0x8C00, s11;
	[dreg:$0x8] =	wrdreg s10  }
0xd: {  	s14 =	sadd.s32 s6, s0;
	[dreg:$0x6] =	wrdreg s11  }
0xe: {  	s12 =	sshll.u32 s30, $0x4;
	s15 =	sadd.s32 s8, s0;
	[dreg:$0x9] =	wrdreg s14  }
0xf: {  	s24 =	sadd.s32 $0x4B0, s5;
	s22 =	sadd.s32 s4, s12;
	[dreg:$0xa] =	wrdreg s15  }
0x10: {  	s26 =	sshrl.u32 s24, $0x3;
	s23 =	sadd.s32 s12, s9;
	[dreg:$0x10] =	wrdreg s22  }
0x11: {  	s29 =	sadd.s32 s6, s26;
	[dreg:$0x11] =	wrdreg s23  }
0x12: {  	s10 =	sadd.s32 $0xC, s4;
	s30 =	sadd.s32 s8, s26;
	[dreg:$0x13] =	wrdreg s29  }
0x13: {  	s14 =	sadd.s32 $0x320, s5;
	s18 =	sadd.s32 s13, s10;
	[dreg:$0x14] =	wrdreg s30  }
0x14: {  	s25 =	sadd.s32 s12, s10;
	s19 =	sshrl.u32 s14, $0x3;
	[dreg:$0xd] =	wrdreg s18  }
0x15: {  	[dreg:$0x12] =	wrdreg s25;
	s20 =	sadd.s32 s6, s19  }
0x16: {  	s0 =	sshll.u32 s14, $0x4;
	s21 =	sadd.s32 s8, s19;
	[dreg:$0xe] =	wrdreg s20  }
0x17: {  	s14 =	sadd.s32 s4, s0;
	[dreg:$0xf] =	wrdreg s21  }
0x18: {  	s16 =	sadd.s32 $0x640, s5;
	s15 =	sadd.s32 s0, s9;
	[dreg:$0x15] =	wrdreg s14  }
0x19: {  	s18 =	sshrl.u32 s16, $0x3;
	s17 =	sadd.s32 s0, s10;
	[dreg:$0x16] =	wrdreg s15  }
0x1a: {  	s19 =	sadd.s32 s6, s18;
	[dreg:$0x17] =	wrdreg s17  }
0x1b: {  	s0 =	sshll.u32 s16, $0x4;
	[dreg:$0x18] =	wrdreg s19;
	s20 =	sadd.s32 s8, s18  }
0x1c: {  	s14 =	sadd.s32 s4, s0;
	[dreg:$0x19] =	wrdreg s20  }
0x1d: {  	s15 =	sadd.s32 s0, s9;
	[dreg:$0x1f] =	wrdreg s14  }
0x1e: {  	s21 =	sshll.u32 s24, $0x4;
	s17 =	sadd.s32 s0, s10;
	[smem:$0x7BE] =	sst s15  }
0x1f: {  	s22 =	sadd.s32 s4, s21;
	[smem:$0x7BF] =	sst s17  }
0x20: {  	s16 =	sadd.s32 $0x960, s5;
	s23 =	sadd.s32 s21, s9;
	[dreg:$0x1a] =	wrdreg s22  }
0x21: {  	s18 =	sshrl.u32 s16, $0x3;
	s25 =	sadd.s32 s21, s10;
	[dreg:$0x1b] =	wrdreg s23  }
0x22: {  	s19 =	sadd.s32 s6, s18;
	[dreg:$0x1c] =	wrdreg s25  }
0x23: {  	s0 =	sshll.u32 s16, $0x4;
	s20 =	sadd.s32 s8, s18;
	[smem:$0x7C1] =	sst s19  }
0x24: {  	s14 =	sadd.s32 s4, s0;
	[smem:$0x7C2] =	sst s20  }
0x25: {  	s24 =	sadd.s32 $0x7D0, s5;
	s15 =	sadd.s32 s0, s9;
	[smem:$0x7C9] =	sst s14  }
0x26: {  	s26 =	sshrl.u32 s24, $0x3;
	s17 =	sadd.s32 s0, s10;
	[smem:$0x7CA] =	sst s15  }
0x27: {  	s29 =	sadd.s32 s6, s26;
	[smem:$0x7CB] =	sst s17  }
0x28: {  	s21 =	sshll.u32 s24, $0x4;
	s30 =	sadd.s32 s8, s26;
	[dreg:$0x1d] =	wrdreg s29  }
0x29: {  	s22 =	sadd.s32 s4, s21;
	[dreg:$0x1e] =	wrdreg s30  }
0x2a: {  	s16 =	sadd.s32 $0xC80, s5;
	s23 =	sadd.s32 s21, s9;
	[smem:$0x7C3] =	sst s22  }
0x2b: {  	s18 =	sshrl.u32 s16, $0x3;
	s25 =	sadd.s32 s21, s10;
	[smem:$0x7C4] =	sst s23  }
0x2c: {  	s19 =	sadd.s32 s6, s18;
	[smem:$0x7C5] =	sst s25  }
0x2d: {  	s0 =	sshll.u32 s16, $0x4;
	s20 =	sadd.s32 s8, s18;
	[smem:$0x7CD] =	sst s19  }
0x2e: {  	s14 =	sadd.s32 s4, s0;
	[smem:$0x7CE] =	sst s20  }
0x2f: {  	s24 =	sadd.s32 $0xAF0, s5;
	s15 =	sadd.s32 s0, s9;
	[smem:$0x7D5] =	sst s14  }
0x30: {  	s26 =	sshrl.u32 s24, $0x3;
	s17 =	sadd.s32 s0, s10;
	[smem:$0x7D6] =	sst s15  }
0x31: {  	s29 =	sadd.s32 s6, s26;
	[smem:$0x7D7] =	sst s17  }
0x32: {  	s21 =	sshll.u32 s24, $0x4;
	s30 =	sadd.s32 s8, s26;
	[smem:$0x7C7] =	sst s29  }
0x33: {  	s22 =	sadd.s32 s4, s21;
	[smem:$0x7C8] =	sst s30  }
0x34: {  	s16 =	sadd.s32 $0xFA0, s5;
	s23 =	sadd.s32 s21, s9;
	[smem:$0x7CF] =	sst s22  }
0x35: {  	s18 =	sshrl.u32 s16, $0x3;
	s25 =	sadd.s32 s21, s10;
	[smem:$0x7D0] =	sst s23  }
0x36: {  	s19 =	sadd.s32 s6, s18;
	[smem:$0x7D1] =	sst s25  }
0x37: {  	s0 =	sshll.u32 s16, $0x4;
	s20 =	sadd.s32 s8, s18;
	[smem:$0x7D9] =	sst s19  }
0x38: {  	s14 =	sadd.s32 s4, s0;
	[smem:$0x7DA] =	sst s20  }
0x39: {  	s24 =	sadd.s32 $0xE10, s5;
	s15 =	sadd.s32 s0, s9;
	[smem:$0x7E1] =	sst s14  }
0x3a: {  	s26 =	sshrl.u32 s24, $0x3;
	s17 =	sadd.s32 s0, s10;
	[smem:$0x7E2] =	sst s15  }
0x3b: {  	s29 =	sadd.s32 s6, s26;
	[smem:$0x7E3] =	sst s17  }
0x3c: {  	s21 =	sshll.u32 s24, $0x4;
	s30 =	sadd.s32 s8, s26;
	[smem:$0x7D3] =	sst s29  }
0x3d: {  	s22 =	sadd.s32 s4, s21;
	[smem:$0x7D4] =	sst s30  }
0x3e: {  	s16 =	sadd.s32 $0x12C0, s5;
	s23 =	sadd.s32 s21, s9;
	[smem:$0x7DB] =	sst s22  }
0x3f: {  	s18 =	sshrl.u32 s16, $0x3;
	s25 =	sadd.s32 s21, s10;
	[smem:$0x7DC] =	sst s23  }
0x40: {  	s19 =	sadd.s32 s6, s18;
	[smem:$0x7DD] =	sst s25  }
0x41: {  	s0 =	sshll.u32 s16, $0x4;
	s20 =	sadd.s32 s8, s18;
	[smem:$0x7E5] =	sst s19  }
0x42: {  	s14 =	sadd.s32 s4, s0;
	[smem:$0x7E6] =	sst s20  }
0x43: {  	s24 =	sadd.s32 $0x1130, s5;
	s15 =	sadd.s32 s0, s9;
	[smem:$0x7ED] =	sst s14  }
0x44: {  	s26 =	sshrl.u32 s24, $0x3;
	s17 =	sadd.s32 s0, s10;
	[smem:$0x7EE] =	sst s15  }
0x45: {  	s29 =	sadd.s32 s6, s26;
	[smem:$0x7EF] =	sst s17  }
0x46: {  	s21 =	sshll.u32 s24, $0x4;
	s30 =	sadd.s32 s8, s26;
	[smem:$0x7DF] =	sst s29  }
0x47: {  	s22 =	sadd.s32 s4, s21;
	[smem:$0x7E0] =	sst s30  }
0x48: {  	s16 =	sadd.s32 $0x15E0, s5;
	s23 =	sadd.s32 s21, s9;
	[smem:$0x7E7] =	sst s22  }
0x49: {  	s18 =	sshrl.u32 s16, $0x3;
	s25 =	sadd.s32 s21, s10;
	[smem:$0x7E8] =	sst s23  }
0x4a: {  	s24 =	sadd.s32 $0x1450, s5;
	s19 =	sadd.s32 s6, s18;
	[smem:$0x7E9] =	sst s25  }
0x4b: {  	s26 =	sshrl.u32 s24, $0x3;
	s20 =	sadd.s32 s8, s18;
	[smem:$0x7F0] =	sst s19  }
0x4c: {  	s29 =	sadd.s32 s6, s26;
	[smem:$0x7F1] =	sst s20  }
0x4d: {  	s21 =	sshll.u32 s24, $0x4;
	s30 =	sadd.s32 s8, s26;
	[smem:$0x7EB] =	sst s29  }
0x4e: {  	s22 =	sadd.s32 s4, s21;
	[smem:$0x7EC] =	sst s30  }
0x4f: {  	s5 =	sadd.s32 $0x1770, s5;
	s23 =	sadd.s32 s21, s9;
	[smem:$0x7F2] =	sst s22  }
0x50: {  	s24 =	sadd.s32 s21, s10;
	s25 =	sshrl.u32 s5, $0x3;
	[smem:$0x7F3] =	sst s23  }
0x51: {  	[smem:$0x7F4] =	sst s24;
	s6 =	sadd.s32 s6, s25  }
0x52: {  	s26 =	sadd.s32 s8, s25;
	s29 =	sshll.u32 s16, $0x4;
	[smem:$0x7F5] =	sst s6  }
0x53: {  	[smem:$0x7F6] =	sst s26;
	s30 =	sadd.s32 s4, s29  }
0x54: {  	s0 =	sadd.s32 s29, s9;
	[smem:$0x7F7] =	sst s30  }
0x55: {  	s5 =	sshll.u32 s5, $0x4;
	s8 =	sadd.s32 s29, s10;
	[smem:$0x7F8] =	sst s0  }
0x56: {  	s4 =	sadd.s32 s4, s5;
	[smem:$0x7F9] =	sst s8  }
0x57: {  	s9 =	sadd.s32 s5, s9;
	[smem:$0x7FA] =	sst s4  }
0x58: {  	s11 =	sadd.s32 s5, s10;
	[smem:$0x7FB] =	sst s9  }
0x59: {  	s12 =	simm.s32 $0x320;
	[smem:$0x7FC] =	sst s11  }
0x5a: {  	s13 =	simm.s32 $0x4B0;
	[smem:$0x7BA] =	sst s12  }
0x5b: {  	s14 =	simm.s32 $0x640;
	[smem:$0x7BB] =	sst s13  }
0x5c: {  	s15 =	simm.s32 $0x7D0;
	[smem:$0x7BC] =	sst s14  }
0x5d: {  	s16 =	simm.s32 $0x960;
	[smem:$0x7BD] =	sst s15  }
0x5e: {  	s17 =	simm.s32 $0xAF0;
	[smem:$0x7C0] =	sst s16  }
0x5f: {  	s18 =	simm.s32 $0xC80;
	[smem:$0x7C6] =	sst s17  }
0x60: {  	s19 =	simm.s32 $0xE10;
	[smem:$0x7CC] =	sst s18  }
0x61: {  	s20 =	simm.s32 $0xFA0;
	[smem:$0x7D2] =	sst s19  }
0x62: {  	s21 =	simm.s32 $0x1130;
	[smem:$0x7D8] =	sst s20  }
0x63: {  	p0 =	sne.s32 s3, $0x0;
	s22 =	simm.s32 $0x12C0;
	[smem:$0x7DE] =	sst s21  }
0x64: {  	s23 =	simm.s32 $0x1450;
	s6 =	sadd.s32 $0x7D00, s1;
	[smem:$0x7E4] =	sst s22  }
0x65: {  	s3 =	sshrl.u32 @!p0 s6, $0x3;
	[smem:$0x7EA] =	sst s23  }
0x66: {  	s5 =	simm.s32 @!p0 $0x7;
	[smem:$0x7B9] =	sst s3  }
0x67: {  	s4 =	simm.s32 @!p0 $0x1C07;
	s6 =	rddreg [dreg:$0x4];
	s3 =	sshrl.u32 @!p0 s1, $0x3  }
0x68: {  	[spmem:s3], [sflag:s4] =	dma.local @!p0 [hbm:s6], $0xFA0  }
0x69: {  	_ =	swait.ge @!p0 [sflag:s5], $0xFA0  }
0x6a: {  	s8 =	sld [smem:$0x7B9]  }
0x6b: {  	[sflag:s5] =	ssyncset.done @!p0 $0x0  }
0x6c: {  	s6 =	rddreg [dreg:$0x5];
	[sflag:s5] =	ssyncadd.s32 @!p0 $0xFFFFF060  }
0x6d: {  	[spmem:s8], [sflag:s4] =	dma.local @!p0 [hbm:s6], $0xFA0  }
0x6e: {  	_ =	swait.ge @!p0 [sflag:s5], $0xFA0  }
0x6f: {  	[sflag:s5] =	ssyncset.done @!p0 $0x0  }
0x70: {  	s6 =	simm.s32 $0x7;
	s24 =	rddreg [dreg:$0x6];
	[sflag:s5] =	ssyncadd.s32 @!p0 $0xFFFFF060  }
0x71: {  	[tilespmem:s2], [sflag:$0x7] =	stream.linear.gather [hbm4b:s24+s2], $0x1900, $0x38;
	[tilespmem:$0x1BEE0] =	vst v63  }
0x72: {  	_ =	swait.ge [sflag:s6], $0x1900  }
0x73: {  	[sflag:s6] =	ssyncset.done $0x0  }
0x74: {  	s7 =	sadd.s32 $0x15400, s7;
	[sflag:s6] =	ssyncadd.s32 $0xFFFFE700  }
0x75: {  	s9 =	simm.s32 $0x28A0;
	s8 =	simm.s32 $0x190;
	[bflag:$0x0] =	sbarrier.arrive $0xFFFF  }
0x76: {  	[tilespmem:s9], [sflag:$0x1] =	stream.indirect.gather [hbm4b:s7+s8], $0x40, s2, s8, $0xb8;
	[tilespmem:$0x1BEE0] =	vst v63  }
0x77: {  	s10 =	simm.s32 $0xF0A0;
	s25 =	rddreg [dreg:$0x7]  }
0x78: {  	[tilespmem:s10], [sflag:$0x1] =	stream.linear.gather [hbm4b:s25+s2], $0x190, $0x38;
	[tilespmem:$0x1BEE0] =	vst v63  }
0x79: {  	s11 =	simm.s32 $0xF230;
	s26 =	rddreg [dreg:$0x8]  }
0x7a: {  	[tilespmem:s11], [sflag:$0x1] =	stream.linear.gather [hbm4b:s26+s2], $0x190, $0x38;
	[tilespmem:$0x1BEE0] =	vst v63  }
0x7b: {  	s12 =	simm.s32 $0xF3C0  }
0x7c: {  	[tilespmem:s12], [sflag:$0x4] =	stream.indirect.gather [hbm4b:s7+s8], $0x40, s8, s8, $0xb8;
	[tilespmem:$0x1BEE0] =	vst v63  }
0x7d: {  	s13 =	simm.s32 $0x1BBC0;
	s29 =	rddreg [dreg:$0x9]  }
0x7e: {  	[tilespmem:s13], [sflag:$0x4] =	stream.linear.gather [hbm4b:s29+s2], $0x190, $0x38;
	[tilespmem:$0x1BEE0] =	vst v63  }
0x7f: {  	s14 =	simm.s32 $0x1BD50;
	s15 =	simm.s32 $0x1;
	s16 =	rddreg [dreg:$0xa]  }
0x80: {  	[tilespmem:s14], [sflag:$0x4] =	stream.linear.gather [hbm4b:s16+s2], $0x190, $0x38;
	[tilespmem:$0x1BEE0] =	vst v63  }
0x81: {  	_ =	swait.ge [sflag:s15], $0x6400  }
0x82: {  	[sflag:s15] =	ssyncset.done $0x0  }
0x83: {  	[sflag:s15] =	ssyncadd.s32 $0xFFFF9C00  }
0x84: {  	_ =	swait.ge [sflag:s15], $0x190  }
0x85: {  	[sflag:s15] =	ssyncset.done $0x0  }
0x86: {  	[sflag:s15] =	ssyncadd.s32 $0xFFFFFE70  }
0x87: {  	_ =	swait.ge [sflag:s15], $0x190  }
0x88: {  	[sflag:s15] =	ssyncset.done $0x0  }
0x89: {  	s16 =	simm.s32 $0x8CA0;
	[sflag:s15] =	ssyncadd.s32 $0xFFFFFE70  }
0x8a: {  	[tilespmem:s16], [sflag:$0x2] =	stream.indirect.gather [spmem:s1], $0x20, s10, s8, $0xb8;
	[tilespmem:$0x1BEE0] =	vst v63  }
0x8b: {  	s17 =	simm.s32 $0xBEA0;
	s18 =	simm.s32 $0x2  }
0x8c: {  	[tilespmem:s17], [sflag:$0x2] =	stream.indirect.gather [spmem:s1], $0x20, s11, s8, $0xb8;
	[tilespmem:$0x1BEE0] =	vst v63  }
0x8d: {  	_ =	swait.ge [sflag:s18], $0x3200  }
0x8e: {  	[sflag:s18] =	ssyncset.done $0x0  }
0x8f: {  	[sflag:s18] =	ssyncadd.s32 $0xFFFFCE00  }
0x90: {  	_ =	swait.ge [sflag:s18], $0x3200  }
0x91: {  	s19 =	simm.s32 $0x40;
	[sflag:s18] =	ssyncset.done $0x0  }
0x92: {  	s20 =	simm.s32 $0x80;
	s21 =	rddreg [dreg:$0xb];
	[sflag:s18] =	ssyncadd.s32 $0xFFFFCE00  }
0x93: {  	[hbm4b:s21+s19] =	stream.strided.scatter [tilespmem:s9], [sflag:$0x3], $0x6400, s20, s19, $0x38;
	[tilespmem:$0x1BEE0] =	vst v63  }
0x94: {  	s22 =	rddreg [dreg:$0xc];
	s21 =	simm.s32 $0x20  }
0x95: {  	[hbm4b:s22+s21] =	stream.strided.scatter [tilespmem:s16], [sflag:$0x3], $0x3200, s20, s21, $0x38;
	[tilespmem:$0x1BEE0] =	vst v63  }
0x96: {  	s23 =	rddreg [dreg:$0xd];
	s22 =	simm.s32 $0x3  }
0x97: {  	[hbm4b:s23+s21] =	stream.strided.scatter [tilespmem:s17], [sflag:$0x3], $0x3200, s20, s21, $0x38;
	[tilespmem:$0x1BEE0] =	vst v63  }
0x98: {  	_ =	swait.ge [sflag:s22], $0x6400  }
0x99: {  	[sflag:s22] =	ssyncset.done $0x0  }
0x9a: {  	[sflag:s22] =	ssyncadd.s32 $0xFFFF9C00  }
0x9b: {  	_ =	swait.ge [sflag:s22], $0x3200  }
0x9c: {  	[sflag:s22] =	ssyncset.done $0x0  }
0x9d: {  	[sflag:s22] =	ssyncadd.s32 $0xFFFFCE00  }
0x9e: {  	_ =	swait.ge [sflag:s22], $0x3200  }
0x9f: {  	s30 =	sld [smem:$0x7BA]  }
0xa0: {  	[sflag:s22] =	ssyncset.done $0x0  }
0xa1: {  	[sflag:s22] =	ssyncadd.s32 $0xFFFFCE00  }
0xa2: {  	[tilespmem:s9], [sflag:$0x1] =	stream.indirect.gather [hbm4b:s7+s8], $0x40, s30, s8, $0xb8;
	[tilespmem:$0x1BEE0] =	vst v63  }
0xa3: {  	s24 =	rddreg [dreg:$0xe]  }
0xa4: {  	[tilespmem:s10], [sflag:$0x1] =	stream.linear.gather [hbm4b:s24+s2], $0x190, $0x38;
	[tilespmem:$0x1BEE0] =	vst v63  }
0xa5: {  	s23 =	simm.s32 $0x4;
	s25 =	rddreg [dreg:$0xf]  }
0xa6: {  	[tilespmem:s11], [sflag:$0x1] =	stream.linear.gather [hbm4b:s25+s2], $0x190, $0x38;
	[tilespmem:$0x1BEE0] =	vst v63  }
0xa7: {  	_ =	swait.ge [sflag:s23], $0x6400  }
0xa8: {  	[sflag:s23] =	ssyncset.done $0x0  }
0xa9: {  	[sflag:s23] =	ssyncadd.s32 $0xFFFF9C00  }
0xaa: {  	_ =	swait.ge [sflag:s23], $0x190  }
0xab: {  	[sflag:s23] =	ssyncset.done $0x0  }
0xac: {  	[sflag:s23] =	ssyncadd.s32 $0xFFFFFE70  }
0xad: {  	_ =	swait.ge [sflag:s23], $0x190  }
0xae: {  	[sflag:s23] =	ssyncset.done $0x0  }
0xaf: {  	s24 =	simm.s32 $0x157C0;
	[sflag:s23] =	ssyncadd.s32 $0xFFFFFE70  }
0xb0: {  	[tilespmem:s24], [sflag:$0x5] =	stream.indirect.gather [spmem:s1], $0x20, s13, s8, $0xb8;
	[tilespmem:$0x1BEE0] =	vst v63  }
0xb1: {  	s26 =	simm.s32 $0x5;
	s25 =	simm.s32 $0x189C0  }
0xb2: {  	[tilespmem:s25], [sflag:$0x5] =	stream.indirect.gather [spmem:s1], $0x20, s14, s8, $0xb8;
	[tilespmem:$0x1BEE0] =	vst v63  }
0xb3: {  	_ =	swait.ge [sflag:s26], $0x3200  }
0xb4: {  	[sflag:s26] =	ssyncset.done $0x0  }
0xb5: {  	[sflag:s26] =	ssyncadd.s32 $0xFFFFCE00  }
0xb6: {  	_ =	swait.ge [sflag:s26], $0x3200  }
0xb7: {  	[sflag:s26] =	ssyncset.done $0x0  }
0xb8: {  	s28 =	rddreg [dreg:$0x10];
	[sflag:s26] =	ssyncadd.s32 $0xFFFFCE00  }
0xb9: {  	[hbm4b:s28+s19] =	stream.strided.scatter [tilespmem:s12], [sflag:$0x6], $0x6400, s20, s19, $0x38;
	[tilespmem:$0x1BEE0] =	vst v63  }
0xba: {  	s29 =	rddreg [dreg:$0x11]  }
0xbb: {  	[hbm4b:s29+s21] =	stream.strided.scatter [tilespmem:s24], [sflag:$0x6], $0x3200, s20, s21, $0x38;
	[tilespmem:$0x1BEE0] =	vst v63  }
0xbc: {  	s28 =	rddreg [dreg:$0x12]  }
0xbd: {  	[hbm4b:s28+s21] =	stream.strided.scatter [tilespmem:s25], [sflag:$0x6], $0x3200, s20, s21, $0x38;
	[tilespmem:$0x1BEE0] =	vst v63  }
0xbe: {  	s28 =	simm.s32 $0x6  }
0xbf: {  	_ =	swait.ge [sflag:s28], $0x6400  }
0xc0: {  	[sflag:s28] =	ssyncset.done $0x0  }
0xc1: {  	[sflag:s28] =	ssyncadd.s32 $0xFFFF9C00  }
0xc2: {  	_ =	swait.ge [sflag:s28], $0x3200  }
0xc3: {  	[sflag:s28] =	ssyncset.done $0x0  }
0xc4: {  	[sflag:s28] =	ssyncadd.s32 $0xFFFFCE00  }
0xc5: {  	_ =	swait.ge [sflag:s28], $0x3200  }
0xc6: {  	s0 =	sld [smem:$0x7BB]  }
0xc7: {  	[sflag:s28] =	ssyncset.done $0x0  }
0xc8: {  	[sflag:s28] =	ssyncadd.s32 $0xFFFFCE00  }
0xc9: {  	[tilespmem:s12], [sflag:$0x4] =	stream.indirect.gather [hbm4b:s7+s8], $0x40, s0, s8, $0xb8;
	[tilespmem:$0x1BEE0] =	vst v63  }
0xca: {  	s30 =	rddreg [dreg:$0x13]  }
0xcb: {  	[tilespmem:s13], [sflag:$0x4] =	stream.linear.gather [hbm4b:s30+s2], $0x190, $0x38;
	[tilespmem:$0x1BEE0] =	vst v63  }
0xcc: {  	s0 =	rddreg [dreg:$0x14]  }
0xcd: {  	[tilespmem:s14], [sflag:$0x4] =	stream.linear.gather [hbm4b:s0+s2], $0x190, $0x38;
	[tilespmem:$0x1BEE0] =	vst v63  }
0xce: {  	_ =	swait.ge [sflag:s15], $0x6400  }
0xcf: {  	[sflag:s15] =	ssyncset.done $0x0  }
0xd0: {  	[sflag:s15] =	ssyncadd.s32 $0xFFFF9C00  }
0xd1: {  	_ =	swait.ge [sflag:s15], $0x190  }
0xd2: {  	[sflag:s15] =	ssyncset.done $0x0  }
0xd3: {  	[sflag:s15] =	ssyncadd.s32 $0xFFFFFE70  }
0xd4: {  	_ =	swait.ge [sflag:s15], $0x190  }
0xd5: {  	[sflag:s15] =	ssyncset.done $0x0  }
0xd6: {  	[sflag:s15] =	ssyncadd.s32 $0xFFFFFE70  }
0xd7: {  	[tilespmem:s16], [sflag:$0x2] =	stream.indirect.gather [spmem:s1], $0x20, s10, s8, $0xb8;
	[tilespmem:$0x1BEE0] =	vst v63  }
0xd8: {  	_ = 	snop  }
0xd9: {  	[tilespmem:s17], [sflag:$0x2] =	stream.indirect.gather [spmem:s1], $0x20, s11, s8, $0xb8;
	[tilespmem:$0x1BEE0] =	vst v63  }
0xda: {  	_ =	swait.ge [sflag:s18], $0x3200  }
0xdb: {  	[sflag:s18] =	ssyncset.done $0x0  }
0xdc: {  	[sflag:s18] =	ssyncadd.s32 $0xFFFFCE00  }
0xdd: {  	_ =	swait.ge [sflag:s18], $0x3200  }
0xde: {  	[sflag:s18] =	ssyncset.done $0x0  }
0xdf: {  	s0 =	rddreg [dreg:$0x15];
	[sflag:s18] =	ssyncadd.s32 $0xFFFFCE00  }
0xe0: {  	[hbm4b:s0+s19] =	stream.strided.scatter [tilespmem:s9], [sflag:$0x3], $0x6400, s20, s19, $0x38;
	[tilespmem:$0x1BEE0] =	vst v63  }
0xe1: {  	s30 =	rddreg [dreg:$0x16]  }
0xe2: {  	[hbm4b:s30+s21] =	stream.strided.scatter [tilespmem:s16], [sflag:$0x3], $0x3200, s20, s21, $0x38;
	[tilespmem:$0x1BEE0] =	vst v63  }
0xe3: {  	s0 =	rddreg [dreg:$0x17]  }
0xe4: {  	[hbm4b:s0+s21] =	stream.strided.scatter [tilespmem:s17], [sflag:$0x3], $0x3200, s20, s21, $0x38;
	[tilespmem:$0x1BEE0] =	vst v63  }
0xe5: {  	_ =	swait.ge [sflag:s22], $0x6400  }
0xe6: {  	[sflag:s22] =	ssyncset.done $0x0  }
0xe7: {  	[sflag:s22] =	ssyncadd.s32 $0xFFFF9C00  }
0xe8: {  	_ =	swait.ge [sflag:s22], $0x3200  }
0xe9: {  	[sflag:s22] =	ssyncset.done $0x0  }
0xea: {  	[sflag:s22] =	ssyncadd.s32 $0xFFFFCE00  }
0xeb: {  	_ =	swait.ge [sflag:s22], $0x3200  }
0xec: {  	s0 =	sld [smem:$0x7BC]  }
0xed: {  	[sflag:s22] =	ssyncset.done $0x0  }
0xee: {  	[sflag:s22] =	ssyncadd.s32 $0xFFFFCE00  }
0xef: {  	[tilespmem:s9], [sflag:$0x1] =	stream.indirect.gather [hbm4b:s7+s8], $0x40, s0, s8, $0xb8;
	[tilespmem:$0x1BEE0] =	vst v63  }
0xf0: {  	s30 =	rddreg [dreg:$0x18]  }
0xf1: {  	[tilespmem:s10], [sflag:$0x1] =	stream.linear.gather [hbm4b:s30+s2], $0x190, $0x38;
	[tilespmem:$0x1BEE0] =	vst v63  }
0xf2: {  	s0 =	rddreg [dreg:$0x19]  }
0xf3: {  	[tilespmem:s11], [sflag:$0x1] =	stream.linear.gather [hbm4b:s0+s2], $0x190, $0x38;
	[tilespmem:$0x1BEE0] =	vst v63  }
0xf4: {  	_ =	swait.ge [sflag:s23], $0x6400  }
0xf5: {  	[sflag:s23] =	ssyncset.done $0x0  }
0xf6: {  	[sflag:s23] =	ssyncadd.s32 $0xFFFF9C00  }
0xf7: {  	_ =	swait.ge [sflag:s23], $0x190  }
0xf8: {  	[sflag:s23] =	ssyncset.done $0x0  }
0xf9: {  	[sflag:s23] =	ssyncadd.s32 $0xFFFFFE70  }
0xfa: {  	_ =	swait.ge [sflag:s23], $0x190  }
0xfb: {  	[sflag:s23] =	ssyncset.done $0x0  }
0xfc: {  	[sflag:s23] =	ssyncadd.s32 $0xFFFFFE70  }
0xfd: {  	[tilespmem:s24], [sflag:$0x5] =	stream.indirect.gather [spmem:s1], $0x20, s13, s8, $0xb8;
	[tilespmem:$0x1BEE0] =	vst v63  }
0xfe: {  	_ = 	snop  }
0xff: {  	[tilespmem:s25], [sflag:$0x5] =	stream.indirect.gather [spmem:s1], $0x20, s14, s8, $0xb8;
	[tilespmem:$0x1BEE0] =	vst v63  }
0x100: {  	_ =	swait.ge [sflag:s26], $0x3200  }
0x101: {  	[sflag:s26] =	ssyncset.done $0x0  }
0x102: {  	[sflag:s26] =	ssyncadd.s32 $0xFFFFCE00  }
0x103: {  	_ =	swait.ge [sflag:s26], $0x3200  }
0x104: {  	[sflag:s26] =	ssyncset.done $0x0  }
0x105: {  	s0 =	rddreg [dreg:$0x1a];
	[sflag:s26] =	ssyncadd.s32 $0xFFFFCE00  }
0x106: {  	[hbm4b:s0+s19] =	stream.strided.scatter [tilespmem:s12], [sflag:$0x6], $0x6400, s20, s19, $0x38;
	[tilespmem:$0x1BEE0] =	vst v63  }
0x107: {  	s30 =	rddreg [dreg:$0x1b]  }
0x108: {  	[hbm4b:s30+s21] =	stream.strided.scatter [tilespmem:s24], [sflag:$0x6], $0x3200, s20, s21, $0x38;
	[tilespmem:$0x1BEE0] =	vst v63  }
0x109: {  	s0 =	rddreg [dreg:$0x1c]  }
0x10a: {  	[hbm4b:s0+s21] =	stream.strided.scatter [tilespmem:s25], [sflag:$0x6], $0x3200, s20, s21, $0x38;
	[tilespmem:$0x1BEE0] =	vst v63  }
0x10b: {  	_ =	swait.ge [sflag:s28], $0x6400  }
0x10c: {  	[sflag:s28] =	ssyncset.done $0x0  }
0x10d: {  	[sflag:s28] =	ssyncadd.s32 $0xFFFF9C00  }
0x10e: {  	_ =	swait.ge [sflag:s28], $0x3200  }
0x10f: {  	[sflag:s28] =	ssyncset.done $0x0  }
0x110: {  	[sflag:s28] =	ssyncadd.s32 $0xFFFFCE00  }
0x111: {  	_ =	swait.ge [sflag:s28], $0x3200  }
0x112: {  	s0 =	sld [smem:$0x7BD]  }
0x113: {  	[sflag:s28] =	ssyncset.done $0x0  }
0x114: {  	[sflag:s28] =	ssyncadd.s32 $0xFFFFCE00  }
0x115: {  	[tilespmem:s12], [sflag:$0x4] =	stream.indirect.gather [hbm4b:s7+s8], $0x40, s0, s8, $0xb8;
	[tilespmem:$0x1BEE0] =	vst v63  }
0x116: {  	s30 =	rddreg [dreg:$0x1d]  }
0x117: {  	[tilespmem:s13], [sflag:$0x4] =	stream.linear.gather [hbm4b:s30+s2], $0x190, $0x38;
	[tilespmem:$0x1BEE0] =	vst v63  }
0x118: {  	s0 =	rddreg [dreg:$0x1e]  }
0x119: {  	[tilespmem:s14], [sflag:$0x4] =	stream.linear.gather [hbm4b:s0+s2], $0x190, $0x38;
	[tilespmem:$0x1BEE0] =	vst v63  }
0x11a: {  	_ =	swait.ge [sflag:s15], $0x6400  }
0x11b: {  	[sflag:s15] =	ssyncset.done $0x0  }
0x11c: {  	[sflag:s15] =	ssyncadd.s32 $0xFFFF9C00  }
0x11d: {  	_ =	swait.ge [sflag:s15], $0x190  }
0x11e: {  	[sflag:s15] =	ssyncset.done $0x0  }
0x11f: {  	[sflag:s15] =	ssyncadd.s32 $0xFFFFFE70  }
0x120: {  	_ =	swait.ge [sflag:s15], $0x190  }
0x121: {  	[sflag:s15] =	ssyncset.done $0x0  }
0x122: {  	[sflag:s15] =	ssyncadd.s32 $0xFFFFFE70  }
0x123: {  	[tilespmem:s16], [sflag:$0x2] =	stream.indirect.gather [spmem:s1], $0x20, s10, s8, $0xb8;
	[tilespmem:$0x1BEE0] =	vst v63  }
0x124: {  	_ = 	snop  }
0x125: {  	[tilespmem:s17], [sflag:$0x2] =	stream.indirect.gather [spmem:s1], $0x20, s11, s8, $0xb8;
	[tilespmem:$0x1BEE0] =	vst v63  }
0x126: {  	_ =	swait.ge [sflag:s18], $0x3200  }
0x127: {  	[sflag:s18] =	ssyncset.done $0x0  }
0x128: {  	[sflag:s18] =	ssyncadd.s32 $0xFFFFCE00  }
0x129: {  	_ =	swait.ge [sflag:s18], $0x3200  }
0x12a: {  	s0 =	rddreg [dreg:$0x1f];
	[sflag:s18] =	ssyncset.done $0x0  }
0x12b: {  	s30 =	sld [smem:$0x7BE];
	[sflag:s18] =	ssyncadd.s32 $0xFFFFCE00  }
0x12c: {  	[hbm4b:s0+s19] =	stream.strided.scatter [tilespmem:s9], [sflag:$0x3], $0x6400, s20, s19, $0x38;
	[tilespmem:$0x1BEE0] =	vst v63  }
0x12d: {  	s0 =	sld [smem:$0x7BF]  }
0x12e: {  	[hbm4b:s30+s21] =	stream.strided.scatter [tilespmem:s16], [sflag:$0x3], $0x3200, s20, s21, $0x38;
	[tilespmem:$0x1BEE0] =	vst v63  }
0x12f: {  	_ = 	snop  }
0x130: {  	[hbm4b:s0+s21] =	stream.strided.scatter [tilespmem:s17], [sflag:$0x3], $0x3200, s20, s21, $0x38;
	[tilespmem:$0x1BEE0] =	vst v63  }
0x131: {  	_ =	swait.ge [sflag:s22], $0x6400  }
0x132: {  	[sflag:s22] =	ssyncset.done $0x0  }
0x133: {  	[sflag:s22] =	ssyncadd.s32 $0xFFFF9C00  }
0x134: {  	_ =	swait.ge [sflag:s22], $0x3200  }
0x135: {  	[sflag:s22] =	ssyncset.done $0x0  }
0x136: {  	[sflag:s22] =	ssyncadd.s32 $0xFFFFCE00  }
0x137: {  	_ =	swait.ge [sflag:s22], $0x3200  }
0x138: {  	s0 =	sld [smem:$0x7C0]  }
0x139: {  	[sflag:s22] =	ssyncset.done $0x0  }
0x13a: {  	s30 =	sld [smem:$0x7C1];
	[sflag:s22] =	ssyncadd.s32 $0xFFFFCE00  }
0x13b: {  	[tilespmem:s9], [sflag:$0x1] =	stream.indirect.gather [hbm4b:s7+s8], $0x40, s0, s8, $0xb8;
	[tilespmem:$0x1BEE0] =	vst v63  }
0x13c: {  	s0 =	sld [smem:$0x7C2]  }
0x13d: {  	[tilespmem:s10], [sflag:$0x1] =	stream.linear.gather [hbm4b:s30+s2], $0x190, $0x38;
	[tilespmem:$0x1BEE0] =	vst v63  }
0x13e: {  	_ = 	snop  }
0x13f: {  	[tilespmem:s11], [sflag:$0x1] =	stream.linear.gather [hbm4b:s0+s2], $0x190, $0x38;
	[tilespmem:$0x1BEE0] =	vst v63  }
0x140: {  	_ =	swait.ge [sflag:s23], $0x6400  }
0x141: {  	[sflag:s23] =	ssyncset.done $0x0  }
0x142: {  	[sflag:s23] =	ssyncadd.s32 $0xFFFF9C00  }
0x143: {  	_ =	swait.ge [sflag:s23], $0x190  }
0x144: {  	[sflag:s23] =	ssyncset.done $0x0  }
0x145: {  	[sflag:s23] =	ssyncadd.s32 $0xFFFFFE70  }
0x146: {  	_ =	swait.ge [sflag:s23], $0x190  }
0x147: {  	[sflag:s23] =	ssyncset.done $0x0  }
0x148: {  	[sflag:s23] =	ssyncadd.s32 $0xFFFFFE70  }
0x149: {  	[tilespmem:s24], [sflag:$0x5] =	stream.indirect.gather [spmem:s1], $0x20, s13, s8, $0xb8;
	[tilespmem:$0x1BEE0] =	vst v63  }
0x14a: {  	_ = 	snop  }
0x14b: {  	[tilespmem:s25], [sflag:$0x5] =	stream.indirect.gather [spmem:s1], $0x20, s14, s8, $0xb8;
	[tilespmem:$0x1BEE0] =	vst v63  }
0x14c: {  	_ =	swait.ge [sflag:s26], $0x3200  }
0x14d: {  	[sflag:s26] =	ssyncset.done $0x0  }
0x14e: {  	[sflag:s26] =	ssyncadd.s32 $0xFFFFCE00  }
0x14f: {  	_ =	swait.ge [sflag:s26], $0x3200  }
0x150: {  	s0 =	sld [smem:$0x7C3]  }
0x151: {  	[sflag:s26] =	ssyncset.done $0x0  }
0x152: {  	s30 =	sld [smem:$0x7C4];
	[sflag:s26] =	ssyncadd.s32 $0xFFFFCE00  }
0x153: {  	[hbm4b:s0+s19] =	stream.strided.scatter [tilespmem:s12], [sflag:$0x6], $0x6400, s20, s19, $0x38;
	[tilespmem:$0x1BEE0] =	vst v63  }
0x154: {  	s0 =	sld [smem:$0x7C5]  }
0x155: {  	[hbm4b:s30+s21] =	stream.strided.scatter [tilespmem:s24], [sflag:$0x6], $0x3200, s20, s21, $0x38;
	[tilespmem:$0x1BEE0] =	vst v63  }
0x156: {  	_ = 	snop  }
0x157: {  	[hbm4b:s0+s21] =	stream.strided.scatter [tilespmem:s25], [sflag:$0x6], $0x3200, s20, s21, $0x38;
	[tilespmem:$0x1BEE0] =	vst v63  }
0x158: {  	_ =	swait.ge [sflag:s28], $0x6400  }
0x159: {  	[sflag:s28] =	ssyncset.done $0x0  }
0x15a: {  	[sflag:s28] =	ssyncadd.s32 $0xFFFF9C00  }
0x15b: {  	_ =	swait.ge [sflag:s28], $0x3200  }
0x15c: {  	[sflag:s28] =	ssyncset.done $0x0  }
0x15d: {  	[sflag:s28] =	ssyncadd.s32 $0xFFFFCE00  }
0x15e: {  	_ =	swait.ge [sflag:s28], $0x3200  }
0x15f: {  	s0 =	sld [smem:$0x7C6]  }
0x160: {  	[sflag:s28] =	ssyncset.done $0x0  }
0x161: {  	s30 =	sld [smem:$0x7C7];
	[sflag:s28] =	ssyncadd.s32 $0xFFFFCE00  }
0x162: {  	[tilespmem:s12], [sflag:$0x4] =	stream.indirect.gather [hbm4b:s7+s8], $0x40, s0, s8, $0xb8;
	[tilespmem:$0x1BEE0] =	vst v63  }
0x163: {  	s0 =	sld [smem:$0x7C8]  }
0x164: {  	[tilespmem:s13], [sflag:$0x4] =	stream.linear.gather [hbm4b:s30+s2], $0x190, $0x38;
	[tilespmem:$0x1BEE0] =	vst v63  }
0x165: {  	_ = 	snop  }
0x166: {  	[tilespmem:s14], [sflag:$0x4] =	stream.linear.gather [hbm4b:s0+s2], $0x190, $0x38;
	[tilespmem:$0x1BEE0] =	vst v63  }
0x167: {  	_ =	swait.ge [sflag:s15], $0x6400  }
0x168: {  	[sflag:s15] =	ssyncset.done $0x0  }
0x169: {  	[sflag:s15] =	ssyncadd.s32 $0xFFFF9C00  }
0x16a: {  	_ =	swait.ge [sflag:s15], $0x190  }
0x16b: {  	[sflag:s15] =	ssyncset.done $0x0  }
0x16c: {  	[sflag:s15] =	ssyncadd.s32 $0xFFFFFE70  }
0x16d: {  	_ =	swait.ge [sflag:s15], $0x190  }
0x16e: {  	[sflag:s15] =	ssyncset.done $0x0  }
0x16f: {  	[sflag:s15] =	ssyncadd.s32 $0xFFFFFE70  }
0x170: {  	[tilespmem:s16], [sflag:$0x2] =	stream.indirect.gather [spmem:s1], $0x20, s10, s8, $0xb8;
	[tilespmem:$0x1BEE0] =	vst v63  }
0x171: {  	_ = 	snop  }
0x172: {  	[tilespmem:s17], [sflag:$0x2] =	stream.indirect.gather [spmem:s1], $0x20, s11, s8, $0xb8;
	[tilespmem:$0x1BEE0] =	vst v63  }
0x173: {  	_ =	swait.ge [sflag:s18], $0x3200  }
0x174: {  	[sflag:s18] =	ssyncset.done $0x0  }
0x175: {  	[sflag:s18] =	ssyncadd.s32 $0xFFFFCE00  }
0x176: {  	_ =	swait.ge [sflag:s18], $0x3200  }
0x177: {  	s0 =	sld [smem:$0x7C9]  }
0x178: {  	[sflag:s18] =	ssyncset.done $0x0  }
0x179: {  	s30 =	sld [smem:$0x7CA];
	[sflag:s18] =	ssyncadd.s32 $0xFFFFCE00  }
0x17a: {  	[hbm4b:s0+s19] =	stream.strided.scatter [tilespmem:s9], [sflag:$0x3], $0x6400, s20, s19, $0x38;
	[tilespmem:$0x1BEE0] =	vst v63  }
0x17b: {  	s0 =	sld [smem:$0x7CB]  }
0x17c: {  	[hbm4b:s30+s21] =	stream.strided.scatter [tilespmem:s16], [sflag:$0x3], $0x3200, s20, s21, $0x38;
	[tilespmem:$0x1BEE0] =	vst v63  }
0x17d: {  	_ = 	snop  }
0x17e: {  	[hbm4b:s0+s21] =	stream.strided.scatter [tilespmem:s17], [sflag:$0x3], $0x3200, s20, s21, $0x38;
	[tilespmem:$0x1BEE0] =	vst v63  }
0x17f: {  	_ =	swait.ge [sflag:s22], $0x6400  }
0x180: {  	[sflag:s22] =	ssyncset.done $0x0  }
0x181: {  	[sflag:s22] =	ssyncadd.s32 $0xFFFF9C00  }
0x182: {  	_ =	swait.ge [sflag:s22], $0x3200  }
0x183: {  	[sflag:s22] =	ssyncset.done $0x0  }
0x184: {  	[sflag:s22] =	ssyncadd.s32 $0xFFFFCE00  }
0x185: {  	_ =	swait.ge [sflag:s22], $0x3200  }
0x186: {  	s0 =	sld [smem:$0x7CC]  }
0x187: {  	[sflag:s22] =	ssyncset.done $0x0  }
0x188: {  	s30 =	sld [smem:$0x7CD];
	[sflag:s22] =	ssyncadd.s32 $0xFFFFCE00  }
0x189: {  	[tilespmem:s9], [sflag:$0x1] =	stream.indirect.gather [hbm4b:s7+s8], $0x40, s0, s8, $0xb8;
	[tilespmem:$0x1BEE0] =	vst v63  }
0x18a: {  	s0 =	sld [smem:$0x7CE]  }
0x18b: {  	[tilespmem:s10], [sflag:$0x1] =	stream.linear.gather [hbm4b:s30+s2], $0x190, $0x38;
	[tilespmem:$0x1BEE0] =	vst v63  }
0x18c: {  	_ = 	snop  }
0x18d: {  	[tilespmem:s11], [sflag:$0x1] =	stream.linear.gather [hbm4b:s0+s2], $0x190, $0x38;
	[tilespmem:$0x1BEE0] =	vst v63  }
0x18e: {  	_ =	swait.ge [sflag:s23], $0x6400  }
0x18f: {  	[sflag:s23] =	ssyncset.done $0x0  }
0x190: {  	[sflag:s23] =	ssyncadd.s32 $0xFFFF9C00  }
0x191: {  	_ =	swait.ge [sflag:s23], $0x190  }
0x192: {  	[sflag:s23] =	ssyncset.done $0x0  }
0x193: {  	[sflag:s23] =	ssyncadd.s32 $0xFFFFFE70  }
0x194: {  	_ =	swait.ge [sflag:s23], $0x190  }
0x195: {  	[sflag:s23] =	ssyncset.done $0x0  }
0x196: {  	[sflag:s23] =	ssyncadd.s32 $0xFFFFFE70  }
0x197: {  	[tilespmem:s24], [sflag:$0x5] =	stream.indirect.gather [spmem:s1], $0x20, s13, s8, $0xb8;
	[tilespmem:$0x1BEE0] =	vst v63  }
0x198: {  	_ = 	snop  }
0x199: {  	[tilespmem:s25], [sflag:$0x5] =	stream.indirect.gather [spmem:s1], $0x20, s14, s8, $0xb8;
	[tilespmem:$0x1BEE0] =	vst v63  }
0x19a: {  	_ =	swait.ge [sflag:s26], $0x3200  }
0x19b: {  	[sflag:s26] =	ssyncset.done $0x0  }
0x19c: {  	[sflag:s26] =	ssyncadd.s32 $0xFFFFCE00  }
0x19d: {  	_ =	swait.ge [sflag:s26], $0x3200  }
0x19e: {  	s0 =	sld [smem:$0x7CF]  }
0x19f: {  	[sflag:s26] =	ssyncset.done $0x0  }
0x1a0: {  	s30 =	sld [smem:$0x7D0];
	[sflag:s26] =	ssyncadd.s32 $0xFFFFCE00  }
0x1a1: {  	[hbm4b:s0+s19] =	stream.strided.scatter [tilespmem:s12], [sflag:$0x6], $0x6400, s20, s19, $0x38;
	[tilespmem:$0x1BEE0] =	vst v63  }
0x1a2: {  	s0 =	sld [smem:$0x7D1]  }
0x1a3: {  	[hbm4b:s30+s21] =	stream.strided.scatter [tilespmem:s24], [sflag:$0x6], $0x3200, s20, s21, $0x38;
	[tilespmem:$0x1BEE0] =	vst v63  }
0x1a4: {  	_ = 	snop  }
0x1a5: {  	[hbm4b:s0+s21] =	stream.strided.scatter [tilespmem:s25], [sflag:$0x6], $0x3200, s20, s21, $0x38;
	[tilespmem:$0x1BEE0] =	vst v63  }
0x1a6: {  	_ =	swait.ge [sflag:s28], $0x6400  }
0x1a7: {  	[sflag:s28] =	ssyncset.done $0x0  }
0x1a8: {  	[sflag:s28] =	ssyncadd.s32 $0xFFFF9C00  }
0x1a9: {  	_ =	swait.ge [sflag:s28], $0x3200  }
0x1aa: {  	[sflag:s28] =	ssyncset.done $0x0  }
0x1ab: {  	[sflag:s28] =	ssyncadd.s32 $0xFFFFCE00  }
0x1ac: {  	_ =	swait.ge [sflag:s28], $0x3200  }
0x1ad: {  	s0 =	sld [smem:$0x7D2]  }
0x1ae: {  	[sflag:s28] =	ssyncset.done $0x0  }
0x1af: {  	s30 =	sld [smem:$0x7D3];
	[sflag:s28] =	ssyncadd.s32 $0xFFFFCE00  }
0x1b0: {  	[tilespmem:s12], [sflag:$0x4] =	stream.indirect.gather [hbm4b:s7+s8], $0x40, s0, s8, $0xb8;
	[tilespmem:$0x1BEE0] =	vst v63  }
0x1b1: {  	s0 =	sld [smem:$0x7D4]  }
0x1b2: {  	[tilespmem:s13], [sflag:$0x4] =	stream.linear.gather [hbm4b:s30+s2], $0x190, $0x38;
	[tilespmem:$0x1BEE0] =	vst v63  }
0x1b3: {  	_ = 	snop  }
0x1b4: {  	[tilespmem:s14], [sflag:$0x4] =	stream.linear.gather [hbm4b:s0+s2], $0x190, $0x38;
	[tilespmem:$0x1BEE0] =	vst v63  }
0x1b5: {  	_ =	swait.ge [sflag:s15], $0x6400  }
0x1b6: {  	[sflag:s15] =	ssyncset.done $0x0  }
0x1b7: {  	[sflag:s15] =	ssyncadd.s32 $0xFFFF9C00  }
0x1b8: {  	_ =	swait.ge [sflag:s15], $0x190  }
0x1b9: {  	[sflag:s15] =	ssyncset.done $0x0  }
0x1ba: {  	[sflag:s15] =	ssyncadd.s32 $0xFFFFFE70  }
0x1bb: {  	_ =	swait.ge [sflag:s15], $0x190  }
0x1bc: {  	[sflag:s15] =	ssyncset.done $0x0  }
0x1bd: {  	[sflag:s15] =	ssyncadd.s32 $0xFFFFFE70  }
0x1be: {  	[tilespmem:s16], [sflag:$0x2] =	stream.indirect.gather [spmem:s1], $0x20, s10, s8, $0xb8;
	[tilespmem:$0x1BEE0] =	vst v63  }
0x1bf: {  	_ = 	snop  }
0x1c0: {  	[tilespmem:s17], [sflag:$0x2] =	stream.indirect.gather [spmem:s1], $0x20, s11, s8, $0xb8;
	[tilespmem:$0x1BEE0] =	vst v63  }
0x1c1: {  	_ =	swait.ge [sflag:s18], $0x3200  }
0x1c2: {  	[sflag:s18] =	ssyncset.done $0x0  }
0x1c3: {  	[sflag:s18] =	ssyncadd.s32 $0xFFFFCE00  }
0x1c4: {  	_ =	swait.ge [sflag:s18], $0x3200  }
0x1c5: {  	s0 =	sld [smem:$0x7D5]  }
0x1c6: {  	[sflag:s18] =	ssyncset.done $0x0  }
0x1c7: {  	s30 =	sld [smem:$0x7D6];
	[sflag:s18] =	ssyncadd.s32 $0xFFFFCE00  }
0x1c8: {  	[hbm4b:s0+s19] =	stream.strided.scatter [tilespmem:s9], [sflag:$0x3], $0x6400, s20, s19, $0x38;
	[tilespmem:$0x1BEE0] =	vst v63  }
0x1c9: {  	s0 =	sld [smem:$0x7D7]  }
0x1ca: {  	[hbm4b:s30+s21] =	stream.strided.scatter [tilespmem:s16], [sflag:$0x3], $0x3200, s20, s21, $0x38;
	[tilespmem:$0x1BEE0] =	vst v63  }
0x1cb: {  	_ = 	snop  }
0x1cc: {  	[hbm4b:s0+s21] =	stream.strided.scatter [tilespmem:s17], [sflag:$0x3], $0x3200, s20, s21, $0x38;
	[tilespmem:$0x1BEE0] =	vst v63  }
0x1cd: {  	_ =	swait.ge [sflag:s22], $0x6400  }
0x1ce: {  	[sflag:s22] =	ssyncset.done $0x0  }
0x1cf: {  	[sflag:s22] =	ssyncadd.s32 $0xFFFF9C00  }
0x1d0: {  	_ =	swait.ge [sflag:s22], $0x3200  }
0x1d1: {  	[sflag:s22] =	ssyncset.done $0x0  }
0x1d2: {  	[sflag:s22] =	ssyncadd.s32 $0xFFFFCE00  }
0x1d3: {  	_ =	swait.ge [sflag:s22], $0x3200  }
0x1d4: {  	s0 =	sld [smem:$0x7D8]  }
0x1d5: {  	[sflag:s22] =	ssyncset.done $0x0  }
0x1d6: {  	s30 =	sld [smem:$0x7D9];
	[sflag:s22] =	ssyncadd.s32 $0xFFFFCE00  }
0x1d7: {  	[tilespmem:s9], [sflag:$0x1] =	stream.indirect.gather [hbm4b:s7+s8], $0x40, s0, s8, $0xb8;
	[tilespmem:$0x1BEE0] =	vst v63  }
0x1d8: {  	s0 =	sld [smem:$0x7DA]  }
0x1d9: {  	[tilespmem:s10], [sflag:$0x1] =	stream.linear.gather [hbm4b:s30+s2], $0x190, $0x38;
	[tilespmem:$0x1BEE0] =	vst v63  }
0x1da: {  	_ = 	snop  }
0x1db: {  	[tilespmem:s11], [sflag:$0x1] =	stream.linear.gather [hbm4b:s0+s2], $0x190, $0x38;
	[tilespmem:$0x1BEE0] =	vst v63  }
0x1dc: {  	_ =	swait.ge [sflag:s23], $0x6400  }
0x1dd: {  	[sflag:s23] =	ssyncset.done $0x0  }
0x1de: {  	[sflag:s23] =	ssyncadd.s32 $0xFFFF9C00  }
0x1df: {  	_ =	swait.ge [sflag:s23], $0x190  }
0x1e0: {  	[sflag:s23] =	ssyncset.done $0x0  }
0x1e1: {  	[sflag:s23] =	ssyncadd.s32 $0xFFFFFE70  }
0x1e2: {  	_ =	swait.ge [sflag:s23], $0x190  }
0x1e3: {  	[sflag:s23] =	ssyncset.done $0x0  }
0x1e4: {  	[sflag:s23] =	ssyncadd.s32 $0xFFFFFE70  }
0x1e5: {  	[tilespmem:s24], [sflag:$0x5] =	stream.indirect.gather [spmem:s1], $0x20, s13, s8, $0xb8;
	[tilespmem:$0x1BEE0] =	vst v63  }
0x1e6: {  	_ = 	snop  }
0x1e7: {  	[tilespmem:s25], [sflag:$0x5] =	stream.indirect.gather [spmem:s1], $0x20, s14, s8, $0xb8;
	[tilespmem:$0x1BEE0] =	vst v63  }
0x1e8: {  	_ =	swait.ge [sflag:s26], $0x3200  }
0x1e9: {  	[sflag:s26] =	ssyncset.done $0x0  }
0x1ea: {  	[sflag:s26] =	ssyncadd.s32 $0xFFFFCE00  }
0x1eb: {  	_ =	swait.ge [sflag:s26], $0x3200  }
0x1ec: {  	s0 =	sld [smem:$0x7DB]  }
0x1ed: {  	[sflag:s26] =	ssyncset.done $0x0  }
0x1ee: {  	s30 =	sld [smem:$0x7DC];
	[sflag:s26] =	ssyncadd.s32 $0xFFFFCE00  }
0x1ef: {  	[hbm4b:s0+s19] =	stream.strided.scatter [tilespmem:s12], [sflag:$0x6], $0x6400, s20, s19, $0x38;
	[tilespmem:$0x1BEE0] =	vst v63  }
0x1f0: {  	s0 =	sld [smem:$0x7DD]  }
0x1f1: {  	[hbm4b:s30+s21] =	stream.strided.scatter [tilespmem:s24], [sflag:$0x6], $0x3200, s20, s21, $0x38;
	[tilespmem:$0x1BEE0] =	vst v63  }
0x1f2: {  	_ = 	snop  }
0x1f3: {  	[hbm4b:s0+s21] =	stream.strided.scatter [tilespmem:s25], [sflag:$0x6], $0x3200, s20, s21, $0x38;
	[tilespmem:$0x1BEE0] =	vst v63  }
0x1f4: {  	_ =	swait.ge [sflag:s28], $0x6400  }
0x1f5: {  	[sflag:s28] =	ssyncset.done $0x0  }
0x1f6: {  	[sflag:s28] =	ssyncadd.s32 $0xFFFF9C00  }
0x1f7: {  	_ =	swait.ge [sflag:s28], $0x3200  }
0x1f8: {  	[sflag:s28] =	ssyncset.done $0x0  }
0x1f9: {  	[sflag:s28] =	ssyncadd.s32 $0xFFFFCE00  }
0x1fa: {  	_ =	swait.ge [sflag:s28], $0x3200  }
0x1fb: {  	s0 =	sld [smem:$0x7DE]  }
0x1fc: {  	[sflag:s28] =	ssyncset.done $0x0  }
0x1fd: {  	s30 =	sld [smem:$0x7DF];
	[sflag:s28] =	ssyncadd.s32 $0xFFFFCE00  }
0x1fe: {  	[tilespmem:s12], [sflag:$0x4] =	stream.indirect.gather [hbm4b:s7+s8], $0x40, s0, s8, $0xb8;
	[tilespmem:$0x1BEE0] =	vst v63  }
0x1ff: {  	s0 =	sld [smem:$0x7E0]  }
0x200: {  	[tilespmem:s13], [sflag:$0x4] =	stream.linear.gather [hbm4b:s30+s2], $0x190, $0x38;
	[tilespmem:$0x1BEE0] =	vst v63  }
0x201: {  	_ = 	snop  }
0x202: {  	[tilespmem:s14], [sflag:$0x4] =	stream.linear.gather [hbm4b:s0+s2], $0x190, $0x38;
	[tilespmem:$0x1BEE0] =	vst v63  }
0x203: {  	_ =	swait.ge [sflag:s15], $0x6400  }
0x204: {  	[sflag:s15] =	ssyncset.done $0x0  }
0x205: {  	[sflag:s15] =	ssyncadd.s32 $0xFFFF9C00  }
0x206: {  	_ =	swait.ge [sflag:s15], $0x190  }
0x207: {  	[sflag:s15] =	ssyncset.done $0x0  }
0x208: {  	[sflag:s15] =	ssyncadd.s32 $0xFFFFFE70  }
0x209: {  	_ =	swait.ge [sflag:s15], $0x190  }
0x20a: {  	[sflag:s15] =	ssyncset.done $0x0  }
0x20b: {  	[sflag:s15] =	ssyncadd.s32 $0xFFFFFE70  }
0x20c: {  	[tilespmem:s16], [sflag:$0x2] =	stream.indirect.gather [spmem:s1], $0x20, s10, s8, $0xb8;
	[tilespmem:$0x1BEE0] =	vst v63  }
0x20d: {  	_ = 	snop  }
0x20e: {  	[tilespmem:s17], [sflag:$0x2] =	stream.indirect.gather [spmem:s1], $0x20, s11, s8, $0xb8;
	[tilespmem:$0x1BEE0] =	vst v63  }
0x20f: {  	_ =	swait.ge [sflag:s18], $0x3200  }
0x210: {  	[sflag:s18] =	ssyncset.done $0x0  }
0x211: {  	[sflag:s18] =	ssyncadd.s32 $0xFFFFCE00  }
0x212: {  	_ =	swait.ge [sflag:s18], $0x3200  }
0x213: {  	s0 =	sld [smem:$0x7E1]  }
0x214: {  	[sflag:s18] =	ssyncset.done $0x0  }
0x215: {  	s30 =	sld [smem:$0x7E2];
	[sflag:s18] =	ssyncadd.s32 $0xFFFFCE00  }
0x216: {  	[hbm4b:s0+s19] =	stream.strided.scatter [tilespmem:s9], [sflag:$0x3], $0x6400, s20, s19, $0x38;
	[tilespmem:$0x1BEE0] =	vst v63  }
0x217: {  	s0 =	sld [smem:$0x7E3]  }
0x218: {  	[hbm4b:s30+s21] =	stream.strided.scatter [tilespmem:s16], [sflag:$0x3], $0x3200, s20, s21, $0x38;
	[tilespmem:$0x1BEE0] =	vst v63  }
0x219: {  	_ = 	snop  }
0x21a: {  	[hbm4b:s0+s21] =	stream.strided.scatter [tilespmem:s17], [sflag:$0x3], $0x3200, s20, s21, $0x38;
	[tilespmem:$0x1BEE0] =	vst v63  }
0x21b: {  	_ =	swait.ge [sflag:s22], $0x6400  }
0x21c: {  	[sflag:s22] =	ssyncset.done $0x0  }
0x21d: {  	[sflag:s22] =	ssyncadd.s32 $0xFFFF9C00  }
0x21e: {  	_ =	swait.ge [sflag:s22], $0x3200  }
0x21f: {  	[sflag:s22] =	ssyncset.done $0x0  }
0x220: {  	[sflag:s22] =	ssyncadd.s32 $0xFFFFCE00  }
0x221: {  	_ =	swait.ge [sflag:s22], $0x3200  }
0x222: {  	s0 =	sld [smem:$0x7E4]  }
0x223: {  	[sflag:s22] =	ssyncset.done $0x0  }
0x224: {  	s30 =	sld [smem:$0x7E5];
	[sflag:s22] =	ssyncadd.s32 $0xFFFFCE00  }
0x225: {  	[tilespmem:s9], [sflag:$0x1] =	stream.indirect.gather [hbm4b:s7+s8], $0x40, s0, s8, $0xb8;
	[tilespmem:$0x1BEE0] =	vst v63  }
0x226: {  	s0 =	sld [smem:$0x7E6]  }
0x227: {  	[tilespmem:s10], [sflag:$0x1] =	stream.linear.gather [hbm4b:s30+s2], $0x190, $0x38;
	[tilespmem:$0x1BEE0] =	vst v63  }
0x228: {  	_ = 	snop  }
0x229: {  	[tilespmem:s11], [sflag:$0x1] =	stream.linear.gather [hbm4b:s0+s2], $0x190, $0x38;
	[tilespmem:$0x1BEE0] =	vst v63  }
0x22a: {  	_ =	swait.ge [sflag:s23], $0x6400  }
0x22b: {  	[sflag:s23] =	ssyncset.done $0x0  }
0x22c: {  	[sflag:s23] =	ssyncadd.s32 $0xFFFF9C00  }
0x22d: {  	_ =	swait.ge [sflag:s23], $0x190  }
0x22e: {  	[sflag:s23] =	ssyncset.done $0x0  }
0x22f: {  	[sflag:s23] =	ssyncadd.s32 $0xFFFFFE70  }
0x230: {  	_ =	swait.ge [sflag:s23], $0x190  }
0x231: {  	[sflag:s23] =	ssyncset.done $0x0  }
0x232: {  	[sflag:s23] =	ssyncadd.s32 $0xFFFFFE70  }
0x233: {  	[tilespmem:s24], [sflag:$0x5] =	stream.indirect.gather [spmem:s1], $0x20, s13, s8, $0xb8;
	[tilespmem:$0x1BEE0] =	vst v63  }
0x234: {  	_ = 	snop  }
0x235: {  	[tilespmem:s25], [sflag:$0x5] =	stream.indirect.gather [spmem:s1], $0x20, s14, s8, $0xb8;
	[tilespmem:$0x1BEE0] =	vst v63  }
0x236: {  	_ =	swait.ge [sflag:s26], $0x3200  }
0x237: {  	[sflag:s26] =	ssyncset.done $0x0  }
0x238: {  	[sflag:s26] =	ssyncadd.s32 $0xFFFFCE00  }
0x239: {  	_ =	swait.ge [sflag:s26], $0x3200  }
0x23a: {  	s0 =	sld [smem:$0x7E7]  }
0x23b: {  	[sflag:s26] =	ssyncset.done $0x0  }
0x23c: {  	s30 =	sld [smem:$0x7E8];
	[sflag:s26] =	ssyncadd.s32 $0xFFFFCE00  }
0x23d: {  	[hbm4b:s0+s19] =	stream.strided.scatter [tilespmem:s12], [sflag:$0x6], $0x6400, s20, s19, $0x38;
	[tilespmem:$0x1BEE0] =	vst v63  }
0x23e: {  	s0 =	sld [smem:$0x7E9]  }
0x23f: {  	[hbm4b:s30+s21] =	stream.strided.scatter [tilespmem:s24], [sflag:$0x6], $0x3200, s20, s21, $0x38;
	[tilespmem:$0x1BEE0] =	vst v63  }
0x240: {  	_ = 	snop  }
0x241: {  	[hbm4b:s0+s21] =	stream.strided.scatter [tilespmem:s25], [sflag:$0x6], $0x3200, s20, s21, $0x38;
	[tilespmem:$0x1BEE0] =	vst v63  }
0x242: {  	_ =	swait.ge [sflag:s28], $0x6400  }
0x243: {  	[sflag:s28] =	ssyncset.done $0x0  }
0x244: {  	[sflag:s28] =	ssyncadd.s32 $0xFFFF9C00  }
0x245: {  	_ =	swait.ge [sflag:s28], $0x3200  }
0x246: {  	[sflag:s28] =	ssyncset.done $0x0  }
0x247: {  	[sflag:s28] =	ssyncadd.s32 $0xFFFFCE00  }
0x248: {  	_ =	swait.ge [sflag:s28], $0x3200  }
0x249: {  	s0 =	sld [smem:$0x7EA]  }
0x24a: {  	[sflag:s28] =	ssyncset.done $0x0  }
0x24b: {  	s30 =	sld [smem:$0x7EB];
	[sflag:s28] =	ssyncadd.s32 $0xFFFFCE00  }
0x24c: {  	[tilespmem:s12], [sflag:$0x4] =	stream.indirect.gather [hbm4b:s7+s8], $0x40, s0, s8, $0xb8;
	[tilespmem:$0x1BEE0] =	vst v63  }
0x24d: {  	s0 =	sld [smem:$0x7EC]  }
0x24e: {  	[tilespmem:s13], [sflag:$0x4] =	stream.linear.gather [hbm4b:s30+s2], $0x190, $0x38;
	[tilespmem:$0x1BEE0] =	vst v63  }
0x24f: {  	_ = 	snop  }
0x250: {  	[tilespmem:s14], [sflag:$0x4] =	stream.linear.gather [hbm4b:s0+s2], $0x190, $0x38;
	[tilespmem:$0x1BEE0] =	vst v63  }
0x251: {  	_ =	swait.ge [sflag:s15], $0x6400  }
0x252: {  	[sflag:s15] =	ssyncset.done $0x0  }
0x253: {  	[sflag:s15] =	ssyncadd.s32 $0xFFFF9C00  }
0x254: {  	_ =	swait.ge [sflag:s15], $0x190  }
0x255: {  	[sflag:s15] =	ssyncset.done $0x0  }
0x256: {  	[sflag:s15] =	ssyncadd.s32 $0xFFFFFE70  }
0x257: {  	_ =	swait.ge [sflag:s15], $0x190  }
0x258: {  	[sflag:s15] =	ssyncset.done $0x0  }
0x259: {  	[sflag:s15] =	ssyncadd.s32 $0xFFFFFE70  }
0x25a: {  	[tilespmem:s16], [sflag:$0x2] =	stream.indirect.gather [spmem:s1], $0x20, s10, s8, $0xb8;
	[tilespmem:$0x1BEE0] =	vst v63  }
0x25b: {  	_ = 	snop  }
0x25c: {  	[tilespmem:s17], [sflag:$0x2] =	stream.indirect.gather [spmem:s1], $0x20, s11, s8, $0xb8;
	[tilespmem:$0x1BEE0] =	vst v63  }
0x25d: {  	_ =	swait.ge [sflag:s18], $0x3200  }
0x25e: {  	[sflag:s18] =	ssyncset.done $0x0  }
0x25f: {  	[sflag:s18] =	ssyncadd.s32 $0xFFFFCE00  }
0x260: {  	_ =	swait.ge [sflag:s18], $0x3200  }
0x261: {  	s0 =	sld [smem:$0x7ED]  }
0x262: {  	[sflag:s18] =	ssyncset.done $0x0  }
0x263: {  	s30 =	sld [smem:$0x7EE];
	[sflag:s18] =	ssyncadd.s32 $0xFFFFCE00  }
0x264: {  	[hbm4b:s0+s19] =	stream.strided.scatter [tilespmem:s9], [sflag:$0x3], $0x6400, s20, s19, $0x38;
	[tilespmem:$0x1BEE0] =	vst v63  }
0x265: {  	s0 =	sld [smem:$0x7EF]  }
0x266: {  	[hbm4b:s30+s21] =	stream.strided.scatter [tilespmem:s16], [sflag:$0x3], $0x3200, s20, s21, $0x38;
	[tilespmem:$0x1BEE0] =	vst v63  }
0x267: {  	_ = 	snop  }
0x268: {  	[hbm4b:s0+s21] =	stream.strided.scatter [tilespmem:s17], [sflag:$0x3], $0x3200, s20, s21, $0x38;
	[tilespmem:$0x1BEE0] =	vst v63  }
0x269: {  	_ =	swait.ge [sflag:s22], $0x6400  }
0x26a: {  	[sflag:s22] =	ssyncset.done $0x0  }
0x26b: {  	[sflag:s22] =	ssyncadd.s32 $0xFFFF9C00  }
0x26c: {  	_ =	swait.ge [sflag:s22], $0x3200  }
0x26d: {  	[sflag:s22] =	ssyncset.done $0x0  }
0x26e: {  	[sflag:s22] =	ssyncadd.s32 $0xFFFFCE00  }
0x26f: {  	_ =	swait.ge [sflag:s22], $0x3200  }
0x270: {  	[sflag:s22] =	ssyncset.done $0x0  }
0x271: {  	s29 =	simm.s32 $0x15E0;
	s30 =	sld [smem:$0x7F0];
	[sflag:s22] =	ssyncadd.s32 $0xFFFFCE00  }
0x272: {  	[tilespmem:s9], [sflag:$0x1] =	stream.indirect.gather [hbm4b:s7+s8], $0x40, s29, s8, $0xb8;
	[tilespmem:$0x1BEE0] =	vst v63  }
0x273: {  	s29 =	sld [smem:$0x7F1]  }
0x274: {  	[tilespmem:s10], [sflag:$0x1] =	stream.linear.gather [hbm4b:s30+s2], $0x190, $0x38;
	[tilespmem:$0x1BEE0] =	vst v63  }
0x275: {  	_ = 	snop  }
0x276: {  	[tilespmem:s11], [sflag:$0x1] =	stream.linear.gather [hbm4b:s29+s2], $0x190, $0x38;
	[tilespmem:$0x1BEE0] =	vst v63  }
0x277: {  	_ =	swait.ge [sflag:s23], $0x6400  }
0x278: {  	[sflag:s23] =	ssyncset.done $0x0  }
0x279: {  	[sflag:s23] =	ssyncadd.s32 $0xFFFF9C00  }
0x27a: {  	_ =	swait.ge [sflag:s23], $0x190  }
0x27b: {  	[sflag:s23] =	ssyncset.done $0x0  }
0x27c: {  	[sflag:s23] =	ssyncadd.s32 $0xFFFFFE70  }
0x27d: {  	_ =	swait.ge [sflag:s23], $0x190  }
0x27e: {  	[sflag:s23] =	ssyncset.done $0x0  }
0x27f: {  	[sflag:s23] =	ssyncadd.s32 $0xFFFFFE70  }
0x280: {  	[tilespmem:s24], [sflag:$0x5] =	stream.indirect.gather [spmem:s1], $0x20, s13, s8, $0xb8;
	[tilespmem:$0x1BEE0] =	vst v63  }
0x281: {  	_ = 	snop  }
0x282: {  	[tilespmem:s25], [sflag:$0x5] =	stream.indirect.gather [spmem:s1], $0x20, s14, s8, $0xb8;
	[tilespmem:$0x1BEE0] =	vst v63  }
0x283: {  	_ =	swait.ge [sflag:s26], $0x3200  }
0x284: {  	[sflag:s26] =	ssyncset.done $0x0  }
0x285: {  	[sflag:s26] =	ssyncadd.s32 $0xFFFFCE00  }
0x286: {  	_ =	swait.ge [sflag:s26], $0x3200  }
0x287: {  	s29 =	sld [smem:$0x7F2]  }
0x288: {  	[sflag:s26] =	ssyncset.done $0x0  }
0x289: {  	s30 =	sld [smem:$0x7F3];
	[sflag:s26] =	ssyncadd.s32 $0xFFFFCE00  }
0x28a: {  	[hbm4b:s29+s19] =	stream.strided.scatter [tilespmem:s12], [sflag:$0x6], $0x6400, s20, s19, $0x38;
	[tilespmem:$0x1BEE0] =	vst v63  }
0x28b: {  	s29 =	sld [smem:$0x7F4]  }
0x28c: {  	[hbm4b:s30+s21] =	stream.strided.scatter [tilespmem:s24], [sflag:$0x6], $0x3200, s20, s21, $0x38;
	[tilespmem:$0x1BEE0] =	vst v63  }
0x28d: {  	_ = 	snop  }
0x28e: {  	[hbm4b:s29+s21] =	stream.strided.scatter [tilespmem:s25], [sflag:$0x6], $0x3200, s20, s21, $0x38;
	[tilespmem:$0x1BEE0] =	vst v63  }
0x28f: {  	_ =	swait.ge [sflag:s28], $0x6400  }
0x290: {  	[sflag:s28] =	ssyncset.done $0x0  }
0x291: {  	[sflag:s28] =	ssyncadd.s32 $0xFFFF9C00  }
0x292: {  	_ =	swait.ge [sflag:s28], $0x3200  }
0x293: {  	[sflag:s28] =	ssyncset.done $0x0  }
0x294: {  	[sflag:s28] =	ssyncadd.s32 $0xFFFFCE00  }
0x295: {  	_ =	swait.ge [sflag:s28], $0x3200  }
0x296: {  	[sflag:s28] =	ssyncset.done $0x0  }
0x297: {  	s30 =	simm.s32 $0x1770;
	s31 =	sld [smem:$0x7F5];
	[sflag:s28] =	ssyncadd.s32 $0xFFFFCE00  }
0x298: {  	[tilespmem:s12], [sflag:$0x4] =	stream.indirect.gather [hbm4b:s7+s8], $0x40, s30, s8, $0xb8;
	[tilespmem:$0x1BEE0] =	vst v63  }
0x299: {  	s29 =	sld [smem:$0x7F6]  }
0x29a: {  	[tilespmem:s13], [sflag:$0x4] =	stream.linear.gather [hbm4b:s31+s2], $0x190, $0x38;
	[tilespmem:$0x1BEE0] =	vst v63  }
0x29b: {  	_ = 	snop  }
0x29c: {  	[tilespmem:s14], [sflag:$0x4] =	stream.linear.gather [hbm4b:s29+s2], $0x190, $0x38;
	[tilespmem:$0x1BEE0] =	vst v63  }
0x29d: {  	_ =	swait.ge [sflag:s15], $0x6400  }
0x29e: {  	[sflag:s15] =	ssyncset.done $0x0  }
0x29f: {  	[sflag:s15] =	ssyncadd.s32 $0xFFFF9C00  }
0x2a0: {  	_ =	swait.ge [sflag:s15], $0x190  }
0x2a1: {  	[sflag:s15] =	ssyncset.done $0x0  }
0x2a2: {  	[sflag:s15] =	ssyncadd.s32 $0xFFFFFE70  }
0x2a3: {  	_ =	swait.ge [sflag:s15], $0x190  }
0x2a4: {  	[sflag:s15] =	ssyncset.done $0x0  }
0x2a5: {  	[sflag:s15] =	ssyncadd.s32 $0xFFFFFE70  }
0x2a6: {  	[tilespmem:s16], [sflag:$0x2] =	stream.indirect.gather [spmem:s1], $0x20, s10, s8, $0xb8;
	[tilespmem:$0x1BEE0] =	vst v63  }
0x2a7: {  	_ = 	snop  }
0x2a8: {  	[tilespmem:s17], [sflag:$0x2] =	stream.indirect.gather [spmem:s1], $0x20, s11, s8, $0xb8;
	[tilespmem:$0x1BEE0] =	vst v63  }
0x2a9: {  	_ =	swait.ge [sflag:s18], $0x3200  }
0x2aa: {  	[sflag:s18] =	ssyncset.done $0x0  }
0x2ab: {  	[sflag:s18] =	ssyncadd.s32 $0xFFFFCE00  }
0x2ac: {  	_ =	swait.ge [sflag:s18], $0x3200  }
0x2ad: {  	s30 =	sld [smem:$0x7F7]  }
0x2ae: {  	[sflag:s18] =	ssyncset.done $0x0  }
0x2af: {  	s31 =	sld [smem:$0x7F8];
	[sflag:s18] =	ssyncadd.s32 $0xFFFFCE00  }
0x2b0: {  	[hbm4b:s30+s19] =	stream.strided.scatter [tilespmem:s9], [sflag:$0x3], $0x6400, s20, s19, $0x38;
	[tilespmem:$0x1BEE0] =	vst v63  }
0x2b1: {  	s29 =	sld [smem:$0x7F9]  }
0x2b2: {  	[hbm4b:s31+s21] =	stream.strided.scatter [tilespmem:s16], [sflag:$0x3], $0x3200, s20, s21, $0x38;
	[tilespmem:$0x1BEE0] =	vst v63  }
0x2b3: {  	_ = 	snop  }
0x2b4: {  	[hbm4b:s29+s21] =	stream.strided.scatter [tilespmem:s17], [sflag:$0x3], $0x3200, s20, s21, $0x38;
	[tilespmem:$0x1BEE0] =	vst v63  }
0x2b5: {  	_ =	swait.ge [sflag:s23], $0x6400  }
0x2b6: {  	[sflag:s23] =	ssyncset.done $0x0  }
0x2b7: {  	[sflag:s23] =	ssyncadd.s32 $0xFFFF9C00  }
0x2b8: {  	_ =	swait.ge [sflag:s23], $0x190  }
0x2b9: {  	[sflag:s23] =	ssyncset.done $0x0  }
0x2ba: {  	[sflag:s23] =	ssyncadd.s32 $0xFFFFFE70  }
0x2bb: {  	_ =	swait.ge [sflag:s23], $0x190  }
0x2bc: {  	[sflag:s23] =	ssyncset.done $0x0  }
0x2bd: {  	[sflag:s23] =	ssyncadd.s32 $0xFFFFFE70  }
0x2be: {  	[tilespmem:s24], [sflag:$0x5] =	stream.indirect.gather [spmem:s1], $0x20, s13, s8, $0xb8;
	[tilespmem:$0x1BEE0] =	vst v63  }
0x2bf: {  	_ = 	snop  }
0x2c0: {  	[tilespmem:s25], [sflag:$0x5] =	stream.indirect.gather [spmem:s1], $0x20, s14, s8, $0xb8;
	[tilespmem:$0x1BEE0] =	vst v63  }
0x2c1: {  	_ =	swait.ge [sflag:s26], $0x3200  }
0x2c2: {  	[sflag:s26] =	ssyncset.done $0x0  }
0x2c3: {  	[sflag:s26] =	ssyncadd.s32 $0xFFFFCE00  }
0x2c4: {  	_ =	swait.ge [sflag:s26], $0x3200  }
0x2c5: {  	s30 =	sld [smem:$0x7FA]  }
0x2c6: {  	[sflag:s26] =	ssyncset.done $0x0  }
0x2c7: {  	s31 =	sld [smem:$0x7FB];
	[sflag:s26] =	ssyncadd.s32 $0xFFFFCE00  }
0x2c8: {  	[hbm4b:s30+s19] =	stream.strided.scatter [tilespmem:s12], [sflag:$0x6], $0x6400, s20, s19, $0x38;
	[tilespmem:$0x1BEE0] =	vst v63  }
0x2c9: {  	s29 =	sld [smem:$0x7FC]  }
0x2ca: {  	[hbm4b:s31+s21] =	stream.strided.scatter [tilespmem:s24], [sflag:$0x6], $0x3200, s20, s21, $0x38;
	[tilespmem:$0x1BEE0] =	vst v63  }
0x2cb: {  	_ = 	snop  }
0x2cc: {  	[hbm4b:s29+s21] =	stream.strided.scatter [tilespmem:s25], [sflag:$0x6], $0x3200, s20, s21, $0x38;
	[tilespmem:$0x1BEE0] =	vst v63  }
0x2cd: {  	_ =	swait.ge [sflag:s22], $0x6400  }
0x2ce: {  	[sflag:s22] =	ssyncset.done $0x0  }
0x2cf: {  	[sflag:s22] =	ssyncadd.s32 $0xFFFF9C00  }
0x2d0: {  	_ =	swait.ge [sflag:s22], $0x3200  }
0x2d1: {  	[sflag:s22] =	ssyncset.done $0x0  }
0x2d2: {  	[sflag:s22] =	ssyncadd.s32 $0xFFFFCE00  }
0x2d3: {  	_ =	swait.ge [sflag:s22], $0x3200  }
0x2d4: {  	s30 =	sld [smem:$0x7FD];
	_ =	sdelay $0x2  }
0x2d5: {  	s0 =	ssub.s32 $0x2, s30  }
0x2d6: {  	s31 =	sshrl.u32 s0, $0x1  }
0x2d7: {  	s0 =	ssub.s32 s0, s31  }
0x2d8: {  	[sflag:s22] =	ssyncset.done $0x0;
	s0 =	smax.u32 s0, $0x1  }
0x2d9: {  	[sflag:s22] =	ssyncadd.s32 $0xFFFFCE00;
	s31 =	sadd.s32 $0xFFFFFFFF, s0  }
0x2da: {  	_ =	swait.ge [sflag:s28], $0x6400;
	p1 =	sne.s32 s31, $0x0  }
.Ltmp0:
0x2db: {  	[sflag:s28] =	ssyncset.done $0x0;
	(pc) =	sbr.rel @!p1 .LBB2_2-.Ltmp0, $4  }
0x2dc: {  	[sflag:s28] =	ssyncadd.s32 $0xFFFF9C00  }
0x2dd: {  	_ =	swait.ge [sflag:s28], $0x3200  }
0x2de: {  	[sflag:s28] =	ssyncset.done $0x0  }
0x2df: {  	[sflag:s28] =	ssyncadd.s32 $0xFFFFCE00  }
.LBB2_1:
0x2e0: {  	_ =	swait.ge [sflag:s28], $0x3200  }
0x2e1: {  	[sflag:s28] =	ssyncset.done $0x0  }
0x2e2: {  	s0 =	rddreg [dreg:$0x4];
	[sflag:s28] =	ssyncadd.s32 $0xFFFFCE00  }
0x2e3: {  	[spmem:s3], [sflag:s4] =	dma.local @!p0 [hbm:s0], $0xFA0  }
0x2e4: {  	_ =	swait.ge @!p0 [sflag:s5], $0xFA0  }
0x2e5: {  	s29 =	sld [smem:$0x7B9]  }
0x2e6: {  	[sflag:s5] =	ssyncset.done @!p0 $0x0  }
0x2e7: {  	s0 =	rddreg [dreg:$0x5];
	[sflag:s5] =	ssyncadd.s32 @!p0 $0xFFFFF060  }
0x2e8: {  	[spmem:s29], [sflag:s4] =	dma.local @!p0 [hbm:s0], $0xFA0  }
0x2e9: {  	_ =	swait.ge @!p0 [sflag:s5], $0xFA0  }
0x2ea: {  	[sflag:s5] =	ssyncset.done @!p0 $0x0  }
0x2eb: {  	s29 =	rddreg [dreg:$0x6];
	[sflag:s5] =	ssyncadd.s32 @!p0 $0xFFFFF060  }
0x2ec: {  	[tilespmem:s2], [sflag:$0x7] =	stream.linear.gather [hbm4b:s29+s2], $0x1900, $0x38;
	[tilespmem:$0x1BEE0] =	vst v63  }
0x2ed: {  	_ =	swait.ge [sflag:s6], $0x1900  }
0x2ee: {  	[sflag:s6] =	ssyncset.done $0x0  }
0x2ef: {  	[sflag:s6] =	ssyncadd.s32 $0xFFFFE700  }
0x2f0: {  	[bflag:$0x0] =	sbarrier.arrive $0xFFFF  }
0x2f1: {  	[tilespmem:s9], [sflag:$0x1] =	stream.indirect.gather [hbm4b:s7+s8], $0x40, s2, s8, $0xb8;
	[tilespmem:$0x1BEE0] =	vst v63  }
0x2f2: {  	s0 =	rddreg [dreg:$0x7]  }
0x2f3: {  	[tilespmem:s10], [sflag:$0x1] =	stream.linear.gather [hbm4b:s0+s2], $0x190, $0x38;
	[tilespmem:$0x1BEE0] =	vst v63  }
0x2f4: {  	s30 =	rddreg [dreg:$0x8]  }
0x2f5: {  	[tilespmem:s11], [sflag:$0x1] =	stream.linear.gather [hbm4b:s30+s2], $0x190, $0x38;
	[tilespmem:$0x1BEE0] =	vst v63  }
0x2f6: {  	_ = 	snop  }
0x2f7: {  	[tilespmem:s12], [sflag:$0x4] =	stream.indirect.gather [hbm4b:s7+s8], $0x40, s8, s8, $0xb8;
	[tilespmem:$0x1BEE0] =	vst v63  }
0x2f8: {  	s0 =	rddreg [dreg:$0x9]  }
0x2f9: {  	[tilespmem:s13], [sflag:$0x4] =	stream.linear.gather [hbm4b:s0+s2], $0x190, $0x38;
	[tilespmem:$0x1BEE0] =	vst v63  }
0x2fa: {  	s30 =	rddreg [dreg:$0xa]  }
0x2fb: {  	[tilespmem:s14], [sflag:$0x4] =	stream.linear.gather [hbm4b:s30+s2], $0x190, $0x38;
	[tilespmem:$0x1BEE0] =	vst v63  }
0x2fc: {  	_ =	swait.ge [sflag:s15], $0x6400  }
0x2fd: {  	[sflag:s15] =	ssyncset.done $0x0  }
0x2fe: {  	[sflag:s15] =	ssyncadd.s32 $0xFFFF9C00  }
0x2ff: {  	_ =	swait.ge [sflag:s15], $0x190  }
0x300: {  	[sflag:s15] =	ssyncset.done $0x0  }
0x301: {  	[sflag:s15] =	ssyncadd.s32 $0xFFFFFE70  }
0x302: {  	_ =	swait.ge [sflag:s15], $0x190  }
0x303: {  	[sflag:s15] =	ssyncset.done $0x0  }
0x304: {  	[sflag:s15] =	ssyncadd.s32 $0xFFFFFE70  }
0x305: {  	[tilespmem:s16], [sflag:$0x2] =	stream.indirect.gather [spmem:s1], $0x20, s10, s8, $0xb8;
	[tilespmem:$0x1BEE0] =	vst v63  }
0x306: {  	_ = 	snop  }
0x307: {  	[tilespmem:s17], [sflag:$0x2] =	stream.indirect.gather [spmem:s1], $0x20, s11, s8, $0xb8;
	[tilespmem:$0x1BEE0] =	vst v63  }
0x308: {  	_ =	swait.ge [sflag:s18], $0x3200  }
0x309: {  	[sflag:s18] =	ssyncset.done $0x0  }
0x30a: {  	[sflag:s18] =	ssyncadd.s32 $0xFFFFCE00  }
0x30b: {  	_ =	swait.ge [sflag:s18], $0x3200  }
0x30c: {  	[sflag:s18] =	ssyncset.done $0x0  }
0x30d: {  	s0 =	rddreg [dreg:$0xb];
	[sflag:s18] =	ssyncadd.s32 $0xFFFFCE00  }
0x30e: {  	[hbm4b:s0+s19] =	stream.strided.scatter [tilespmem:s9], [sflag:$0x3], $0x6400, s20, s19, $0x38;
	[tilespmem:$0x1BEE0] =	vst v63  }
0x30f: {  	s29 =	rddreg [dreg:$0xc]  }
0x310: {  	[hbm4b:s29+s21] =	stream.strided.scatter [tilespmem:s16], [sflag:$0x3], $0x3200, s20, s21, $0x38;
	[tilespmem:$0x1BEE0] =	vst v63  }
0x311: {  	s30 =	rddreg [dreg:$0xd]  }
0x312: {  	[hbm4b:s30+s21] =	stream.strided.scatter [tilespmem:s17], [sflag:$0x3], $0x3200, s20, s21, $0x38;
	[tilespmem:$0x1BEE0] =	vst v63  }
0x313: {  	_ =	swait.ge [sflag:s22], $0x6400  }
0x314: {  	[sflag:s22] =	ssyncset.done $0x0  }
0x315: {  	[sflag:s22] =	ssyncadd.s32 $0xFFFF9C00  }
0x316: {  	_ =	swait.ge [sflag:s22], $0x3200  }
0x317: {  	[sflag:s22] =	ssyncset.done $0x0  }
0x318: {  	[sflag:s22] =	ssyncadd.s32 $0xFFFFCE00  }
0x319: {  	_ =	swait.ge [sflag:s22], $0x3200  }
0x31a: {  	s0 =	sld [smem:$0x7BA]  }
0x31b: {  	[sflag:s22] =	ssyncset.done $0x0  }
0x31c: {  	[sflag:s22] =	ssyncadd.s32 $0xFFFFCE00  }
0x31d: {  	[tilespmem:s9], [sflag:$0x1] =	stream.indirect.gather [hbm4b:s7+s8], $0x40, s0, s8, $0xb8;
	[tilespmem:$0x1BEE0] =	vst v63  }
0x31e: {  	s29 =	rddreg [dreg:$0xe]  }
0x31f: {  	[tilespmem:s10], [sflag:$0x1] =	stream.linear.gather [hbm4b:s29+s2], $0x190, $0x38;
	[tilespmem:$0x1BEE0] =	vst v63  }
0x320: {  	s30 =	rddreg [dreg:$0xf]  }
0x321: {  	[tilespmem:s11], [sflag:$0x1] =	stream.linear.gather [hbm4b:s30+s2], $0x190, $0x38;
	[tilespmem:$0x1BEE0] =	vst v63  }
0x322: {  	_ =	swait.ge [sflag:s23], $0x6400  }
0x323: {  	[sflag:s23] =	ssyncset.done $0x0  }
0x324: {  	[sflag:s23] =	ssyncadd.s32 $0xFFFF9C00  }
0x325: {  	_ =	swait.ge [sflag:s23], $0x190  }
0x326: {  	[sflag:s23] =	ssyncset.done $0x0  }
0x327: {  	[sflag:s23] =	ssyncadd.s32 $0xFFFFFE70  }
0x328: {  	_ =	swait.ge [sflag:s23], $0x190  }
0x329: {  	[sflag:s23] =	ssyncset.done $0x0  }
0x32a: {  	[sflag:s23] =	ssyncadd.s32 $0xFFFFFE70  }
0x32b: {  	[tilespmem:s24], [sflag:$0x5] =	stream.indirect.gather [spmem:s1], $0x20, s13, s8, $0xb8;
	[tilespmem:$0x1BEE0] =	vst v63  }
0x32c: {  	_ = 	snop  }
0x32d: {  	[tilespmem:s25], [sflag:$0x5] =	stream.indirect.gather [spmem:s1], $0x20, s14, s8, $0xb8;
	[tilespmem:$0x1BEE0] =	vst v63  }
0x32e: {  	_ =	swait.ge [sflag:s26], $0x3200  }
0x32f: {  	[sflag:s26] =	ssyncset.done $0x0  }
0x330: {  	[sflag:s26] =	ssyncadd.s32 $0xFFFFCE00  }
0x331: {  	_ =	swait.ge [sflag:s26], $0x3200  }
0x332: {  	[sflag:s26] =	ssyncset.done $0x0  }
0x333: {  	s0 =	rddreg [dreg:$0x10];
	[sflag:s26] =	ssyncadd.s32 $0xFFFFCE00  }
0x334: {  	[hbm4b:s0+s19] =	stream.strided.scatter [tilespmem:s12], [sflag:$0x6], $0x6400, s20, s19, $0x38;
	[tilespmem:$0x1BEE0] =	vst v63  }
0x335: {  	s29 =	rddreg [dreg:$0x11]  }
0x336: {  	[hbm4b:s29+s21] =	stream.strided.scatter [tilespmem:s24], [sflag:$0x6], $0x3200, s20, s21, $0x38;
	[tilespmem:$0x1BEE0] =	vst v63  }
0x337: {  	s30 =	rddreg [dreg:$0x12]  }
0x338: {  	[hbm4b:s30+s21] =	stream.strided.scatter [tilespmem:s25], [sflag:$0x6], $0x3200, s20, s21, $0x38;
	[tilespmem:$0x1BEE0] =	vst v63  }
0x339: {  	_ =	swait.ge [sflag:s28], $0x6400  }
0x33a: {  	[sflag:s28] =	ssyncset.done $0x0  }
0x33b: {  	[sflag:s28] =	ssyncadd.s32 $0xFFFF9C00  }
0x33c: {  	_ =	swait.ge [sflag:s28], $0x3200  }
0x33d: {  	[sflag:s28] =	ssyncset.done $0x0  }
0x33e: {  	[sflag:s28] =	ssyncadd.s32 $0xFFFFCE00  }
0x33f: {  	_ =	swait.ge [sflag:s28], $0x3200  }
0x340: {  	s0 =	sld [smem:$0x7BB]  }
0x341: {  	[sflag:s28] =	ssyncset.done $0x0  }
0x342: {  	[sflag:s28] =	ssyncadd.s32 $0xFFFFCE00  }
0x343: {  	[tilespmem:s12], [sflag:$0x4] =	stream.indirect.gather [hbm4b:s7+s8], $0x40, s0, s8, $0xb8;
	[tilespmem:$0x1BEE0] =	vst v63  }
0x344: {  	s29 =	rddreg [dreg:$0x13]  }
0x345: {  	[tilespmem:s13], [sflag:$0x4] =	stream.linear.gather [hbm4b:s29+s2], $0x190, $0x38;
	[tilespmem:$0x1BEE0] =	vst v63  }
0x346: {  	s30 =	rddreg [dreg:$0x14]  }
0x347: {  	[tilespmem:s14], [sflag:$0x4] =	stream.linear.gather [hbm4b:s30+s2], $0x190, $0x38;
	[tilespmem:$0x1BEE0] =	vst v63  }
0x348: {  	_ =	swait.ge [sflag:s15], $0x6400  }
0x349: {  	[sflag:s15] =	ssyncset.done $0x0  }
0x34a: {  	[sflag:s15] =	ssyncadd.s32 $0xFFFF9C00  }
0x34b: {  	_ =	swait.ge [sflag:s15], $0x190  }
0x34c: {  	[sflag:s15] =	ssyncset.done $0x0  }
0x34d: {  	[sflag:s15] =	ssyncadd.s32 $0xFFFFFE70  }
0x34e: {  	_ =	swait.ge [sflag:s15], $0x190  }
0x34f: {  	[sflag:s15] =	ssyncset.done $0x0  }
0x350: {  	[sflag:s15] =	ssyncadd.s32 $0xFFFFFE70  }
0x351: {  	[tilespmem:s16], [sflag:$0x2] =	stream.indirect.gather [spmem:s1], $0x20, s10, s8, $0xb8;
	[tilespmem:$0x1BEE0] =	vst v63  }
0x352: {  	_ = 	snop  }
0x353: {  	[tilespmem:s17], [sflag:$0x2] =	stream.indirect.gather [spmem:s1], $0x20, s11, s8, $0xb8;
	[tilespmem:$0x1BEE0] =	vst v63  }
0x354: {  	_ =	swait.ge [sflag:s18], $0x3200  }
0x355: {  	[sflag:s18] =	ssyncset.done $0x0  }
0x356: {  	[sflag:s18] =	ssyncadd.s32 $0xFFFFCE00  }
0x357: {  	_ =	swait.ge [sflag:s18], $0x3200  }
0x358: {  	[sflag:s18] =	ssyncset.done $0x0  }
0x359: {  	s0 =	rddreg [dreg:$0x15];
	[sflag:s18] =	ssyncadd.s32 $0xFFFFCE00  }
0x35a: {  	[hbm4b:s0+s19] =	stream.strided.scatter [tilespmem:s9], [sflag:$0x3], $0x6400, s20, s19, $0x38;
	[tilespmem:$0x1BEE0] =	vst v63  }
0x35b: {  	s29 =	rddreg [dreg:$0x16]  }
0x35c: {  	[hbm4b:s29+s21] =	stream.strided.scatter [tilespmem:s16], [sflag:$0x3], $0x3200, s20, s21, $0x38;
	[tilespmem:$0x1BEE0] =	vst v63  }
0x35d: {  	s30 =	rddreg [dreg:$0x17]  }
0x35e: {  	[hbm4b:s30+s21] =	stream.strided.scatter [tilespmem:s17], [sflag:$0x3], $0x3200, s20, s21, $0x38;
	[tilespmem:$0x1BEE0] =	vst v63  }
0x35f: {  	_ =	swait.ge [sflag:s22], $0x6400  }
0x360: {  	[sflag:s22] =	ssyncset.done $0x0  }
0x361: {  	[sflag:s22] =	ssyncadd.s32 $0xFFFF9C00  }
0x362: {  	_ =	swait.ge [sflag:s22], $0x3200  }
0x363: {  	[sflag:s22] =	ssyncset.done $0x0  }
0x364: {  	[sflag:s22] =	ssyncadd.s32 $0xFFFFCE00  }
0x365: {  	_ =	swait.ge [sflag:s22], $0x3200  }
0x366: {  	s0 =	sld [smem:$0x7BC]  }
0x367: {  	[sflag:s22] =	ssyncset.done $0x0  }
0x368: {  	[sflag:s22] =	ssyncadd.s32 $0xFFFFCE00  }
0x369: {  	[tilespmem:s9], [sflag:$0x1] =	stream.indirect.gather [hbm4b:s7+s8], $0x40, s0, s8, $0xb8;
	[tilespmem:$0x1BEE0] =	vst v63  }
0x36a: {  	s29 =	rddreg [dreg:$0x18]  }
0x36b: {  	[tilespmem:s10], [sflag:$0x1] =	stream.linear.gather [hbm4b:s29+s2], $0x190, $0x38;
	[tilespmem:$0x1BEE0] =	vst v63  }
0x36c: {  	s30 =	rddreg [dreg:$0x19]  }
0x36d: {  	[tilespmem:s11], [sflag:$0x1] =	stream.linear.gather [hbm4b:s30+s2], $0x190, $0x38;
	[tilespmem:$0x1BEE0] =	vst v63  }
0x36e: {  	_ =	swait.ge [sflag:s23], $0x6400  }
0x36f: {  	[sflag:s23] =	ssyncset.done $0x0  }
0x370: {  	[sflag:s23] =	ssyncadd.s32 $0xFFFF9C00  }
0x371: {  	_ =	swait.ge [sflag:s23], $0x190  }
0x372: {  	[sflag:s23] =	ssyncset.done $0x0  }
0x373: {  	[sflag:s23] =	ssyncadd.s32 $0xFFFFFE70  }
0x374: {  	_ =	swait.ge [sflag:s23], $0x190  }
0x375: {  	[sflag:s23] =	ssyncset.done $0x0  }
0x376: {  	[sflag:s23] =	ssyncadd.s32 $0xFFFFFE70  }
0x377: {  	[tilespmem:s24], [sflag:$0x5] =	stream.indirect.gather [spmem:s1], $0x20, s13, s8, $0xb8;
	[tilespmem:$0x1BEE0] =	vst v63  }
0x378: {  	_ = 	snop  }
0x379: {  	[tilespmem:s25], [sflag:$0x5] =	stream.indirect.gather [spmem:s1], $0x20, s14, s8, $0xb8;
	[tilespmem:$0x1BEE0] =	vst v63  }
0x37a: {  	_ =	swait.ge [sflag:s26], $0x3200  }
0x37b: {  	[sflag:s26] =	ssyncset.done $0x0  }
0x37c: {  	[sflag:s26] =	ssyncadd.s32 $0xFFFFCE00  }
0x37d: {  	_ =	swait.ge [sflag:s26], $0x3200  }
0x37e: {  	[sflag:s26] =	ssyncset.done $0x0  }
0x37f: {  	s0 =	rddreg [dreg:$0x1a];
	[sflag:s26] =	ssyncadd.s32 $0xFFFFCE00  }
0x380: {  	[hbm4b:s0+s19] =	stream.strided.scatter [tilespmem:s12], [sflag:$0x6], $0x6400, s20, s19, $0x38;
	[tilespmem:$0x1BEE0] =	vst v63  }
0x381: {  	s29 =	rddreg [dreg:$0x1b]  }
0x382: {  	[hbm4b:s29+s21] =	stream.strided.scatter [tilespmem:s24], [sflag:$0x6], $0x3200, s20, s21, $0x38;
	[tilespmem:$0x1BEE0] =	vst v63  }
0x383: {  	s30 =	rddreg [dreg:$0x1c]  }
0x384: {  	[hbm4b:s30+s21] =	stream.strided.scatter [tilespmem:s25], [sflag:$0x6], $0x3200, s20, s21, $0x38;
	[tilespmem:$0x1BEE0] =	vst v63  }
0x385: {  	_ =	swait.ge [sflag:s28], $0x6400  }
0x386: {  	[sflag:s28] =	ssyncset.done $0x0  }
0x387: {  	[sflag:s28] =	ssyncadd.s32 $0xFFFF9C00  }
0x388: {  	_ =	swait.ge [sflag:s28], $0x3200  }
0x389: {  	[sflag:s28] =	ssyncset.done $0x0  }
0x38a: {  	[sflag:s28] =	ssyncadd.s32 $0xFFFFCE00  }
0x38b: {  	_ =	swait.ge [sflag:s28], $0x3200  }
0x38c: {  	s0 =	sld [smem:$0x7BD]  }
0x38d: {  	[sflag:s28] =	ssyncset.done $0x0  }
0x38e: {  	[sflag:s28] =	ssyncadd.s32 $0xFFFFCE00  }
0x38f: {  	[tilespmem:s12], [sflag:$0x4] =	stream.indirect.gather [hbm4b:s7+s8], $0x40, s0, s8, $0xb8;
	[tilespmem:$0x1BEE0] =	vst v63  }
0x390: {  	s29 =	rddreg [dreg:$0x1d]  }
0x391: {  	[tilespmem:s13], [sflag:$0x4] =	stream.linear.gather [hbm4b:s29+s2], $0x190, $0x38;
	[tilespmem:$0x1BEE0] =	vst v63  }
0x392: {  	s30 =	rddreg [dreg:$0x1e]  }
0x393: {  	[tilespmem:s14], [sflag:$0x4] =	stream.linear.gather [hbm4b:s30+s2], $0x190, $0x38;
	[tilespmem:$0x1BEE0] =	vst v63  }
0x394: {  	_ =	swait.ge [sflag:s15], $0x6400  }
0x395: {  	[sflag:s15] =	ssyncset.done $0x0  }
0x396: {  	[sflag:s15] =	ssyncadd.s32 $0xFFFF9C00  }
0x397: {  	_ =	swait.ge [sflag:s15], $0x190  }
0x398: {  	[sflag:s15] =	ssyncset.done $0x0  }
0x399: {  	[sflag:s15] =	ssyncadd.s32 $0xFFFFFE70  }
0x39a: {  	_ =	swait.ge [sflag:s15], $0x190  }
0x39b: {  	[sflag:s15] =	ssyncset.done $0x0  }
0x39c: {  	[sflag:s15] =	ssyncadd.s32 $0xFFFFFE70  }
0x39d: {  	[tilespmem:s16], [sflag:$0x2] =	stream.indirect.gather [spmem:s1], $0x20, s10, s8, $0xb8;
	[tilespmem:$0x1BEE0] =	vst v63  }
0x39e: {  	_ = 	snop  }
0x39f: {  	[tilespmem:s17], [sflag:$0x2] =	stream.indirect.gather [spmem:s1], $0x20, s11, s8, $0xb8;
	[tilespmem:$0x1BEE0] =	vst v63  }
0x3a0: {  	_ =	swait.ge [sflag:s18], $0x3200  }
0x3a1: {  	[sflag:s18] =	ssyncset.done $0x0  }
0x3a2: {  	[sflag:s18] =	ssyncadd.s32 $0xFFFFCE00  }
0x3a3: {  	_ =	swait.ge [sflag:s18], $0x3200  }
0x3a4: {  	[sflag:s18] =	ssyncset.done $0x0;
	s0 =	rddreg [dreg:$0x1f]  }
0x3a5: {  	s29 =	sld [smem:$0x7BE];
	[sflag:s18] =	ssyncadd.s32 $0xFFFFCE00  }
0x3a6: {  	[hbm4b:s0+s19] =	stream.strided.scatter [tilespmem:s9], [sflag:$0x3], $0x6400, s20, s19, $0x38;
	[tilespmem:$0x1BEE0] =	vst v63  }
0x3a7: {  	s30 =	sld [smem:$0x7BF]  }
0x3a8: {  	[hbm4b:s29+s21] =	stream.strided.scatter [tilespmem:s16], [sflag:$0x3], $0x3200, s20, s21, $0x38;
	[tilespmem:$0x1BEE0] =	vst v63  }
0x3a9: {  	_ = 	snop  }
0x3aa: {  	[hbm4b:s30+s21] =	stream.strided.scatter [tilespmem:s17], [sflag:$0x3], $0x3200, s20, s21, $0x38;
	[tilespmem:$0x1BEE0] =	vst v63  }
0x3ab: {  	_ =	swait.ge [sflag:s22], $0x6400  }
0x3ac: {  	[sflag:s22] =	ssyncset.done $0x0  }
0x3ad: {  	[sflag:s22] =	ssyncadd.s32 $0xFFFF9C00  }
0x3ae: {  	_ =	swait.ge [sflag:s22], $0x3200  }
0x3af: {  	[sflag:s22] =	ssyncset.done $0x0  }
0x3b0: {  	[sflag:s22] =	ssyncadd.s32 $0xFFFFCE00  }
0x3b1: {  	_ =	swait.ge [sflag:s22], $0x3200  }
0x3b2: {  	s0 =	sld [smem:$0x7C0]  }
0x3b3: {  	[sflag:s22] =	ssyncset.done $0x0  }
0x3b4: {  	s29 =	sld [smem:$0x7C1];
	[sflag:s22] =	ssyncadd.s32 $0xFFFFCE00  }
0x3b5: {  	[tilespmem:s9], [sflag:$0x1] =	stream.indirect.gather [hbm4b:s7+s8], $0x40, s0, s8, $0xb8;
	[tilespmem:$0x1BEE0] =	vst v63  }
0x3b6: {  	s30 =	sld [smem:$0x7C2]  }
0x3b7: {  	[tilespmem:s10], [sflag:$0x1] =	stream.linear.gather [hbm4b:s29+s2], $0x190, $0x38;
	[tilespmem:$0x1BEE0] =	vst v63  }
0x3b8: {  	_ = 	snop  }
0x3b9: {  	[tilespmem:s11], [sflag:$0x1] =	stream.linear.gather [hbm4b:s30+s2], $0x190, $0x38;
	[tilespmem:$0x1BEE0] =	vst v63  }
0x3ba: {  	_ =	swait.ge [sflag:s23], $0x6400  }
0x3bb: {  	[sflag:s23] =	ssyncset.done $0x0  }
0x3bc: {  	[sflag:s23] =	ssyncadd.s32 $0xFFFF9C00  }
0x3bd: {  	_ =	swait.ge [sflag:s23], $0x190  }
0x3be: {  	[sflag:s23] =	ssyncset.done $0x0  }
0x3bf: {  	[sflag:s23] =	ssyncadd.s32 $0xFFFFFE70  }
0x3c0: {  	_ =	swait.ge [sflag:s23], $0x190  }
0x3c1: {  	[sflag:s23] =	ssyncset.done $0x0  }
0x3c2: {  	[sflag:s23] =	ssyncadd.s32 $0xFFFFFE70  }
0x3c3: {  	[tilespmem:s24], [sflag:$0x5] =	stream.indirect.gather [spmem:s1], $0x20, s13, s8, $0xb8;
	[tilespmem:$0x1BEE0] =	vst v63  }
0x3c4: {  	_ = 	snop  }
0x3c5: {  	[tilespmem:s25], [sflag:$0x5] =	stream.indirect.gather [spmem:s1], $0x20, s14, s8, $0xb8;
	[tilespmem:$0x1BEE0] =	vst v63  }
0x3c6: {  	_ =	swait.ge [sflag:s26], $0x3200  }
0x3c7: {  	[sflag:s26] =	ssyncset.done $0x0  }
0x3c8: {  	[sflag:s26] =	ssyncadd.s32 $0xFFFFCE00  }
0x3c9: {  	_ =	swait.ge [sflag:s26], $0x3200  }
0x3ca: {  	s0 =	sld [smem:$0x7C3]  }
0x3cb: {  	[sflag:s26] =	ssyncset.done $0x0  }
0x3cc: {  	s29 =	sld [smem:$0x7C4];
	[sflag:s26] =	ssyncadd.s32 $0xFFFFCE00  }
0x3cd: {  	[hbm4b:s0+s19] =	stream.strided.scatter [tilespmem:s12], [sflag:$0x6], $0x6400, s20, s19, $0x38;
	[tilespmem:$0x1BEE0] =	vst v63  }
0x3ce: {  	s30 =	sld [smem:$0x7C5]  }
0x3cf: {  	[hbm4b:s29+s21] =	stream.strided.scatter [tilespmem:s24], [sflag:$0x6], $0x3200, s20, s21, $0x38;
	[tilespmem:$0x1BEE0] =	vst v63  }
0x3d0: {  	_ = 	snop  }
0x3d1: {  	[hbm4b:s30+s21] =	stream.strided.scatter [tilespmem:s25], [sflag:$0x6], $0x3200, s20, s21, $0x38;
	[tilespmem:$0x1BEE0] =	vst v63  }
0x3d2: {  	_ =	swait.ge [sflag:s28], $0x6400  }
0x3d3: {  	[sflag:s28] =	ssyncset.done $0x0  }
0x3d4: {  	[sflag:s28] =	ssyncadd.s32 $0xFFFF9C00  }
0x3d5: {  	_ =	swait.ge [sflag:s28], $0x3200  }
0x3d6: {  	[sflag:s28] =	ssyncset.done $0x0  }
0x3d7: {  	[sflag:s28] =	ssyncadd.s32 $0xFFFFCE00  }
0x3d8: {  	_ =	swait.ge [sflag:s28], $0x3200  }
0x3d9: {  	s0 =	sld [smem:$0x7C6]  }
0x3da: {  	[sflag:s28] =	ssyncset.done $0x0  }
0x3db: {  	s29 =	sld [smem:$0x7C7];
	[sflag:s28] =	ssyncadd.s32 $0xFFFFCE00  }
0x3dc: {  	[tilespmem:s12], [sflag:$0x4] =	stream.indirect.gather [hbm4b:s7+s8], $0x40, s0, s8, $0xb8;
	[tilespmem:$0x1BEE0] =	vst v63  }
0x3dd: {  	s30 =	sld [smem:$0x7C8]  }
0x3de: {  	[tilespmem:s13], [sflag:$0x4] =	stream.linear.gather [hbm4b:s29+s2], $0x190, $0x38;
	[tilespmem:$0x1BEE0] =	vst v63  }
0x3df: {  	_ = 	snop  }
0x3e0: {  	[tilespmem:s14], [sflag:$0x4] =	stream.linear.gather [hbm4b:s30+s2], $0x190, $0x38;
	[tilespmem:$0x1BEE0] =	vst v63  }
0x3e1: {  	_ =	swait.ge [sflag:s15], $0x6400  }
0x3e2: {  	[sflag:s15] =	ssyncset.done $0x0  }
0x3e3: {  	[sflag:s15] =	ssyncadd.s32 $0xFFFF9C00  }
0x3e4: {  	_ =	swait.ge [sflag:s15], $0x190  }
0x3e5: {  	[sflag:s15] =	ssyncset.done $0x0  }
0x3e6: {  	[sflag:s15] =	ssyncadd.s32 $0xFFFFFE70  }
0x3e7: {  	_ =	swait.ge [sflag:s15], $0x190  }
0x3e8: {  	[sflag:s15] =	ssyncset.done $0x0  }
0x3e9: {  	[sflag:s15] =	ssyncadd.s32 $0xFFFFFE70  }
0x3ea: {  	[tilespmem:s16], [sflag:$0x2] =	stream.indirect.gather [spmem:s1], $0x20, s10, s8, $0xb8;
	[tilespmem:$0x1BEE0] =	vst v63  }
0x3eb: {  	_ = 	snop  }
0x3ec: {  	[tilespmem:s17], [sflag:$0x2] =	stream.indirect.gather [spmem:s1], $0x20, s11, s8, $0xb8;
	[tilespmem:$0x1BEE0] =	vst v63  }
0x3ed: {  	_ =	swait.ge [sflag:s18], $0x3200  }
0x3ee: {  	[sflag:s18] =	ssyncset.done $0x0  }
0x3ef: {  	[sflag:s18] =	ssyncadd.s32 $0xFFFFCE00  }
0x3f0: {  	_ =	swait.ge [sflag:s18], $0x3200  }
0x3f1: {  	s0 =	sld [smem:$0x7C9]  }
0x3f2: {  	[sflag:s18] =	ssyncset.done $0x0  }
0x3f3: {  	s29 =	sld [smem:$0x7CA];
	[sflag:s18] =	ssyncadd.s32 $0xFFFFCE00  }
0x3f4: {  	[hbm4b:s0+s19] =	stream.strided.scatter [tilespmem:s9], [sflag:$0x3], $0x6400, s20, s19, $0x38;
	[tilespmem:$0x1BEE0] =	vst v63  }
0x3f5: {  	s30 =	sld [smem:$0x7CB]  }
0x3f6: {  	[hbm4b:s29+s21] =	stream.strided.scatter [tilespmem:s16], [sflag:$0x3], $0x3200, s20, s21, $0x38;
	[tilespmem:$0x1BEE0] =	vst v63  }
0x3f7: {  	_ = 	snop  }
0x3f8: {  	[hbm4b:s30+s21] =	stream.strided.scatter [tilespmem:s17], [sflag:$0x3], $0x3200, s20, s21, $0x38;
	[tilespmem:$0x1BEE0] =	vst v63  }
0x3f9: {  	_ =	swait.ge [sflag:s22], $0x6400  }
0x3fa: {  	[sflag:s22] =	ssyncset.done $0x0  }
0x3fb: {  	[sflag:s22] =	ssyncadd.s32 $0xFFFF9C00  }
0x3fc: {  	_ =	swait.ge [sflag:s22], $0x3200  }
0x3fd: {  	[sflag:s22] =	ssyncset.done $0x0  }
0x3fe: {  	[sflag:s22] =	ssyncadd.s32 $0xFFFFCE00  }
0x3ff: {  	_ =	swait.ge [sflag:s22], $0x3200  }
0x400: {  	s0 =	sld [smem:$0x7CC]  }
0x401: {  	[sflag:s22] =	ssyncset.done $0x0  }
0x402: {  	s29 =	sld [smem:$0x7CD];
	[sflag:s22] =	ssyncadd.s32 $0xFFFFCE00  }
0x403: {  	[tilespmem:s9], [sflag:$0x1] =	stream.indirect.gather [hbm4b:s7+s8], $0x40, s0, s8, $0xb8;
	[tilespmem:$0x1BEE0] =	vst v63  }
0x404: {  	s30 =	sld [smem:$0x7CE]  }
0x405: {  	[tilespmem:s10], [sflag:$0x1] =	stream.linear.gather [hbm4b:s29+s2], $0x190, $0x38;
	[tilespmem:$0x1BEE0] =	vst v63  }
0x406: {  	_ = 	snop  }
0x407: {  	[tilespmem:s11], [sflag:$0x1] =	stream.linear.gather [hbm4b:s30+s2], $0x190, $0x38;
	[tilespmem:$0x1BEE0] =	vst v63  }
0x408: {  	_ =	swait.ge [sflag:s23], $0x6400  }
0x409: {  	[sflag:s23] =	ssyncset.done $0x0  }
0x40a: {  	[sflag:s23] =	ssyncadd.s32 $0xFFFF9C00  }
0x40b: {  	_ =	swait.ge [sflag:s23], $0x190  }
0x40c: {  	[sflag:s23] =	ssyncset.done $0x0  }
0x40d: {  	[sflag:s23] =	ssyncadd.s32 $0xFFFFFE70  }
0x40e: {  	_ =	swait.ge [sflag:s23], $0x190  }
0x40f: {  	[sflag:s23] =	ssyncset.done $0x0  }
0x410: {  	[sflag:s23] =	ssyncadd.s32 $0xFFFFFE70  }
0x411: {  	[tilespmem:s24], [sflag:$0x5] =	stream.indirect.gather [spmem:s1], $0x20, s13, s8, $0xb8;
	[tilespmem:$0x1BEE0] =	vst v63  }
0x412: {  	_ = 	snop  }
0x413: {  	[tilespmem:s25], [sflag:$0x5] =	stream.indirect.gather [spmem:s1], $0x20, s14, s8, $0xb8;
	[tilespmem:$0x1BEE0] =	vst v63  }
0x414: {  	_ =	swait.ge [sflag:s26], $0x3200  }
0x415: {  	[sflag:s26] =	ssyncset.done $0x0  }
0x416: {  	[sflag:s26] =	ssyncadd.s32 $0xFFFFCE00  }
0x417: {  	_ =	swait.ge [sflag:s26], $0x3200  }
0x418: {  	s0 =	sld [smem:$0x7CF]  }
0x419: {  	[sflag:s26] =	ssyncset.done $0x0  }
0x41a: {  	s29 =	sld [smem:$0x7D0];
	[sflag:s26] =	ssyncadd.s32 $0xFFFFCE00  }
0x41b: {  	[hbm4b:s0+s19] =	stream.strided.scatter [tilespmem:s12], [sflag:$0x6], $0x6400, s20, s19, $0x38;
	[tilespmem:$0x1BEE0] =	vst v63  }
0x41c: {  	s30 =	sld [smem:$0x7D1]  }
0x41d: {  	[hbm4b:s29+s21] =	stream.strided.scatter [tilespmem:s24], [sflag:$0x6], $0x3200, s20, s21, $0x38;
	[tilespmem:$0x1BEE0] =	vst v63  }
0x41e: {  	_ = 	snop  }
0x41f: {  	[hbm4b:s30+s21] =	stream.strided.scatter [tilespmem:s25], [sflag:$0x6], $0x3200, s20, s21, $0x38;
	[tilespmem:$0x1BEE0] =	vst v63  }
0x420: {  	_ =	swait.ge [sflag:s28], $0x6400  }
0x421: {  	[sflag:s28] =	ssyncset.done $0x0  }
0x422: {  	[sflag:s28] =	ssyncadd.s32 $0xFFFF9C00  }
0x423: {  	_ =	swait.ge [sflag:s28], $0x3200  }
0x424: {  	[sflag:s28] =	ssyncset.done $0x0  }
0x425: {  	[sflag:s28] =	ssyncadd.s32 $0xFFFFCE00  }
0x426: {  	_ =	swait.ge [sflag:s28], $0x3200  }
0x427: {  	s0 =	sld [smem:$0x7D2]  }
0x428: {  	[sflag:s28] =	ssyncset.done $0x0  }
0x429: {  	s29 =	sld [smem:$0x7D3];
	[sflag:s28] =	ssyncadd.s32 $0xFFFFCE00  }
0x42a: {  	[tilespmem:s12], [sflag:$0x4] =	stream.indirect.gather [hbm4b:s7+s8], $0x40, s0, s8, $0xb8;
	[tilespmem:$0x1BEE0] =	vst v63  }
0x42b: {  	s30 =	sld [smem:$0x7D4]  }
0x42c: {  	[tilespmem:s13], [sflag:$0x4] =	stream.linear.gather [hbm4b:s29+s2], $0x190, $0x38;
	[tilespmem:$0x1BEE0] =	vst v63  }
0x42d: {  	_ = 	snop  }
0x42e: {  	[tilespmem:s14], [sflag:$0x4] =	stream.linear.gather [hbm4b:s30+s2], $0x190, $0x38;
	[tilespmem:$0x1BEE0] =	vst v63  }
0x42f: {  	_ =	swait.ge [sflag:s15], $0x6400  }
0x430: {  	[sflag:s15] =	ssyncset.done $0x0  }
0x431: {  	[sflag:s15] =	ssyncadd.s32 $0xFFFF9C00  }
0x432: {  	_ =	swait.ge [sflag:s15], $0x190  }
0x433: {  	[sflag:s15] =	ssyncset.done $0x0  }
0x434: {  	[sflag:s15] =	ssyncadd.s32 $0xFFFFFE70  }
0x435: {  	_ =	swait.ge [sflag:s15], $0x190  }
0x436: {  	[sflag:s15] =	ssyncset.done $0x0  }
0x437: {  	[sflag:s15] =	ssyncadd.s32 $0xFFFFFE70  }
0x438: {  	[tilespmem:s16], [sflag:$0x2] =	stream.indirect.gather [spmem:s1], $0x20, s10, s8, $0xb8;
	[tilespmem:$0x1BEE0] =	vst v63  }
0x439: {  	_ = 	snop  }
0x43a: {  	[tilespmem:s17], [sflag:$0x2] =	stream.indirect.gather [spmem:s1], $0x20, s11, s8, $0xb8;
	[tilespmem:$0x1BEE0] =	vst v63  }
0x43b: {  	_ =	swait.ge [sflag:s18], $0x3200  }
0x43c: {  	[sflag:s18] =	ssyncset.done $0x0  }
0x43d: {  	[sflag:s18] =	ssyncadd.s32 $0xFFFFCE00  }
0x43e: {  	_ =	swait.ge [sflag:s18], $0x3200  }
0x43f: {  	s0 =	sld [smem:$0x7D5]  }
0x440: {  	[sflag:s18] =	ssyncset.done $0x0  }
0x441: {  	s29 =	sld [smem:$0x7D6];
	[sflag:s18] =	ssyncadd.s32 $0xFFFFCE00  }
0x442: {  	[hbm4b:s0+s19] =	stream.strided.scatter [tilespmem:s9], [sflag:$0x3], $0x6400, s20, s19, $0x38;
	[tilespmem:$0x1BEE0] =	vst v63  }
0x443: {  	s30 =	sld [smem:$0x7D7]  }
0x444: {  	[hbm4b:s29+s21] =	stream.strided.scatter [tilespmem:s16], [sflag:$0x3], $0x3200, s20, s21, $0x38;
	[tilespmem:$0x1BEE0] =	vst v63  }
0x445: {  	_ = 	snop  }
0x446: {  	[hbm4b:s30+s21] =	stream.strided.scatter [tilespmem:s17], [sflag:$0x3], $0x3200, s20, s21, $0x38;
	[tilespmem:$0x1BEE0] =	vst v63  }
0x447: {  	_ =	swait.ge [sflag:s22], $0x6400  }
0x448: {  	[sflag:s22] =	ssyncset.done $0x0  }
0x449: {  	[sflag:s22] =	ssyncadd.s32 $0xFFFF9C00  }
0x44a: {  	_ =	swait.ge [sflag:s22], $0x3200  }
0x44b: {  	[sflag:s22] =	ssyncset.done $0x0  }
0x44c: {  	[sflag:s22] =	ssyncadd.s32 $0xFFFFCE00  }
0x44d: {  	_ =	swait.ge [sflag:s22], $0x3200  }
0x44e: {  	s0 =	sld [smem:$0x7D8]  }
0x44f: {  	[sflag:s22] =	ssyncset.done $0x0  }
0x450: {  	s29 =	sld [smem:$0x7D9];
	[sflag:s22] =	ssyncadd.s32 $0xFFFFCE00  }
0x451: {  	[tilespmem:s9], [sflag:$0x1] =	stream.indirect.gather [hbm4b:s7+s8], $0x40, s0, s8, $0xb8;
	[tilespmem:$0x1BEE0] =	vst v63  }
0x452: {  	s30 =	sld [smem:$0x7DA]  }
0x453: {  	[tilespmem:s10], [sflag:$0x1] =	stream.linear.gather [hbm4b:s29+s2], $0x190, $0x38;
	[tilespmem:$0x1BEE0] =	vst v63  }
0x454: {  	_ = 	snop  }
0x455: {  	[tilespmem:s11], [sflag:$0x1] =	stream.linear.gather [hbm4b:s30+s2], $0x190, $0x38;
	[tilespmem:$0x1BEE0] =	vst v63  }
0x456: {  	_ =	swait.ge [sflag:s23], $0x6400  }
0x457: {  	[sflag:s23] =	ssyncset.done $0x0  }
0x458: {  	[sflag:s23] =	ssyncadd.s32 $0xFFFF9C00  }
0x459: {  	_ =	swait.ge [sflag:s23], $0x190  }
0x45a: {  	[sflag:s23] =	ssyncset.done $0x0  }
0x45b: {  	[sflag:s23] =	ssyncadd.s32 $0xFFFFFE70  }
0x45c: {  	_ =	swait.ge [sflag:s23], $0x190  }
0x45d: {  	[sflag:s23] =	ssyncset.done $0x0  }
0x45e: {  	[sflag:s23] =	ssyncadd.s32 $0xFFFFFE70  }
0x45f: {  	[tilespmem:s24], [sflag:$0x5] =	stream.indirect.gather [spmem:s1], $0x20, s13, s8, $0xb8;
	[tilespmem:$0x1BEE0] =	vst v63  }
0x460: {  	_ = 	snop  }
0x461: {  	[tilespmem:s25], [sflag:$0x5] =	stream.indirect.gather [spmem:s1], $0x20, s14, s8, $0xb8;
	[tilespmem:$0x1BEE0] =	vst v63  }
0x462: {  	_ =	swait.ge [sflag:s26], $0x3200  }
0x463: {  	[sflag:s26] =	ssyncset.done $0x0  }
0x464: {  	[sflag:s26] =	ssyncadd.s32 $0xFFFFCE00  }
0x465: {  	_ =	swait.ge [sflag:s26], $0x3200  }
0x466: {  	s0 =	sld [smem:$0x7DB]  }
0x467: {  	[sflag:s26] =	ssyncset.done $0x0  }
0x468: {  	s29 =	sld [smem:$0x7DC];
	[sflag:s26] =	ssyncadd.s32 $0xFFFFCE00  }
0x469: {  	[hbm4b:s0+s19] =	stream.strided.scatter [tilespmem:s12], [sflag:$0x6], $0x6400, s20, s19, $0x38;
	[tilespmem:$0x1BEE0] =	vst v63  }
0x46a: {  	s30 =	sld [smem:$0x7DD]  }
0x46b: {  	[hbm4b:s29+s21] =	stream.strided.scatter [tilespmem:s24], [sflag:$0x6], $0x3200, s20, s21, $0x38;
	[tilespmem:$0x1BEE0] =	vst v63  }
0x46c: {  	_ = 	snop  }
0x46d: {  	[hbm4b:s30+s21] =	stream.strided.scatter [tilespmem:s25], [sflag:$0x6], $0x3200, s20, s21, $0x38;
	[tilespmem:$0x1BEE0] =	vst v63  }
0x46e: {  	_ =	swait.ge [sflag:s28], $0x6400  }
0x46f: {  	[sflag:s28] =	ssyncset.done $0x0  }
0x470: {  	[sflag:s28] =	ssyncadd.s32 $0xFFFF9C00  }
0x471: {  	_ =	swait.ge [sflag:s28], $0x3200  }
0x472: {  	[sflag:s28] =	ssyncset.done $0x0  }
0x473: {  	[sflag:s28] =	ssyncadd.s32 $0xFFFFCE00  }
0x474: {  	_ =	swait.ge [sflag:s28], $0x3200  }
0x475: {  	s0 =	sld [smem:$0x7DE]  }
0x476: {  	[sflag:s28] =	ssyncset.done $0x0  }
0x477: {  	s29 =	sld [smem:$0x7DF];
	[sflag:s28] =	ssyncadd.s32 $0xFFFFCE00  }
0x478: {  	[tilespmem:s12], [sflag:$0x4] =	stream.indirect.gather [hbm4b:s7+s8], $0x40, s0, s8, $0xb8;
	[tilespmem:$0x1BEE0] =	vst v63  }
0x479: {  	s30 =	sld [smem:$0x7E0]  }
0x47a: {  	[tilespmem:s13], [sflag:$0x4] =	stream.linear.gather [hbm4b:s29+s2], $0x190, $0x38;
	[tilespmem:$0x1BEE0] =	vst v63  }
0x47b: {  	_ = 	snop  }
0x47c: {  	[tilespmem:s14], [sflag:$0x4] =	stream.linear.gather [hbm4b:s30+s2], $0x190, $0x38;
	[tilespmem:$0x1BEE0] =	vst v63  }
0x47d: {  	_ =	swait.ge [sflag:s15], $0x6400  }
0x47e: {  	[sflag:s15] =	ssyncset.done $0x0  }
0x47f: {  	[sflag:s15] =	ssyncadd.s32 $0xFFFF9C00  }
0x480: {  	_ =	swait.ge [sflag:s15], $0x190  }
0x481: {  	[sflag:s15] =	ssyncset.done $0x0  }
0x482: {  	[sflag:s15] =	ssyncadd.s32 $0xFFFFFE70  }
0x483: {  	_ =	swait.ge [sflag:s15], $0x190  }
0x484: {  	[sflag:s15] =	ssyncset.done $0x0  }
0x485: {  	[sflag:s15] =	ssyncadd.s32 $0xFFFFFE70  }
0x486: {  	[tilespmem:s16], [sflag:$0x2] =	stream.indirect.gather [spmem:s1], $0x20, s10, s8, $0xb8;
	[tilespmem:$0x1BEE0] =	vst v63  }
0x487: {  	_ = 	snop  }
0x488: {  	[tilespmem:s17], [sflag:$0x2] =	stream.indirect.gather [spmem:s1], $0x20, s11, s8, $0xb8;
	[tilespmem:$0x1BEE0] =	vst v63  }
0x489: {  	_ =	swait.ge [sflag:s18], $0x3200  }
0x48a: {  	[sflag:s18] =	ssyncset.done $0x0  }
0x48b: {  	[sflag:s18] =	ssyncadd.s32 $0xFFFFCE00  }
0x48c: {  	_ =	swait.ge [sflag:s18], $0x3200  }
0x48d: {  	s0 =	sld [smem:$0x7E1]  }
0x48e: {  	[sflag:s18] =	ssyncset.done $0x0  }
0x48f: {  	s29 =	sld [smem:$0x7E2];
	[sflag:s18] =	ssyncadd.s32 $0xFFFFCE00  }
0x490: {  	[hbm4b:s0+s19] =	stream.strided.scatter [tilespmem:s9], [sflag:$0x3], $0x6400, s20, s19, $0x38;
	[tilespmem:$0x1BEE0] =	vst v63  }
0x491: {  	s30 =	sld [smem:$0x7E3]  }
0x492: {  	[hbm4b:s29+s21] =	stream.strided.scatter [tilespmem:s16], [sflag:$0x3], $0x3200, s20, s21, $0x38;
	[tilespmem:$0x1BEE0] =	vst v63  }
0x493: {  	_ = 	snop  }
0x494: {  	[hbm4b:s30+s21] =	stream.strided.scatter [tilespmem:s17], [sflag:$0x3], $0x3200, s20, s21, $0x38;
	[tilespmem:$0x1BEE0] =	vst v63  }
0x495: {  	_ =	swait.ge [sflag:s22], $0x6400  }
0x496: {  	[sflag:s22] =	ssyncset.done $0x0  }
0x497: {  	[sflag:s22] =	ssyncadd.s32 $0xFFFF9C00  }
0x498: {  	_ =	swait.ge [sflag:s22], $0x3200  }
0x499: {  	[sflag:s22] =	ssyncset.done $0x0  }
0x49a: {  	[sflag:s22] =	ssyncadd.s32 $0xFFFFCE00  }
0x49b: {  	_ =	swait.ge [sflag:s22], $0x3200  }
0x49c: {  	s0 =	sld [smem:$0x7E4]  }
0x49d: {  	[sflag:s22] =	ssyncset.done $0x0  }
0x49e: {  	s29 =	sld [smem:$0x7E5];
	[sflag:s22] =	ssyncadd.s32 $0xFFFFCE00  }
0x49f: {  	[tilespmem:s9], [sflag:$0x1] =	stream.indirect.gather [hbm4b:s7+s8], $0x40, s0, s8, $0xb8;
	[tilespmem:$0x1BEE0] =	vst v63  }
0x4a0: {  	s30 =	sld [smem:$0x7E6]  }
0x4a1: {  	[tilespmem:s10], [sflag:$0x1] =	stream.linear.gather [hbm4b:s29+s2], $0x190, $0x38;
	[tilespmem:$0x1BEE0] =	vst v63  }
0x4a2: {  	_ = 	snop  }
0x4a3: {  	[tilespmem:s11], [sflag:$0x1] =	stream.linear.gather [hbm4b:s30+s2], $0x190, $0x38;
	[tilespmem:$0x1BEE0] =	vst v63  }
0x4a4: {  	_ =	swait.ge [sflag:s23], $0x6400  }
0x4a5: {  	[sflag:s23] =	ssyncset.done $0x0  }
0x4a6: {  	[sflag:s23] =	ssyncadd.s32 $0xFFFF9C00  }
0x4a7: {  	_ =	swait.ge [sflag:s23], $0x190  }
0x4a8: {  	[sflag:s23] =	ssyncset.done $0x0  }
0x4a9: {  	[sflag:s23] =	ssyncadd.s32 $0xFFFFFE70  }
0x4aa: {  	_ =	swait.ge [sflag:s23], $0x190  }
0x4ab: {  	[sflag:s23] =	ssyncset.done $0x0  }
0x4ac: {  	[sflag:s23] =	ssyncadd.s32 $0xFFFFFE70  }
0x4ad: {  	[tilespmem:s24], [sflag:$0x5] =	stream.indirect.gather [spmem:s1], $0x20, s13, s8, $0xb8;
	[tilespmem:$0x1BEE0] =	vst v63  }
0x4ae: {  	_ = 	snop  }
0x4af: {  	[tilespmem:s25], [sflag:$0x5] =	stream.indirect.gather [spmem:s1], $0x20, s14, s8, $0xb8;
	[tilespmem:$0x1BEE0] =	vst v63  }
0x4b0: {  	_ =	swait.ge [sflag:s26], $0x3200  }
0x4b1: {  	[sflag:s26] =	ssyncset.done $0x0  }
0x4b2: {  	[sflag:s26] =	ssyncadd.s32 $0xFFFFCE00  }
0x4b3: {  	_ =	swait.ge [sflag:s26], $0x3200  }
0x4b4: {  	s0 =	sld [smem:$0x7E7]  }
0x4b5: {  	[sflag:s26] =	ssyncset.done $0x0  }
0x4b6: {  	s29 =	sld [smem:$0x7E8];
	[sflag:s26] =	ssyncadd.s32 $0xFFFFCE00  }
0x4b7: {  	[hbm4b:s0+s19] =	stream.strided.scatter [tilespmem:s12], [sflag:$0x6], $0x6400, s20, s19, $0x38;
	[tilespmem:$0x1BEE0] =	vst v63  }
0x4b8: {  	s30 =	sld [smem:$0x7E9]  }
0x4b9: {  	[hbm4b:s29+s21] =	stream.strided.scatter [tilespmem:s24], [sflag:$0x6], $0x3200, s20, s21, $0x38;
	[tilespmem:$0x1BEE0] =	vst v63  }
0x4ba: {  	_ = 	snop  }
0x4bb: {  	[hbm4b:s30+s21] =	stream.strided.scatter [tilespmem:s25], [sflag:$0x6], $0x3200, s20, s21, $0x38;
	[tilespmem:$0x1BEE0] =	vst v63  }
0x4bc: {  	_ =	swait.ge [sflag:s28], $0x6400  }
0x4bd: {  	[sflag:s28] =	ssyncset.done $0x0  }
0x4be: {  	[sflag:s28] =	ssyncadd.s32 $0xFFFF9C00  }
0x4bf: {  	_ =	swait.ge [sflag:s28], $0x3200  }
0x4c0: {  	[sflag:s28] =	ssyncset.done $0x0  }
0x4c1: {  	[sflag:s28] =	ssyncadd.s32 $0xFFFFCE00  }
0x4c2: {  	_ =	swait.ge [sflag:s28], $0x3200  }
0x4c3: {  	s0 =	sld [smem:$0x7EA]  }
0x4c4: {  	[sflag:s28] =	ssyncset.done $0x0  }
0x4c5: {  	s29 =	sld [smem:$0x7EB];
	[sflag:s28] =	ssyncadd.s32 $0xFFFFCE00  }
0x4c6: {  	[tilespmem:s12], [sflag:$0x4] =	stream.indirect.gather [hbm4b:s7+s8], $0x40, s0, s8, $0xb8;
	[tilespmem:$0x1BEE0] =	vst v63  }
0x4c7: {  	s30 =	sld [smem:$0x7EC]  }
0x4c8: {  	[tilespmem:s13], [sflag:$0x4] =	stream.linear.gather [hbm4b:s29+s2], $0x190, $0x38;
	[tilespmem:$0x1BEE0] =	vst v63  }
0x4c9: {  	_ = 	snop  }
0x4ca: {  	[tilespmem:s14], [sflag:$0x4] =	stream.linear.gather [hbm4b:s30+s2], $0x190, $0x38;
	[tilespmem:$0x1BEE0] =	vst v63  }
0x4cb: {  	_ =	swait.ge [sflag:s15], $0x6400  }
0x4cc: {  	[sflag:s15] =	ssyncset.done $0x0  }
0x4cd: {  	[sflag:s15] =	ssyncadd.s32 $0xFFFF9C00  }
0x4ce: {  	_ =	swait.ge [sflag:s15], $0x190  }
0x4cf: {  	[sflag:s15] =	ssyncset.done $0x0  }
0x4d0: {  	[sflag:s15] =	ssyncadd.s32 $0xFFFFFE70  }
0x4d1: {  	_ =	swait.ge [sflag:s15], $0x190  }
0x4d2: {  	[sflag:s15] =	ssyncset.done $0x0  }
0x4d3: {  	[sflag:s15] =	ssyncadd.s32 $0xFFFFFE70  }
0x4d4: {  	[tilespmem:s16], [sflag:$0x2] =	stream.indirect.gather [spmem:s1], $0x20, s10, s8, $0xb8;
	[tilespmem:$0x1BEE0] =	vst v63  }
0x4d5: {  	_ = 	snop  }
0x4d6: {  	[tilespmem:s17], [sflag:$0x2] =	stream.indirect.gather [spmem:s1], $0x20, s11, s8, $0xb8;
	[tilespmem:$0x1BEE0] =	vst v63  }
0x4d7: {  	_ =	swait.ge [sflag:s18], $0x3200  }
0x4d8: {  	[sflag:s18] =	ssyncset.done $0x0  }
0x4d9: {  	[sflag:s18] =	ssyncadd.s32 $0xFFFFCE00  }
0x4da: {  	_ =	swait.ge [sflag:s18], $0x3200  }
0x4db: {  	s0 =	sld [smem:$0x7ED]  }
0x4dc: {  	[sflag:s18] =	ssyncset.done $0x0  }
0x4dd: {  	s29 =	sld [smem:$0x7EE];
	[sflag:s18] =	ssyncadd.s32 $0xFFFFCE00  }
0x4de: {  	[hbm4b:s0+s19] =	stream.strided.scatter [tilespmem:s9], [sflag:$0x3], $0x6400, s20, s19, $0x38;
	[tilespmem:$0x1BEE0] =	vst v63  }
0x4df: {  	s30 =	sld [smem:$0x7EF]  }
0x4e0: {  	[hbm4b:s29+s21] =	stream.strided.scatter [tilespmem:s16], [sflag:$0x3], $0x3200, s20, s21, $0x38;
	[tilespmem:$0x1BEE0] =	vst v63  }
0x4e1: {  	_ = 	snop  }
0x4e2: {  	[hbm4b:s30+s21] =	stream.strided.scatter [tilespmem:s17], [sflag:$0x3], $0x3200, s20, s21, $0x38;
	[tilespmem:$0x1BEE0] =	vst v63  }
0x4e3: {  	_ =	swait.ge [sflag:s22], $0x6400  }
0x4e4: {  	[sflag:s22] =	ssyncset.done $0x0  }
0x4e5: {  	[sflag:s22] =	ssyncadd.s32 $0xFFFF9C00  }
0x4e6: {  	_ =	swait.ge [sflag:s22], $0x3200  }
0x4e7: {  	[sflag:s22] =	ssyncset.done $0x0  }
0x4e8: {  	[sflag:s22] =	ssyncadd.s32 $0xFFFFCE00  }
0x4e9: {  	_ =	swait.ge [sflag:s22], $0x3200  }
0x4ea: {  	[sflag:s22] =	ssyncset.done $0x0  }
0x4eb: {  	s30 =	simm.s32 $0x15E0;
	s0 =	sld [smem:$0x7F0];
	[sflag:s22] =	ssyncadd.s32 $0xFFFFCE00  }
0x4ec: {  	[tilespmem:s9], [sflag:$0x1] =	stream.indirect.gather [hbm4b:s7+s8], $0x40, s30, s8, $0xb8;
	[tilespmem:$0x1BEE0] =	vst v63  }
0x4ed: {  	s29 =	sld [smem:$0x7F1]  }
0x4ee: {  	[tilespmem:s10], [sflag:$0x1] =	stream.linear.gather [hbm4b:s0+s2], $0x190, $0x38;
	[tilespmem:$0x1BEE0] =	vst v63  }
0x4ef: {  	_ = 	snop  }
0x4f0: {  	[tilespmem:s11], [sflag:$0x1] =	stream.linear.gather [hbm4b:s29+s2], $0x190, $0x38;
	[tilespmem:$0x1BEE0] =	vst v63  }
0x4f1: {  	_ =	swait.ge [sflag:s23], $0x6400  }
0x4f2: {  	[sflag:s23] =	ssyncset.done $0x0  }
0x4f3: {  	[sflag:s23] =	ssyncadd.s32 $0xFFFF9C00  }
0x4f4: {  	_ =	swait.ge [sflag:s23], $0x190  }
0x4f5: {  	[sflag:s23] =	ssyncset.done $0x0  }
0x4f6: {  	[sflag:s23] =	ssyncadd.s32 $0xFFFFFE70  }
0x4f7: {  	_ =	swait.ge [sflag:s23], $0x190  }
0x4f8: {  	[sflag:s23] =	ssyncset.done $0x0  }
0x4f9: {  	[sflag:s23] =	ssyncadd.s32 $0xFFFFFE70  }
0x4fa: {  	[tilespmem:s24], [sflag:$0x5] =	stream.indirect.gather [spmem:s1], $0x20, s13, s8, $0xb8;
	[tilespmem:$0x1BEE0] =	vst v63  }
0x4fb: {  	_ = 	snop  }
0x4fc: {  	[tilespmem:s25], [sflag:$0x5] =	stream.indirect.gather [spmem:s1], $0x20, s14, s8, $0xb8;
	[tilespmem:$0x1BEE0] =	vst v63  }
0x4fd: {  	_ =	swait.ge [sflag:s26], $0x3200  }
0x4fe: {  	[sflag:s26] =	ssyncset.done $0x0  }
0x4ff: {  	[sflag:s26] =	ssyncadd.s32 $0xFFFFCE00  }
0x500: {  	_ =	swait.ge [sflag:s26], $0x3200  }
0x501: {  	s0 =	sld [smem:$0x7F2]  }
0x502: {  	[sflag:s26] =	ssyncset.done $0x0  }
0x503: {  	s29 =	sld [smem:$0x7F3];
	[sflag:s26] =	ssyncadd.s32 $0xFFFFCE00  }
0x504: {  	[hbm4b:s0+s19] =	stream.strided.scatter [tilespmem:s12], [sflag:$0x6], $0x6400, s20, s19, $0x38;
	[tilespmem:$0x1BEE0] =	vst v63  }
0x505: {  	s30 =	sld [smem:$0x7F4]  }
0x506: {  	[hbm4b:s29+s21] =	stream.strided.scatter [tilespmem:s24], [sflag:$0x6], $0x3200, s20, s21, $0x38;
	[tilespmem:$0x1BEE0] =	vst v63  }
0x507: {  	_ = 	snop  }
0x508: {  	[hbm4b:s30+s21] =	stream.strided.scatter [tilespmem:s25], [sflag:$0x6], $0x3200, s20, s21, $0x38;
	[tilespmem:$0x1BEE0] =	vst v63  }
0x509: {  	_ =	swait.ge [sflag:s28], $0x6400  }
0x50a: {  	[sflag:s28] =	ssyncset.done $0x0  }
0x50b: {  	[sflag:s28] =	ssyncadd.s32 $0xFFFF9C00  }
0x50c: {  	_ =	swait.ge [sflag:s28], $0x3200  }
0x50d: {  	[sflag:s28] =	ssyncset.done $0x0  }
0x50e: {  	[sflag:s28] =	ssyncadd.s32 $0xFFFFCE00  }
0x50f: {  	_ =	swait.ge [sflag:s28], $0x3200  }
0x510: {  	[sflag:s28] =	ssyncset.done $0x0  }
0x511: {  	s30 =	simm.s32 $0x1770;
	s0 =	sld [smem:$0x7F5];
	[sflag:s28] =	ssyncadd.s32 $0xFFFFCE00  }
0x512: {  	[tilespmem:s12], [sflag:$0x4] =	stream.indirect.gather [hbm4b:s7+s8], $0x40, s30, s8, $0xb8;
	[tilespmem:$0x1BEE0] =	vst v63  }
0x513: {  	s29 =	sld [smem:$0x7F6]  }
0x514: {  	[tilespmem:s13], [sflag:$0x4] =	stream.linear.gather [hbm4b:s0+s2], $0x190, $0x38;
	[tilespmem:$0x1BEE0] =	vst v63  }
0x515: {  	_ = 	snop  }
0x516: {  	[tilespmem:s14], [sflag:$0x4] =	stream.linear.gather [hbm4b:s29+s2], $0x190, $0x38;
	[tilespmem:$0x1BEE0] =	vst v63  }
0x517: {  	_ =	swait.ge [sflag:s15], $0x6400  }
0x518: {  	[sflag:s15] =	ssyncset.done $0x0  }
0x519: {  	[sflag:s15] =	ssyncadd.s32 $0xFFFF9C00  }
0x51a: {  	_ =	swait.ge [sflag:s15], $0x190  }
0x51b: {  	[sflag:s15] =	ssyncset.done $0x0  }
0x51c: {  	[sflag:s15] =	ssyncadd.s32 $0xFFFFFE70  }
0x51d: {  	_ =	swait.ge [sflag:s15], $0x190  }
0x51e: {  	[sflag:s15] =	ssyncset.done $0x0  }
0x51f: {  	[sflag:s15] =	ssyncadd.s32 $0xFFFFFE70  }
0x520: {  	[tilespmem:s16], [sflag:$0x2] =	stream.indirect.gather [spmem:s1], $0x20, s10, s8, $0xb8;
	[tilespmem:$0x1BEE0] =	vst v63  }
0x521: {  	_ = 	snop  }
0x522: {  	[tilespmem:s17], [sflag:$0x2] =	stream.indirect.gather [spmem:s1], $0x20, s11, s8, $0xb8;
	[tilespmem:$0x1BEE0] =	vst v63  }
0x523: {  	_ =	swait.ge [sflag:s18], $0x3200  }
0x524: {  	[sflag:s18] =	ssyncset.done $0x0  }
0x525: {  	[sflag:s18] =	ssyncadd.s32 $0xFFFFCE00  }
0x526: {  	_ =	swait.ge [sflag:s18], $0x3200  }
0x527: {  	s0 =	sld [smem:$0x7F7]  }
0x528: {  	[sflag:s18] =	ssyncset.done $0x0  }
0x529: {  	s29 =	sld [smem:$0x7F8];
	[sflag:s18] =	ssyncadd.s32 $0xFFFFCE00  }
0x52a: {  	[hbm4b:s0+s19] =	stream.strided.scatter [tilespmem:s9], [sflag:$0x3], $0x6400, s20, s19, $0x38;
	[tilespmem:$0x1BEE0] =	vst v63  }
0x52b: {  	s30 =	sld [smem:$0x7F9]  }
0x52c: {  	[hbm4b:s29+s21] =	stream.strided.scatter [tilespmem:s16], [sflag:$0x3], $0x3200, s20, s21, $0x38;
	[tilespmem:$0x1BEE0] =	vst v63  }
0x52d: {  	_ = 	snop  }
0x52e: {  	[hbm4b:s30+s21] =	stream.strided.scatter [tilespmem:s17], [sflag:$0x3], $0x3200, s20, s21, $0x38;
	[tilespmem:$0x1BEE0] =	vst v63  }
0x52f: {  	_ =	swait.ge [sflag:s23], $0x6400  }
0x530: {  	[sflag:s23] =	ssyncset.done $0x0  }
0x531: {  	[sflag:s23] =	ssyncadd.s32 $0xFFFF9C00  }
0x532: {  	_ =	swait.ge [sflag:s23], $0x190  }
0x533: {  	[sflag:s23] =	ssyncset.done $0x0  }
0x534: {  	[sflag:s23] =	ssyncadd.s32 $0xFFFFFE70  }
0x535: {  	_ =	swait.ge [sflag:s23], $0x190  }
0x536: {  	[sflag:s23] =	ssyncset.done $0x0  }
0x537: {  	[sflag:s23] =	ssyncadd.s32 $0xFFFFFE70  }
0x538: {  	[tilespmem:s24], [sflag:$0x5] =	stream.indirect.gather [spmem:s1], $0x20, s13, s8, $0xb8;
	[tilespmem:$0x1BEE0] =	vst v63  }
0x539: {  	_ = 	snop  }
0x53a: {  	[tilespmem:s25], [sflag:$0x5] =	stream.indirect.gather [spmem:s1], $0x20, s14, s8, $0xb8;
	[tilespmem:$0x1BEE0] =	vst v63  }
0x53b: {  	_ =	swait.ge [sflag:s26], $0x3200  }
0x53c: {  	[sflag:s26] =	ssyncset.done $0x0  }
0x53d: {  	[sflag:s26] =	ssyncadd.s32 $0xFFFFCE00  }
0x53e: {  	_ =	swait.ge [sflag:s26], $0x3200  }
0x53f: {  	s0 =	sld [smem:$0x7FA]  }
0x540: {  	[sflag:s26] =	ssyncset.done $0x0  }
0x541: {  	s29 =	sld [smem:$0x7FB];
	[sflag:s26] =	ssyncadd.s32 $0xFFFFCE00  }
0x542: {  	[hbm4b:s0+s19] =	stream.strided.scatter [tilespmem:s12], [sflag:$0x6], $0x6400, s20, s19, $0x38;
	[tilespmem:$0x1BEE0] =	vst v63  }
0x543: {  	s30 =	sld [smem:$0x7FC]  }
0x544: {  	[hbm4b:s29+s21] =	stream.strided.scatter [tilespmem:s24], [sflag:$0x6], $0x3200, s20, s21, $0x38;
	[tilespmem:$0x1BEE0] =	vst v63  }
0x545: {  	_ = 	snop  }
0x546: {  	[hbm4b:s30+s21] =	stream.strided.scatter [tilespmem:s25], [sflag:$0x6], $0x3200, s20, s21, $0x38;
	[tilespmem:$0x1BEE0] =	vst v63  }
0x547: {  	_ =	swait.ge [sflag:s22], $0x6400  }
0x548: {  	[sflag:s22] =	ssyncset.done $0x0  }
0x549: {  	[sflag:s22] =	ssyncadd.s32 $0xFFFF9C00  }
0x54a: {  	_ =	swait.ge [sflag:s22], $0x3200  }
0x54b: {  	[sflag:s22] =	ssyncset.done $0x0  }
0x54c: {  	[sflag:s22] =	ssyncadd.s32 $0xFFFFCE00  }
0x54d: {  	_ =	swait.ge [sflag:s22], $0x3200  }
0x54e: {  	[sflag:s22] =	ssyncset.done $0x0  }
0x54f: {  	s31 =	sadd.s32 $0xFFFFFFFF, s31;
	[sflag:s22] =	ssyncadd.s32 $0xFFFFCE00  }
0x550: {  	p1 =	sne.s32 s31, $0x0;
	_ =	swait.ge [sflag:s28], $0x6400  }
.Ltmp1:
0x551: {  	[sflag:s28] =	ssyncset.done $0x0;
	(pc) =	sbr.rel @p1 .LBB2_1-.Ltmp1, $4  }
0x552: {  	[sflag:s28] =	ssyncadd.s32 $0xFFFF9C00  }
0x553: {  	_ =	swait.ge [sflag:s28], $0x3200  }
0x554: {  	[sflag:s28] =	ssyncset.done $0x0  }
0x555: {  	[sflag:s28] =	ssyncadd.s32 $0xFFFFCE00  }
.LBB2_2:
0x556: {  	_ =	swait.ge [sflag:s28], $0x3200  }
0x557: {  	[sflag:s28] =	ssyncset.done $0x0  }
0x558: {  	[sflag:s28] =	ssyncadd.s32 $0xFFFFCE00  }
0x559: {  	_ =	sfence.sel $0x180000  }
0x55a: {  	[bflag:$0x0] =	sbarrier.arrive $0xFFFF  }
0x55b: {  	_ =	strace $0x90000047  }
0x55c: {  	[bflag:$0x2] =	sbarrier.arrive $0xFFFF  }
0x55d: {  	s0 =	rddreg [dreg:$0x3]  }
0x55e: {  	s0 =	sadd.s32 @!p0 $0x100000, s0  }
0x55f: {  	[sflag:s0] =	ssyncadd.tile.s32 @!p0 $0x1;
	_ =	shalt  }
.Lfunc_end2:
_tile_overlayer_lowered:
.L_overlay_start_2:
0x560: {  	(tag) =	ssettag $0x2  }
0x561: {  	s0 =	rddreg [dreg:$0x0];
	s2 =	stileid.u32  }
0x562: {  	s1 =	rddreg [dreg:$0x1];
	p0 =	sne.s32 s2, $0x0  }
0x563: {  	s3 =	rddreg [dreg:$0x2];
	[bflag:$0x3] =	sbarrier.arrive $0xFFFF;
	s2 =	simm.s32 @!p0 $0x1C07  }
0x564: {  	[timem:s3], [sflag:s2] =	dma.local @!p0 [hbm:s0], s1  }
0x565: {  	s0 =	simm.s32 @!p0 $0x7  }
0x566: {  	_ =	swait.ge @!p0 [sflag:s0], s1  }
0x567: {  	s1 =	ssub.s32 @!p0 $0x0, s1;
	[sflag:s0] =	ssyncset.done @!p0 $0x0  }
0x568: {  	[sflag:s0] =	ssyncadd.s32 @!p0 s1  }
0x569: {  	[bflag:$0x3] =	sbarrier.arrive $0xFFFF  }
0x56a: {  	_ =	shalt  }

// kernel: sparse-core-data-format-call.cloned.1.call-start
scs
called_computation_lowered:
.L_overlay_start_0:
0x0: {  	s2 =	sld [smem:$0x3FD9]  }
0x1: {  	s3 =	sld [smem:$0x3FFE];
	_ =	sdelay $0x1  }
0x2: {  	s1 =	srdreg.scid  }
0x3: {  	s0 =	sand.u32 $0x1, s1  }
0x4: {  	s18 =	sshll.u32 s0, $0xA;
	s2 =	sadd.s32 s3, s2  }
0x5: {  	s2 =	sadd.s32 s2, s18  }
0x6: {  	[smem:$0x3FC2] =	sst s2  }
0x7: {  	_ = 	snop  }
0x8: {  	s2 =	sld [smem:$0x3FD0];
	(tm) =	ssettm $0x1  }
0x9: {  	s19 =	sld [smem:$0x3FFB];
	_ =	sdelay $0x3  }
0xa: {  	_ =	strace s19  }
0xb: {  	s3 =	sld [smem:$0x3FFC];
	_ =	sdelay $0x3  }
0xc: {  	_ =	strace s3  }
0xd: {  	s3 =	sld [smem:$0x3FFD];
	_ =	sdelay $0x3  }
0xe: {  	_ =	strace s3  }
0xf: {  	_ =	strace $0x8FFFFFFF  }
0x10: {  	s20 =	sld [smem:$0x3FDB];
	_ =	sdelay $0x1  }
0x11: {  	s4 =	simm.s32 $_scs_section_size  }
0x12: {  	s5 =	simm.s32 $_size__tile_overlayer_lowered;
	s6 =	simm.s32 $_tile_overlayer_lowered  }
0x13: {  	s23 =	simm.s32 $0x1BFF;
	s22 =	sshll.u32 s6, $0x1;
	s3 =	sadd.s32 s4, s20  }
0x14: {  	s7 =	simm.s32 $0x0;
	s21 =	sshll.u32 s5, $0x1;
	s5 =	sadd.s32 s22, s3  }
0x15: {  	[timem:s7], [sflag:s23] =	dma.local [hbm:s5], s21  }
0x16: {  	_ =	swait.ge [sflag:s23], s21  }
0x17: {  	s4 =	ssub.s32 $0x0, s21;
	[sflag:s23] =	ssyncset.done $0x0  }
0x18: {  	[sflag:s23] =	ssyncadd.s32 s4;
	_ =	sdelay $0x1  }
0x19: {  	s24 =	simm.s32 $0x1B8B  }
0x1a: {  	_ =	swait.ge [sflag:s24], $0x1  }
0x1b: {  	[sflag:s24] =	ssyncset.done $0x0  }
0x1c: {  	s26 =	simm.s32 $0x1B8E;
	s25 =	sld [smem:$0x3FFE];
	[sflag:s24] =	ssyncadd.s32 $0xFFFFFFFF  }
0x1d: {  	s27 =	simm.s32 $execute0_lowered;
	[smem:$0x3FD2] =	sst s26  }
0x1e: {  	s5 =	sshll.u32 s27, $0x1;
	_ =	strace $0x80000049;
	[dreg:$0x1] =	wrdreg $0xFFFFFFFF  }
0x1f: {  	s28 =	simm.s32 $_size_execute0_lowered;
	s3 =	sadd.s32 s3, s5;
	[dreg:$0x0] =	wrdreg $0x0  }
0x20: {  	s5 =	sshll.u32 s28, $0x1;
	[dreg:$0x2] =	wrdreg s3  }
0x21: {  	[dreg:$0x3] =	wrdreg s5  }
0x22: {  	[dreg:$0x4] =	wrdreg $0xC0  }
0x23: {  	_ =	task [dreg:s7], $0x5FFFF  }
0x24: {  	[dreg:$0x1] =	wrdreg $0xFFFFFFFF  }
0x25: {  	[dreg:$0x0] =	wrdreg $0x60  }
0x26: {  	[dreg:$0x2] =	wrdreg s25  }
0x27: {  	[dreg:$0x3] =	wrdreg s2  }
0x28: {  	[dreg:$0x4] =	wrdreg $0x9  }
0x29: {  	_ =	task.clear_ibuf [dreg:s7], $0x5FFFF;
	_ =	strace $0x90000049  }
0x2a: {  	s29 =	simm.s32 $0x9;
	_ =	strace $0x8000004B  }
0x2b: {  	_ =	swait.ge [sflag:s29], $0x1  }
0x2c: {  	[sflag:s29] =	ssyncadd.s32 $0xFFFFFFFF  }
0x2d: {  	_ =	strace $0x9000004B  }
0x2e: {  	_ =	sfence  }
0x2f: {  	s30 =	sld [smem:$0x0];
	_ =	sdelay $0x2  }
0x30: {  	s31 =	sshll.u32 s1, $0xD;
	s1 =	sshrl.u32 s1, $0x2  }
0x31: {  	s3 =	sand.u32 $0x4000, s31;
	s1 =	sadd.s32 s1, s30  }
0x32: {  	s0 =	sor.u32 s3, s0;
	s1 =	sshll.u32 s1, $0x11  }
0x33: {  	s0 =	sor.u32 s1, s0  }
0x34: {  	s0 =	sadd.s32 $0x8F2B, s0  }
0x35: {  	[sflag:s0] =	ssyncadd.remote.s32 $0x1  }
0x36: {  	_ =	sfence.sel $0xFFFF  }
0x37: {  	[dreg:$0x0] =	wrdreg $0xFFFFFFFF;
	(pc) =	sbr.abs _section_cstart, $3  }
0x38: {  	[dreg:$0x1] =	wrdreg $0xFFFFFFFF  }
0x39: {  	_ =	task.clear_ibuf [dreg:s7], $0x2FFFF;
	_ =	strace $0x9FFFFFFF  }
0x3a: {  	(tm) =	ssettm $0x7FFFFFFF  }
0x3b: {  	_ =	shalt  }
tec
execute0_lowered:
.L_overlay_start_1:
0x0: {  	(tag) =	ssettag $0x1  }
0x1: {  	s0 =	srdreg.scid  }
0x2: {  	s1 =	sshll.u32 s0, $0x4  }
0x3: {  	s0 =	stileid.u32;
	s1 =	sand.u32 $0x10, s1  }
0x4: {  	s1 =	sor.u32 s0, s1  }
0x5: {  	s6 =	rddreg [dreg:$0x0];
	s4 =	simm.s32 $0x1;
	s2 =	sshll.u32 s1, $0x6  }
0x6: {  	s7 =	simm.s32 $0x2;
	s13 =	simm.s32 $0x0;
	s1 =	ssub.s32 $0x1000, s2  }
0x7: {  	s8 =	simm.s32 $0x2000;
	s9 =	simm.s32 $0x80000;
	s3 =	sand.u32 $0x7C0, s1  }
0x8: {  	s14 =	simm.s32 $0x0;
	s5 =	sshrl.u32 s1, $0xB;
	p0 =	sne.s32 s3, $0x0  }
.Ltmp0:
0x9: {  	s1 =	rddreg [dreg:$0x2];
	s4 =	simm.s32 @!p0 $0x0;
	(pc) =	sbr.rel .LBB1_1-.Ltmp0, $4  }
0xa: {  	s10 =	simm.s32 $0x0;
	s3 =	rddreg [dreg:$0x1];
	s5 =	sadd.s32 s4, s5  }
0xb: {  	_ =	strace $0x8000004A;
	s4 =	simm.s32 $0x1;
	s5 =	smul.u32 $0x19, s5  }
0xc: {  	s12 =	simm.s32 $0x0;
	s6 =	sadd.s32 $0x800, s6;
	[sflag:s4] =	ssyncpa.u1 $0x0  }
0xd: {  	s11 =	smov.u32 s2;
	[sflag:s7] =	ssyncpa.u1 $0x0;
	s7 =	sadd.s32 $0x1, s5  }
.LBB1_7:
0xe: {  	s15 =	sadd.s32 $0x2, s10  }
0xf: {  	s13 =	sadd.s32 $0x800, s11;
	s17 =	smov.u32 s11;
	p1 =	sgt.s32 s15, $0x31  }
0x10: {  	s17 =	smov.u32 @p1 s13  }
0x11: {  	s15 =	simm.s32 @p1 $0x0;
	p1 =	sgt.s32 s17, $0xFFF  }
0x12: {  	s17 =	smov.u32 @p1 s2;
	p1 =	sne.s32 s12, s7  }
.Ltmp1:
0x13: {  	p0 =	slt.u32 s12, $0x2;
	(pc) =	sbr.rel @!p1 .LBB1_8-.Ltmp1, $4  }
0x14: {  	s16 =	simm.s32 @!p0 $0x2  }
0x15: {  	s14 =	smov.u32 s11;
	_ =	swait.ge @!p0 [sflag:s16], $0x4000  }
0x16: {  	s13 =	smov.u32 s10;
	[sflag:s16] =	ssyncset.done @!p0 $0x0;
	s10 =	smov.u32 s15  }
0x17: {  	s12 =	sadd.s32 $0x1, s12;
	[sflag:s16] =	ssyncadd.s32 @!p0 $0xFFFFC000;
	s11 =	smov.u32 s17  }
.LBB1_1:
0x18: {  	p0 =	sge.u32 s12, s5  }
0x19: {  	s15 =	sand.u32 @!p0 $0x1FFFFFF, s10  }
0x1a: {  	s16 =	smulhi.u32 @!p0 $0x4924925, s15;
	_ =	sdelay $0x1  }
0x1b: {  	s16 =	smul.u32 @!p0 $0x38, s16  }
0x1c: {  	s17 =	sxor.u32 @!p0 $0xFFFFFFFF, s12;
	s18 =	smul.u32 @!p0 $0x380, s11  }
0x1d: {  	s31 =	sadd.s32 $0xFFFFFFFF, s12;
	s17 =	sshll.u32 @!p0 s17, $0xE;
	s15 =	ssub.s32 @!p0 s15, s16  }
0x1e: {  	s16 =	sand.u32 @!p0 $0x4000, s17;
	s17 =	sadd.s32 @!p0 s6, s18;
	s15 =	sshll.u32 @!p0 s15, $0x4  }
0x1f: {  	s18 =	simm.s32 @!p0 $0x1C00;
	s15 =	sadd.s32 @!p0 s15, s17;
	s17 =	simm.s32 @!p0 $0x100  }
0x20: {  	[tilespmem:s16], [sflag:$0x1] =	stream.strided.gather @!p0 [hbm4b:s15+s17], $0x4000, s18, s17, $0x38;
	[tilespmem:$0x10000] =	vst v63  }
0x21: {  	p0 =	sge.u32 s31, s5  }
.Ltmp2:
0x22: {  	_ = 	snop;
	(pc) =	sbr.rel @p0 .LBB1_7-.Ltmp2, $1  }
0x23: {  	_ =	sdelay $0x3  }
0x24: {  	_ =	swait.ge [sflag:s4], $0x4000;
	s15 =	sshll.u32 s12, $0xE  }
0x25: {  	[sflag:s4] =	ssyncset.done $0x0;
	s16 =	sand.u32 $0x4000, s15  }
0x26: {  	s17 =	simm.s32 $0x0;
	[sflag:s4] =	ssyncadd.s32 $0xFFFFC000;
	s15 =	sor.u32 $0x8000, s16  }
.LBB1_3:
0x27: {  	s18 =	sshll.u32 s17, $0x8  }
0x28: {  	s18 =	sand.u32 $0x3FFFFF00, s18  }
0x29: {  	s19 =	sshll.u32 s17, $0x7;
	s18 =	sadd.s32 s18, s16  }
0x2a: {  	s19 =	sand.u32 $0x3FFFFF80, s19;
	v0 =	vmov s18  }
0x2b: {  	s19 =	sadd.s32 s19, s15  }
0x2c: {  	p0 =	por $0x1, $0x1;
	v1 =	vmov s19;
	s18 =	simm.s32 $0x0  }
.LBB1_4:
0x2d: {  	s19 =	sshll.u32 s18, $0x7  }
0x2e: {  	s19 =	sand.u32 $0x3FFFFF80, s19  }
0x2f: {  	v2 =	vld.idx.msk [tilespmem:v0+s19+$0x0 ss:$0x1], $0xffff  }
0x30: {  	v3 =	vld.idx.msk [tilespmem:v0+s19+$0x10 ss:$0x1], $0xffff  }
0x31: {  	v4 =	vld.idx.msk [tilespmem:v0+s19+$0x20 ss:$0x1], $0xffff  }
0x32: {  	s31 =	sshll.u32 s18, $0xD;
	v5 =	vld.idx.msk [tilespmem:v0+s19+$0x30 ss:$0x1], $0xffff  }
0x33: {  	s18 =	sand.u32 $0x3FFFE000, s31;
	v6 =	vld.idx.msk [tilespmem:v0+s19+$0x40 ss:$0x1], $0xffff  }
0x34: {  	v63 =	vld.idx.msk [tilespmem:v0+s19+$0x70 ss:$0x1], $0xffff;
	[tilespmem:v1+s18+$0x0 ss:$0x1] =	vst.idx.msk $0xffff, v2  }
0x35: {  	v2 =	vld.idx.msk [tilespmem:v0+s19+$0x50 ss:$0x1], $0xffff;
	[tilespmem:v1+s18+$0x10 ss:$0x1] =	vst.idx.msk $0xffff, v3  }
0x36: {  	p1 =	por p0, p0;
	v3 =	vld.idx.msk [tilespmem:v0+s19+$0x60 ss:$0x1], $0xffff;
	[tilespmem:v1+s18+$0x20 ss:$0x1] =	vst.idx.msk $0xffff, v4  }
.Ltmp3:
0x37: {  	[tilespmem:v1+s18+$0x30 ss:$0x1] =	vst.idx.msk $0xffff, v5;
	(pc) =	sbr.rel @p1 .LBB1_4-.Ltmp3, $4  }
0x38: {  	[tilespmem:v1+s18+$0x40 ss:$0x1] =	vst.idx.msk $0xffff, v6  }
0x39: {  	[tilespmem:v1+s18+$0x70 ss:$0x1] =	vst.idx.msk $0xffff, v63  }
0x3a: {  	[tilespmem:v1+s18+$0x50 ss:$0x1] =	vst.idx.msk $0xffff, v2  }
0x3b: {  	p0 =	por $0x0, $0x0;
	[tilespmem:v1+s18+$0x60 ss:$0x1] =	vst.idx.msk $0xffff, v3;
	s18 =	simm.s32 $0x1  }
0x3c: {  	s17 =	sadd.s32 $0x1, s17  }
0x3d: {  	p0 =	sne.s32 s17, $0x40  }
.Ltmp4:
0x3e: {  	_ = 	snop;
	(pc) =	sbr.rel @p0 .LBB1_3-.Ltmp4, $1  }
0x3f: {  	_ =	sdelay $0x3  }
.Ltmp5:
0x40: {  	s14 =	sshll.u32 s14, $0x4;
	(pc) =	sbr.rel .LBB1_7-.Ltmp5, $4  }
0x41: {  	s14 =	sand.u32 $0xFFF0, s14  }
0x42: {  	s13 =	sshll.u32 s13, $0x10;
	s14 =	sadd.s32 s3, s14  }
0x43: {  	s13 =	sadd.s32 s13, s14  }
0x44: {  	[hbm4b:s13+s8] =	stream.strided.scatter [tilespmem:s15], [sflag:$0x2], $0x4000, s9, s8, $0x38;
	[tilespmem:$0x10000] =	vst v63  }
.LBB1_8:
0x45: {  	_ =	sfence.sel $0x180000  }
0x46: {  	s2 =	simm.s32 $0x1;
	[bflag:$0x0] =	sbarrier.arrive $0xFFFF  }
0x47: {  	s31 =	simm.s32 $0x2;
	[sflag:s2] =	ssyncpa.u1 $0x1  }
0x48: {  	[sflag:s31] =	ssyncpa.u1 $0x1  }
0x49: {  	p0 =	sne.s32 s0, $0x0;
	_ =	strace $0x9000004A  }
0x4a: {  	s0 =	sadd.s32 @!p0 $0x100000, s1;
	[bflag:$0x2] =	sbarrier.arrive $0xFFFF  }
0x4b: {  	[sflag:s0] =	ssyncadd.tile.s32 @!p0 $0x1;
	_ =	shalt  }
.Lfunc_end1:
_tile_overlayer_lowered:
.L_overlay_start_2:
0x4c: {  	(tag) =	ssettag $0x2  }
0x4d: {  	s0 =	rddreg [dreg:$0x0];
	s2 =	stileid.u32  }
0x4e: {  	s1 =	rddreg [dreg:$0x1];
	p0 =	sne.s32 s2, $0x0  }
0x4f: {  	s3 =	rddreg [dreg:$0x2];
	[bflag:$0x3] =	sbarrier.arrive $0xFFFF;
	s2 =	simm.s32 @!p0 $0x1C01  }
0x50: {  	[timem:s3], [sflag:s2] =	dma.local @!p0 [hbm:s0], s1  }
0x51: {  	s0 =	simm.s32 @!p0 $0x1  }
0x52: {  	_ =	swait.ge @!p0 [sflag:s0], s1  }
0x53: {  	s1 =	ssub.s32 @!p0 $0x0, s1;
	[sflag:s0] =	ssyncset.done @!p0 $0x0  }
0x54: {  	[sflag:s0] =	ssyncadd.s32 @!p0 s1  }
0x55: {  	[bflag:$0x3] =	sbarrier.arrive $0xFFFF  }
0x56: {  	_ =	shalt  }

</sc_bundles>
